<compile_context>
chip_gen: v7x
topology: tpu7x:2x2x1
jax: 0.10.2.dev20260603
libtpu: 0.0.44.dev20260713+nightly
codegen_flags: <defaults>
</compile_context>

<pallas_src>
import functools

import jax
import jax.numpy as jnp
from jax import lax
from jax.experimental import pallas as pl
from jax.experimental.pallas import tpu as pltpu
from jax.experimental.pallas import tpu_sc as plsc

N_OUT = 10000
NC, NS = 2, 16
NW = NC * NS
CH = 128
N_ACC = 10240
ROWS_PER_TILE = N_ACC // NS
ZR = 64
NBUF = 4
DIST = 2
GR = 2


def _sc_mesh():
    return plsc.VectorSubcoreMesh(
        core_axis_name="c", subcore_axis_name="s", num_cores=NC, num_subcores=NS
    )


def _make_gather(n_rows, trips):

    @functools.partial(
        pl.kernel,
        mesh=_sc_mesh(),
        out_type=jax.ShapeDtypeStruct((n_rows, 128), jnp.float32),
        scratch_types=[
            pltpu.VMEM((trips, CH), jnp.int32),
            pltpu.VMEM((NBUF, CH, 128), jnp.float32),
        ]
        + [pltpu.SemaphoreType.DMA] * (2 * NBUF),
    )
    def gather_k(x_hbm, idx_hbm, g_hbm, idx_all, rows_b, *sems):
        sem_g, sem_w = sems[:NBUF], sems[NBUF:]
        wid = lax.axis_index("s") * NC + lax.axis_index("c")
        base_chunk = wid * trips
        pltpu.sync_copy(idx_hbm.at[wid], idx_all)

        def issue_gather(f, slot):
            pltpu.async_copy(x_hbm.at[idx_all.at[f]], rows_b.at[slot], sem_g[slot])

        for f in range(DIST):
            issue_gather(f, f % NBUF)

        t4 = trips - trips % NBUF

        def group(g, carry):
            for b in range(NBUF):
                j = g * NBUF + b
                s = b
                sf = (b + DIST) % NBUF
                pltpu.make_async_copy(
                    x_hbm.at[idx_all.at[j]], rows_b.at[s], sem_g[s]
                ).wait()
                pltpu.async_copy(
                    rows_b.at[s],
                    g_hbm.at[pl.ds((base_chunk + j) * CH, CH)],
                    sem_w[s],
                )

                @pl.when(j >= DIST)
                def _():
                    pltpu.make_async_copy(
                        rows_b.at[sf],
                        g_hbm.at[pl.ds((base_chunk + j) * CH, CH)],
                        sem_w[sf],
                    ).wait()

                @pl.when(j + DIST < t4)
                def _():
                    issue_gather(j + DIST, sf)

            return carry

        lax.fori_loop(0, t4 // NBUF, group, 0)
        for cc in range(t4 - DIST, t4):
            s = cc % NBUF
            pltpu.make_async_copy(
                rows_b.at[s], g_hbm.at[pl.ds(base_chunk * CH, CH)], sem_w[s]
            ).wait()
        for cc in range(t4, trips):
            pltpu.async_copy(
                x_hbm.at[idx_all.at[cc]], rows_b.at[0], sem_g[0]
            ).wait()
            pltpu.sync_copy(
                rows_b.at[0], g_hbm.at[pl.ds((base_chunk + cc) * CH, CH)]
            )

    return gather_k


def _make_scatter(n_rows, trips):

    @functools.partial(
        pl.kernel,
        mesh=_sc_mesh(),
        out_type=jax.ShapeDtypeStruct((NC, N_ACC, 128), jnp.float32),
        scratch_types=[
            pltpu.VMEM((trips, CH), jnp.int32),
            pltpu.VMEM((GR * CH, 128), jnp.float32),
            pltpu.VMEM((ZR, 128), jnp.float32),
            pltpu.VMEM_SHARED((N_ACC, 128), jnp.float32),
            pltpu.SemaphoreType.DMA,
        ],
    )
    def scatter_k(h_hbm, oidx_hbm, part_hbm, idx_all, buf_a, z_v, acc_sh, sem_a):
        c = lax.axis_index("c")
        s_ax = lax.axis_index("s")
        wid = s_ax * NC + c
        base_chunk = wid * trips

        z16 = jnp.zeros((16,), jnp.float32)

        def zrow(i, carry):
            def zcol(jj, carry2):
                z_v[i, pl.ds(jj * 16, 16)] = z16
                return carry2

            return lax.fori_loop(0, 8, zcol, carry)

        lax.fori_loop(0, ZR, zrow, 0)

        def zcopy(t, carry):
            pltpu.sync_copy(z_v, acc_sh.at[pl.ds(s_ax * ROWS_PER_TILE + t * ZR, ZR)])
            return carry

        lax.fori_loop(0, ROWS_PER_TILE // ZR, zcopy, 0)
        pltpu.sync_copy(oidx_hbm.at[wid], idx_all)
        plsc.subcore_barrier()

        def body(t, carry):
            pltpu.sync_copy(
                h_hbm.at[pl.ds((base_chunk + t * GR) * CH, GR * CH)], buf_a
            )

            def add_one(k, carry2):
                pltpu.sync_copy(
                    buf_a.at[pl.ds(k * CH, CH)],
                    acc_sh.at[idx_all.at[t * GR + k]],
                    add=True,
                )
                return carry2

            lax.fori_loop(0, GR, add_one, 0)
            return carry

        lax.fori_loop(0, trips // GR, body, 0)

        plsc.subcore_barrier()
        pltpu.sync_copy(
            acc_sh.at[pl.ds(s_ax * ROWS_PER_TILE, ROWS_PER_TILE)],
            part_hbm.at[c, pl.ds(s_ax * ROWS_PER_TILE, ROWS_PER_TILE)],
        )

    return scatter_k


def _mm_body(g_ref, w_ref, h_ref):
    h_ref[...] = jnp.dot(
        g_ref[...].astype(jnp.bfloat16),
        w_ref[0],
        preferred_element_type=jnp.float32,
    )


def _matmul(g, w, nb, pb_pad, n_rows):
    rb = 2976
    rpb = pb_pad // rb
    return pl.pallas_call(
        _mm_body,
        grid=(nb, rpb),
        in_specs=[
            pl.BlockSpec((rb, 128), lambda b, r: (b * rpb + r, 0)),
            pl.BlockSpec((1, 128, 128), lambda b, r: (b, 0, 0)),
        ],
        out_specs=pl.BlockSpec((rb, 128), lambda b, r: (b * rpb + r, 0)),
        out_shape=jax.ShapeDtypeStruct((n_rows, 128), jnp.float32),
    )(g, w)


def _fin1_body(p_ref, b_ref, o_ref):
    o_ref[...] = p_ref[0] + p_ref[1] + b_ref[...]


def _fin2_body(acc_ref, p_ref, o_ref):
    o_ref[...] = acc_ref[...] + p_ref[0] + p_ref[1]


def _finalize1(parts_a, bias):
    rb = 2000
    return pl.pallas_call(
        _fin1_body,
        grid=(N_OUT // rb,),
        in_specs=[
            pl.BlockSpec((2, rb, 128), lambda r: (0, r, 0)),
            pl.BlockSpec((1, 128), lambda r: (0, 0)),
        ],
        out_specs=pl.BlockSpec((rb, 128), lambda r: (r, 0)),
        out_shape=jax.ShapeDtypeStruct((N_OUT, 128), jnp.float32),
    )(parts_a, bias)


def _finalize2(acc, parts_b):
    rb = 2000
    return pl.pallas_call(
        _fin2_body,
        grid=(N_OUT // rb,),
        in_specs=[
            pl.BlockSpec((rb, 128), lambda r: (r, 0)),
            pl.BlockSpec((2, rb, 128), lambda r: (0, r, 0)),
        ],
        out_specs=pl.BlockSpec((rb, 128), lambda r: (r, 0)),
        out_shape=jax.ShapeDtypeStruct((N_OUT, 128), jnp.float32),
        input_output_aliases={0: 0},
    )(acc, parts_b)


def _pad_half(col, nb_h, pad, tail, n_mm_rows, trips, fill):
    body = jnp.concatenate(
        [col, jnp.broadcast_to(fill[:pad], (nb_h, pad))], axis=1
    ).reshape(n_mm_rows)
    return jnp.concatenate([body, fill[:tail]]).reshape(NW, trips, CH)


def kernel(x_data, k_weights, bias, rules_count, rules, out_len):
    kv = k_weights.shape[0]
    per_bin = rules.shape[0] // kv
    nb = kv - 1
    nb_h = nb // 2
    pb_pad = -(-per_bin // CH) * CH
    n_mm_rows = nb_h * pb_pad
    n_chunks = -(-(n_mm_rows // CH) // (NW * GR)) * (NW * GR)
    n_rows = n_chunks * CH
    trips = n_chunks // NW
    pad = pb_pad - per_bin
    tail = n_rows - n_mm_rows

    in_col = rules[per_bin:, 1].reshape(nb, per_bin)
    out_col = rules[per_bin:, 2].reshape(nb, per_bin)
    n_in = x_data.shape[0]
    n_fill = max(pad, tail)
    in_fill = (jnp.arange(n_fill, dtype=jnp.int32) * 8) % n_in
    out_fill = N_OUT + (jnp.arange(n_fill, dtype=jnp.int32) * 8) % (
        N_ACC - N_OUT
    )
    w_bf = k_weights.astype(jnp.bfloat16)
    gather_k = _make_gather(n_rows, trips)
    scatter_k = _make_scatter(n_rows, trips)

    halves = []
    for h_i in range(2):
        cols = slice(h_i * nb_h, (h_i + 1) * nb_h)
        halves.append(
            (
                _pad_half(
                    in_col[cols], nb_h, pad, tail, n_mm_rows, trips, in_fill
                ),
                _pad_half(
                    out_col[cols], nb_h, pad, tail, n_mm_rows, trips, out_fill
                ),
                w_bf[1 + h_i * nb_h : 1 + (h_i + 1) * nb_h],
            )
        )

    g_a = gather_k(x_data, halves[0][0])
    h_a = _matmul(g_a, halves[0][2], nb_h, pb_pad, n_rows)
    g_b = gather_k(x_data, halves[1][0])
    parts_a = scatter_k(h_a, halves[0][1])
    h_b = _matmul(g_b, halves[1][2], nb_h, pb_pad, n_rows)
    parts_b = scatter_k(h_b, halves[1][1])
    acc = _finalize1(parts_a, bias)
    return _finalize2(acc, parts_b)

# --- scband reference (transcript-rebuilt; emitter-appended) ---
"""Pipeline reference for scband-sparse-conv3d-in-place-88373247082541 (READ-ONLY COPY).

The authoritative reference and input builder live on the scoring server;
editing this copy changes nothing except your own understanding.
"""

import jax, jax.numpy as jnp
import numpy as np

KV = 27            # kernel_size**3 = 3**3
IN_F = 128
OUT_F = 128
N_IN = 10000
N_OUT = 10000
PER_BIN = 11851    # ~320000 total rules / 27 bins
TOTAL_RULES = KV * PER_BIN


def setup_inputs(seed: int = 0) -> dict:
    key = jax.random.key(seed)
    ks = jax.random.split(key, 4)
    x_data = jax.random.normal(ks[0], (N_IN, IN_F), dtype=jnp.float32)
    # kaiming_normal_ fan_out, relu: std = sqrt(2 / fan_out)
    k_weights = jax.random.normal(ks[1], (KV, IN_F, OUT_F), dtype=jnp.float32) * np.sqrt(2.0 / OUT_F)
    bias = jnp.zeros((1, OUT_F), dtype=jnp.float32)
    rules_count = jnp.full((KV,), PER_BIN, dtype=jnp.int32)
    # rules layout: consecutive bins; columns = [k_ind, in_ind, out_ind]
    k_col = jnp.repeat(jnp.arange(KV, dtype=jnp.int32), PER_BIN)
    in_col = jax.random.randint(ks[2], (TOTAL_RULES,), 0, N_IN, dtype=jnp.int32)
    out_col = jax.random.randint(ks[3], (TOTAL_RULES,), 0, N_OUT, dtype=jnp.int32)
    rules = jnp.stack([k_col, in_col, out_col], axis=1)
    return {
        "x_data": x_data,
        "k_weights": k_weights,
        "bias": bias,
        "rules_count": rules_count,
        "rules": rules,
        "out_len": N_OUT,
    }


def reference(x_data, k_weights, bias, rules_count, rules, out_len):
    # Faithful translation of Conv3D_Inplace_Func.forward + bias add.
    # NOTE: torch code iterates i in range(len(shifts)-1) with shifts = cumsum(rules_count),
    # so the first rules_count[0] rules are skipped, exactly as in the original.
    kv = k_weights.shape[0]
    per_bin = rules.shape[0] // kv
    shifts = jnp.cumsum(rules_count)
    x_out = jnp.zeros((N_OUT, k_weights.shape[-1]), dtype=x_data.dtype)
    x_out = x_out + jnp.zeros((), dtype=x_data.dtype) * out_len

    def body(i, acc):
        sh_start = shifts[i]
        block = jax.lax.dynamic_slice(rules, (sh_start, 0), (per_bin, 3))
        k_ind = block[0, 0]
        kernel = jnp.take(k_weights, k_ind, axis=0)
        in_inds = block[:, 1]
        out_inds = block[:, 2]
        gathered = jnp.take(x_data, in_inds, axis=0)
        return acc.at[out_inds].add(gathered @ kernel)

    x_out = jax.lax.fori_loop(0, kv - 1, body, x_out)
    x_out = x_out + bias
    return x_out

if __name__ == "__main__":
    import jax
    _d = setup_inputs()
    print(jax.jit(kernel)(*tuple(_d.values())))

</pallas_src>

<mosaic_0001>
#map = affine_map<(d0, d1) -> (0, 0)>
#map1 = affine_map<(d0, d1) -> (0, 0, 0)>
module attributes {stable_mosaic.version = 14 : i64} {
  func.func @scatter_k(%arg0: i32, %arg1: i32, %arg2: memref<155648x128xf32, #tpu.memory_space<hbm>>, %arg3: memref<32x38x128xi32, #tpu.memory_space<hbm>>, %arg4: memref<2x10240x128xf32, #tpu.memory_space<hbm>>, %arg5: memref<38x128xi32, #tpu.memory_space<vmem>>, %arg6: memref<256x128xf32, #tpu.memory_space<vmem>>, %arg7: memref<64x128xf32, #tpu.memory_space<vmem>>, %arg8: memref<10240x128xf32, #tpu.memory_space<vmem_shared>>, %arg9: memref<!tpu.dma_semaphore, #tpu.memory_space<semaphore_mem>>) attributes {dimension_semantics = [#tpu.dimension_semantics<core_parallel>, #tpu.dimension_semantics<subcore_parallel>], iteration_bounds = array<i64: 2, 16>, scalar_prefetch = 0 : i64, scratch_operands = 5 : i64, tpu.core_type = #tpu.core_type<sc_vector_subcore>, window_params = [{transform_indices = #map}, {transform_indices = #map1}, {transform_indices = #map1}]} {
    %mul3A = arith.constant 2 : i32
    %mul3A_0 = arith.muli %arg1, %mul3A : i32
    %add3A = arith.addi %mul3A_0, %arg0 : i32
    %mul3A_1 = arith.constant 38 : i32
    %mul3A_2 = arith.muli %add3A, %mul3A_1 : i32
    %broadcast_in_dim3A = arith.constant 0.000000e+00 : f32
    %broadcast_in_dim3A_3 = vector.broadcast %broadcast_in_dim3A : f32 to vector<16xf32>
    %scan3A = arith.constant 0 : i32
    %scan3A_4 = arith.constant 0 : i32
    %scan3A_5 = arith.constant 64 : i32
    %scan3A_6 = arith.addi %scan3A_4, %scan3A_5 : i32
    %scan3A_7 = arith.constant 1 : i32
    scf.for %scan3A_26 = %scan3A_4 to %scan3A_6 step %scan3A_7  : i32 {
      %scan3A_27 = arith.constant 0 : i32
      %scan3A_28 = arith.constant 8 : i32
      %scan3A_29 = arith.addi %scan3A_27, %scan3A_28 : i32
      %scan3A_30 = arith.constant 1 : i32
      scf.for %scan3A_32 = %scan3A_27 to %scan3A_29 step %scan3A_30  : i32 {
        %mul3A_33 = arith.constant 16 : i32
        %mul3A_34 = arith.muli %scan3A_32, %mul3A_33 : i32
        %swap3A = arith.index_cast %scan3A_26 : i32 to index
        %swap3A_35 = arith.index_cast %mul3A_34 : i32 to index
        %swap3A_36 = tpu.vector_load %arg7[%swap3A, %swap3A_35] {strides = array<i32>} : memref<64x128xf32, #tpu.memory_space<vmem>>, vector<1x16xf32>,
        %swap3A_37 = vector.shape_cast %swap3A_36 : vector<1x16xf32> to vector<16xf32>
        %swap3A_38 = vector.shape_cast %broadcast_in_dim3A_3 : vector<16xf32> to vector<1x16xf32>
        tpu.vector_store %arg7[%swap3A, %swap3A_35], %swap3A_38 {strides = array<i32>} : memref<64x128xf32, #tpu.memory_space<vmem>>, vector<1x16xf32>,
      }
      %scan3A_31 = arith.constant 8 : i32
    }
    %scan3A_8 = arith.constant 64 : i32
    %scan3A_9 = arith.constant 0 : i32
    %scan3A_10 = arith.constant 0 : i32
    %scan3A_11 = arith.constant 10 : i32
    %scan3A_12 = arith.addi %scan3A_10, %scan3A_11 : i32
    %scan3A_13 = arith.constant 1 : i32
    scf.for %scan3A_26 = %scan3A_10 to %scan3A_12 step %scan3A_13  : i32 {
      %mul3A_27 = arith.constant 640 : i32
      %mul3A_28 = arith.muli %arg1, %mul3A_27 : i32
      %mul3A_29 = arith.constant 64 : i32
      %mul3A_30 = arith.muli %scan3A_26, %mul3A_29 : i32
      %add3A_31 = arith.addi %mul3A_28, %mul3A_30 : i32
      "tpu.region"() ({
        %run_scoped3A = tpu.sem_alloc : memref<!tpu.dma_semaphore, #tpu.memory_space<semaphore_mem>>
        %dma_start3A = arith.constant 0 : i32
        %dma_start3A_32 = tpu.memref_slice %arg8[%add3A_31, %dma_start3A] : memref<10240x128xf32, #tpu.memory_space<vmem_shared>> -> memref<64x128xf32, #tpu.memory_space<vmem_shared>>
        %dma_start3A_33 = arith.constant 0 : i32
        %dma_start3A_34 = tpu.memref_slice %arg8[%add3A_31, %dma_start3A_33] : memref<10240x128xf32, #tpu.memory_space<vmem_shared>> -> memref<64x128xf32, #tpu.memory_space<vmem_shared>>
        tpu.enqueue_dma source(%arg7 : memref<64x128xf32, #tpu.memory_space<vmem>>) target(%dma_start3A_34 : memref<64x128xf32, #tpu.memory_space<vmem_shared>>) target_semaphore(%run_scoped3A : memref<!tpu.dma_semaphore, #tpu.memory_space<semaphore_mem>>)
        %dma_wait3A = arith.constant 0 : i32
        %dma_wait3A_35 = tpu.memref_slice %arg8[%add3A_31, %dma_wait3A] : memref<10240x128xf32, #tpu.memory_space<vmem_shared>> -> memref<64x128xf32, #tpu.memory_space<vmem_shared>>
        %dma_wait3A_36 = arith.constant 0 : i32
        %dma_wait3A_37 = tpu.memref_slice %arg8[%add3A_31, %dma_wait3A_36] : memref<10240x128xf32, #tpu.memory_space<vmem_shared>> -> memref<64x128xf32, #tpu.memory_space<vmem_shared>>
        tpu.wait_dma2 semaphore(%run_scoped3A : memref<!tpu.dma_semaphore, #tpu.memory_space<semaphore_mem>>) src(%arg7 : memref<64x128xf32, #tpu.memory_space<vmem>>) dst(%dma_wait3A_37 : memref<64x128xf32, #tpu.memory_space<vmem_shared>>)
        tpu.yield
      }) : () -> ()
    }
    %scan3A_14 = arith.constant 10 : i32
    "tpu.region"() ({
      %run_scoped3A = tpu.sem_alloc : memref<!tpu.dma_semaphore, #tpu.memory_space<semaphore_mem>>
      %dma_start3A = arith.constant 0 : i32
      %dma_start3A_26 = arith.constant 0 : i32
      %dma_start3A_27 = tpu.memref_slice %arg3[%add3A, %dma_start3A, %dma_start3A_26] : memref<32x38x128xi32, #tpu.memory_space<hbm>> -> memref<1x38x128xi32, #tpu.memory_space<hbm>>
      %dma_start3A_28 = tpu.memref_squeeze %dma_start3A_27 : memref<1x38x128xi32, #tpu.memory_space<hbm>> -> memref<38x128xi32, #tpu.memory_space<hbm>>
      %dma_start3A_29 = arith.constant 0 : i32
      %dma_start3A_30 = arith.constant 0 : i32
      %dma_start3A_31 = tpu.memref_slice %arg3[%add3A, %dma_start3A_29, %dma_start3A_30] : memref<32x38x128xi32, #tpu.memory_space<hbm>> -> memref<1x38x128xi32, #tpu.memory_space<hbm>>
      %dma_start3A_32 = tpu.memref_squeeze %dma_start3A_31 : memref<1x38x128xi32, #tpu.memory_space<hbm>> -> memref<38x128xi32, #tpu.memory_space<hbm>>
      tpu.enqueue_dma source(%dma_start3A_32 : memref<38x128xi32, #tpu.memory_space<hbm>>) target(%arg5 : memref<38x128xi32, #tpu.memory_space<vmem>>) target_semaphore(%run_scoped3A : memref<!tpu.dma_semaphore, #tpu.memory_space<semaphore_mem>>)
      %dma_wait3A = arith.constant 0 : i32
      %dma_wait3A_33 = arith.constant 0 : i32
      %dma_wait3A_34 = tpu.memref_slice %arg3[%add3A, %dma_wait3A, %dma_wait3A_33] : memref<32x38x128xi32, #tpu.memory_space<hbm>> -> memref<1x38x128xi32, #tpu.memory_space<hbm>>
      %dma_wait3A_35 = tpu.memref_squeeze %dma_wait3A_34 : memref<1x38x128xi32, #tpu.memory_space<hbm>> -> memref<38x128xi32, #tpu.memory_space<hbm>>
      %dma_wait3A_36 = arith.constant 0 : i32
      %dma_wait3A_37 = arith.constant 0 : i32
      %dma_wait3A_38 = tpu.memref_slice %arg3[%add3A, %dma_wait3A_36, %dma_wait3A_37] : memref<32x38x128xi32, #tpu.memory_space<hbm>> -> memref<1x38x128xi32, #tpu.memory_space<hbm>>
      %dma_wait3A_39 = tpu.memref_squeeze %dma_wait3A_38 : memref<1x38x128xi32, #tpu.memory_space<hbm>> -> memref<38x128xi32, #tpu.memory_space<hbm>>
      tpu.wait_dma2 semaphore(%run_scoped3A : memref<!tpu.dma_semaphore, #tpu.memory_space<semaphore_mem>>) src(%dma_wait3A_39 : memref<38x128xi32, #tpu.memory_space<hbm>>) dst(%arg5 : memref<38x128xi32, #tpu.memory_space<vmem>>)
      tpu.yield
    }) : () -> ()
    %barrier3A = arith.constant 0 : index
    tpu.barrier barrier_id(%barrier3A)
    %scan3A_15 = arith.constant 0 : i32
    %scan3A_16 = arith.constant 0 : i32
    %scan3A_17 = arith.constant 19 : i32
    %scan3A_18 = arith.addi %scan3A_16, %scan3A_17 : i32
    %scan3A_19 = arith.constant 1 : i32
    scf.for %scan3A_26 = %scan3A_16 to %scan3A_18 step %scan3A_19  : i32 {
      %mul3A_27 = arith.constant 2 : i32
      %mul3A_28 = arith.muli %scan3A_26, %mul3A_27 : i32
      %add3A_29 = arith.addi %mul3A_2, %mul3A_28 : i32
      %mul3A_30 = arith.constant 128 : i32
      %mul3A_31 = arith.muli %add3A_29, %mul3A_30 : i32
      "tpu.region"() ({
        %run_scoped3A = tpu.sem_alloc : memref<!tpu.dma_semaphore, #tpu.memory_space<semaphore_mem>>
        %dma_start3A = arith.constant 0 : i32
        %dma_start3A_38 = tpu.memref_slice %arg2[%mul3A_31, %dma_start3A] : memref<155648x128xf32, #tpu.memory_space<hbm>> -> memref<256x128xf32, #tpu.memory_space<hbm>>
        %dma_start3A_39 = arith.constant 0 : i32
        %dma_start3A_40 = tpu.memref_slice %arg2[%mul3A_31, %dma_start3A_39] : memref<155648x128xf32, #tpu.memory_space<hbm>> -> memref<256x128xf32, #tpu.memory_space<hbm>>
        tpu.enqueue_dma source(%dma_start3A_40 : memref<256x128xf32, #tpu.memory_space<hbm>>) target(%arg6 : memref<256x128xf32, #tpu.memory_space<vmem>>) target_semaphore(%run_scoped3A : memref<!tpu.dma_semaphore, #tpu.memory_space<semaphore_mem>>)
        %dma_wait3A = arith.constant 0 : i32
        %dma_wait3A_41 = tpu.memref_slice %arg2[%mul3A_31, %dma_wait3A] : memref<155648x128xf32, #tpu.memory_space<hbm>> -> memref<256x128xf32, #tpu.memory_space<hbm>>
        %dma_wait3A_42 = arith.constant 0 : i32
        %dma_wait3A_43 = tpu.memref_slice %arg2[%mul3A_31, %dma_wait3A_42] : memref<155648x128xf32, #tpu.memory_space<hbm>> -> memref<256x128xf32, #tpu.memory_space<hbm>>
        tpu.wait_dma2 semaphore(%run_scoped3A : memref<!tpu.dma_semaphore, #tpu.memory_space<semaphore_mem>>) src(%dma_wait3A_43 : memref<256x128xf32, #tpu.memory_space<hbm>>) dst(%arg6 : memref<256x128xf32, #tpu.memory_space<vmem>>)
        tpu.yield
      }) : () -> ()
      %scan3A_32 = arith.constant 0 : i32
      %scan3A_33 = arith.constant 0 : i32
      %scan3A_34 = arith.constant 2 : i32
      %scan3A_35 = arith.addi %scan3A_33, %scan3A_34 : i32
      %scan3A_36 = arith.constant 1 : i32
      scf.for %scan3A_38 = %scan3A_33 to %scan3A_35 step %scan3A_36  : i32 {
        %mul3A_39 = arith.constant 128 : i32
        %mul3A_40 = arith.muli %scan3A_38, %mul3A_39 : i32
        %mul3A_41 = arith.constant 2 : i32
        %mul3A_42 = arith.muli %scan3A_26, %mul3A_41 : i32
        %add3A_43 = arith.addi %mul3A_42, %scan3A_38 : i32
        "tpu.region"() ({
          %run_scoped3A = tpu.sem_alloc : memref<!tpu.dma_semaphore, #tpu.memory_space<semaphore_mem>>
          %dma_start3A = arith.constant 0 : i32
          %dma_start3A_44 = tpu.memref_slice %arg6[%mul3A_40, %dma_start3A] : memref<256x128xf32, #tpu.memory_space<vmem>> -> memref<128x128xf32, #tpu.memory_space<vmem>>
          %dma_start3A_45 = arith.constant 0 : i32
          %dma_start3A_46 = tpu.memref_slice %arg5[%add3A_43, %dma_start3A_45] : memref<38x128xi32, #tpu.memory_space<vmem>> -> memref<1x128xi32, #tpu.memory_space<vmem>>
          %dma_start3A_47 = tpu.memref_squeeze %dma_start3A_46 : memref<1x128xi32, #tpu.memory_space<vmem>> -> memref<128xi32, #tpu.memory_space<vmem>>
          %dma_start3A_48 = arith.constant 0 : i32
          %dma_start3A_49 = arith.constant 0 : i32
          %dma_start3A_50 = tpu.memref_slice %arg8[%dma_start3A_48, %dma_start3A_49] : memref<10240x128xf32, #tpu.memory_space<vmem_shared>> -> memref<10240x128xf32, #tpu.memory_space<vmem_shared>>
          tpu.enqueue_indirect_dma source(%dma_start3A_44 : memref<128x128xf32, #tpu.memory_space<vmem>>) target(%dma_start3A_50 : memref<10240x128xf32, #tpu.memory_space<vmem_shared>>) offsets(%dma_start3A_47 : memref<128xi32, #tpu.memory_space<vmem>>) semaphore(%run_scoped3A : memref<!tpu.dma_semaphore, #tpu.memory_space<semaphore_mem>>) {add = true}
          %dma_wait3A = arith.constant 0 : i32
          %dma_wait3A_51 = tpu.memref_slice %arg6[%mul3A_40, %dma_wait3A] : memref<256x128xf32, #tpu.memory_space<vmem>> -> memref<128x128xf32, #tpu.memory_space<vmem>>
          %dma_wait3A_52 = arith.constant 0 : i32
          %dma_wait3A_53 = tpu.memref_slice %arg5[%add3A_43, %dma_wait3A_52] : memref<38x128xi32, #tpu.memory_space<vmem>> -> memref<1x128xi32, #tpu.memory_space<vmem>>
          %dma_wait3A_54 = tpu.memref_squeeze %dma_wait3A_53 : memref<1x128xi32, #tpu.memory_space<vmem>> -> memref<128xi32, #tpu.memory_space<vmem>>
          %dma_wait3A_55 = arith.constant 0 : i32
          %dma_wait3A_56 = arith.constant 0 : i32
          %dma_wait3A_57 = tpu.memref_slice %arg8[%dma_wait3A_55, %dma_wait3A_56] : memref<10240x128xf32, #tpu.memory_space<vmem_shared>> -> memref<10240x128xf32, #tpu.memory_space<vmem_shared>>
          tpu.wait_indirect_dma semaphore(%run_scoped3A : memref<!tpu.dma_semaphore, #tpu.memory_space<semaphore_mem>>) src(%dma_wait3A_51 : memref<128x128xf32, #tpu.memory_space<vmem>>) dst(%dma_wait3A_57 : memref<10240x128xf32, #tpu.memory_space<vmem_shared>>)
          tpu.yield
        }) : () -> ()
      }
      %scan3A_37 = arith.constant 2 : i32
    }
    %scan3A_20 = arith.constant 19 : i32
    %barrier3A_21 = arith.constant 0 : index
    tpu.barrier barrier_id(%barrier3A_21)
    %mul3A_22 = arith.constant 640 : i32
    %mul3A_23 = arith.muli %arg1, %mul3A_22 : i32
    %mul3A_24 = arith.constant 640 : i32
    %mul3A_25 = arith.muli %arg1, %mul3A_24 : i32
    "tpu.region"() ({
      %run_scoped3A = tpu.sem_alloc : memref<!tpu.dma_semaphore, #tpu.memory_space<semaphore_mem>>
      %dma_start3A = arith.constant 0 : i32
      %dma_start3A_26 = tpu.memref_slice %arg4[%arg0, %mul3A_25, %dma_start3A] : memref<2x10240x128xf32, #tpu.memory_space<hbm>> -> memref<1x640x128xf32, #tpu.memory_space<hbm>>
      %dma_start3A_27 = tpu.memref_squeeze %dma_start3A_26 : memref<1x640x128xf32, #tpu.memory_space<hbm>> -> memref<640x128xf32, #tpu.memory_space<hbm>>
      %dma_start3A_28 = arith.constant 0 : i32
      %dma_start3A_29 = tpu.memref_slice %arg8[%mul3A_23, %dma_start3A_28] : memref<10240x128xf32, #tpu.memory_space<vmem_shared>> -> memref<640x128xf32, #tpu.memory_space<vmem_shared>>
      tpu.enqueue_dma source(%dma_start3A_29 : memref<640x128xf32, #tpu.memory_space<vmem_shared>>) target(%dma_start3A_27 : memref<640x128xf32, #tpu.memory_space<hbm>>) target_semaphore(%run_scoped3A : memref<!tpu.dma_semaphore, #tpu.memory_space<semaphore_mem>>)
      %dma_wait3A = arith.constant 0 : i32
      %dma_wait3A_30 = tpu.memref_slice %arg4[%arg0, %mul3A_25, %dma_wait3A] : memref<2x10240x128xf32, #tpu.memory_space<hbm>> -> memref<1x640x128xf32, #tpu.memory_space<hbm>>
      %dma_wait3A_31 = tpu.memref_squeeze %dma_wait3A_30 : memref<1x640x128xf32, #tpu.memory_space<hbm>> -> memref<640x128xf32, #tpu.memory_space<hbm>>
      %dma_wait3A_32 = arith.constant 0 : i32
      %dma_wait3A_33 = tpu.memref_slice %arg8[%mul3A_23, %dma_wait3A_32] : memref<10240x128xf32, #tpu.memory_space<vmem_shared>> -> memref<640x128xf32, #tpu.memory_space<vmem_shared>>
      tpu.wait_dma2 semaphore(%run_scoped3A : memref<!tpu.dma_semaphore, #tpu.memory_space<semaphore_mem>>) src(%dma_wait3A_33 : memref<640x128xf32, #tpu.memory_space<vmem_shared>>) dst(%dma_wait3A_31 : memref<640x128xf32, #tpu.memory_space<hbm>>)
      tpu.yield
    }) : () -> ()
    return
  }
}

#map = affine_map<(d0, d1) -> (0, 0)>
#map1 = affine_map<(d0, d1) -> (0, 0, 0)>
module attributes {stable_mosaic.version = 14 : i64} {
  func.func @gather_k(%arg0: i32, %arg1: i32, %arg2: memref<10000x128xf32, #tpu.memory_space<hbm>>, %arg3: memref<32x38x128xi32, #tpu.memory_space<hbm>>, %arg4: memref<155648x128xf32, #tpu.memory_space<hbm>>, %arg5: memref<38x128xi32, #tpu.memory_space<vmem>>, %arg6: memref<4x128x128xf32, #tpu.memory_space<vmem>>, %arg7: memref<!tpu.dma_semaphore, #tpu.memory_space<semaphore_mem>>, %arg8: memref<!tpu.dma_semaphore, #tpu.memory_space<semaphore_mem>>, %arg9: memref<!tpu.dma_semaphore, #tpu.memory_space<semaphore_mem>>, %arg10: memref<!tpu.dma_semaphore, #tpu.memory_space<semaphore_mem>>, %arg11: memref<!tpu.dma_semaphore, #tpu.memory_space<semaphore_mem>>, %arg12: memref<!tpu.dma_semaphore, #tpu.memory_space<semaphore_mem>>, %arg13: memref<!tpu.dma_semaphore, #tpu.memory_space<semaphore_mem>>, %arg14: memref<!tpu.dma_semaphore, #tpu.memory_space<semaphore_mem>>) attributes {dimension_semantics = [#tpu.dimension_semantics<core_parallel>, #tpu.dimension_semantics<subcore_parallel>], iteration_bounds = array<i64: 2, 16>, scalar_prefetch = 0 : i64, scratch_operands = 10 : i64, tpu.core_type = #tpu.core_type<sc_vector_subcore>, window_params = [{transform_indices = #map}, {transform_indices = #map1}, {transform_indices = #map}]} {
    %mul3A = arith.constant 2 : i32
    %mul3A_0 = arith.muli %arg1, %mul3A : i32
    %add3A = arith.addi %mul3A_0, %arg0 : i32
    %mul3A_1 = arith.constant 38 : i32
    %mul3A_2 = arith.muli %add3A, %mul3A_1 : i32
    "tpu.region"() ({
      %run_scoped3A_117 = tpu.sem_alloc : memref<!tpu.dma_semaphore, #tpu.memory_space<semaphore_mem>>
      %dma_start3A_118 = arith.constant 0 : i32
      %dma_start3A_119 = arith.constant 0 : i32
      %dma_start3A_120 = tpu.memref_slice %arg3[%add3A, %dma_start3A_118, %dma_start3A_119] : memref<32x38x128xi32, #tpu.memory_space<hbm>> -> memref<1x38x128xi32, #tpu.memory_space<hbm>>
      %dma_start3A_121 = tpu.memref_squeeze %dma_start3A_120 : memref<1x38x128xi32, #tpu.memory_space<hbm>> -> memref<38x128xi32, #tpu.memory_space<hbm>>
      %dma_start3A_122 = arith.constant 0 : i32
      %dma_start3A_123 = arith.constant 0 : i32
      %dma_start3A_124 = tpu.memref_slice %arg3[%add3A, %dma_start3A_122, %dma_start3A_123] : memref<32x38x128xi32, #tpu.memory_space<hbm>> -> memref<1x38x128xi32, #tpu.memory_space<hbm>>
      %dma_start3A_125 = tpu.memref_squeeze %dma_start3A_124 : memref<1x38x128xi32, #tpu.memory_space<hbm>> -> memref<38x128xi32, #tpu.memory_space<hbm>>
      tpu.enqueue_dma source(%dma_start3A_125 : memref<38x128xi32, #tpu.memory_space<hbm>>) target(%arg5 : memref<38x128xi32, #tpu.memory_space<vmem>>) target_semaphore(%run_scoped3A_117 : memref<!tpu.dma_semaphore, #tpu.memory_space<semaphore_mem>>)
      %dma_wait3A_126 = arith.constant 0 : i32
      %dma_wait3A_127 = arith.constant 0 : i32
      %dma_wait3A_128 = tpu.memref_slice %arg3[%add3A, %dma_wait3A_126, %dma_wait3A_127] : memref<32x38x128xi32, #tpu.memory_space<hbm>> -> memref<1x38x128xi32, #tpu.memory_space<hbm>>
      %dma_wait3A_129 = tpu.memref_squeeze %dma_wait3A_128 : memref<1x38x128xi32, #tpu.memory_space<hbm>> -> memref<38x128xi32, #tpu.memory_space<hbm>>
      %dma_wait3A_130 = arith.constant 0 : i32
      %dma_wait3A_131 = arith.constant 0 : i32
      %dma_wait3A_132 = tpu.memref_slice %arg3[%add3A, %dma_wait3A_130, %dma_wait3A_131] : memref<32x38x128xi32, #tpu.memory_space<hbm>> -> memref<1x38x128xi32, #tpu.memory_space<hbm>>
      %dma_wait3A_133 = tpu.memref_squeeze %dma_wait3A_132 : memref<1x38x128xi32, #tpu.memory_space<hbm>> -> memref<38x128xi32, #tpu.memory_space<hbm>>
      tpu.wait_dma2 semaphore(%run_scoped3A_117 : memref<!tpu.dma_semaphore, #tpu.memory_space<semaphore_mem>>) src(%dma_wait3A_133 : memref<38x128xi32, #tpu.memory_space<hbm>>) dst(%arg5 : memref<38x128xi32, #tpu.memory_space<vmem>>)
      tpu.yield
    }) : () -> ()
    %dma_start3A = arith.constant 0 : i32
    %dma_start3A_3 = arith.constant 0 : i32
    %dma_start3A_4 = arith.constant 0 : i32
    %dma_start3A_5 = arith.constant 0 : i32
    %dma_start3A_6 = tpu.memref_slice %arg6[%dma_start3A_3, %dma_start3A_4, %dma_start3A_5] : memref<4x128x128xf32, #tpu.memory_space<vmem>> -> memref<1x128x128xf32, #tpu.memory_space<vmem>>
    %dma_start3A_7 = tpu.memref_squeeze %dma_start3A_6 : memref<1x128x128xf32, #tpu.memory_space<vmem>> -> memref<128x128xf32, #tpu.memory_space<vmem>>
    %dma_start3A_8 = arith.constant 0 : i32
    %dma_start3A_9 = tpu.memref_slice %arg5[%dma_start3A, %dma_start3A_8] : memref<38x128xi32, #tpu.memory_space<vmem>> -> memref<1x128xi32, #tpu.memory_space<vmem>>
    %dma_start3A_10 = tpu.memref_squeeze %dma_start3A_9 : memref<1x128xi32, #tpu.memory_space<vmem>> -> memref<128xi32, #tpu.memory_space<vmem>>
    %dma_start3A_11 = arith.constant 0 : i32
    %dma_start3A_12 = arith.constant 0 : i32
    %dma_start3A_13 = tpu.memref_slice %arg2[%dma_start3A_11, %dma_start3A_12] : memref<10000x128xf32, #tpu.memory_space<hbm>> -> memref<10000x128xf32, #tpu.memory_space<hbm>>
    tpu.enqueue_indirect_dma source(%dma_start3A_13 : memref<10000x128xf32, #tpu.memory_space<hbm>>) target(%dma_start3A_7 : memref<128x128xf32, #tpu.memory_space<vmem>>) offsets(%dma_start3A_10 : memref<128xi32, #tpu.memory_space<vmem>>) semaphore(%arg7 : memref<!tpu.dma_semaphore, #tpu.memory_space<semaphore_mem>>)
    %dma_start3A_14 = arith.constant 1 : i32
    %dma_start3A_15 = arith.constant 1 : i32
    %dma_start3A_16 = arith.constant 0 : i32
    %dma_start3A_17 = arith.constant 0 : i32
    %dma_start3A_18 = tpu.memref_slice %arg6[%dma_start3A_15, %dma_start3A_16, %dma_start3A_17] : memref<4x128x128xf32, #tpu.memory_space<vmem>> -> memref<1x128x128xf32, #tpu.memory_space<vmem>>
    %dma_start3A_19 = tpu.memref_squeeze %dma_start3A_18 : memref<1x128x128xf32, #tpu.memory_space<vmem>> -> memref<128x128xf32, #tpu.memory_space<vmem>>
    %dma_start3A_20 = arith.constant 0 : i32
    %dma_start3A_21 = tpu.memref_slice %arg5[%dma_start3A_14, %dma_start3A_20] : memref<38x128xi32, #tpu.memory_space<vmem>> -> memref<1x128xi32, #tpu.memory_space<vmem>>
    %dma_start3A_22 = tpu.memref_squeeze %dma_start3A_21 : memref<1x128xi32, #tpu.memory_space<vmem>> -> memref<128xi32, #tpu.memory_space<vmem>>
    %dma_start3A_23 = arith.constant 0 : i32
    %dma_start3A_24 = arith.constant 0 : i32
    %dma_start3A_25 = tpu.memref_slice %arg2[%dma_start3A_23, %dma_start3A_24] : memref<10000x128xf32, #tpu.memory_space<hbm>> -> memref<10000x128xf32, #tpu.memory_space<hbm>>
    tpu.enqueue_indirect_dma source(%dma_start3A_25 : memref<10000x128xf32, #tpu.memory_space<hbm>>) target(%dma_start3A_19 : memref<128x128xf32, #tpu.memory_space<vmem>>) offsets(%dma_start3A_22 : memref<128xi32, #tpu.memory_space<vmem>>) semaphore(%arg8 : memref<!tpu.dma_semaphore, #tpu.memory_space<semaphore_mem>>)
    %scan3A = arith.constant 0 : i32
    %scan3A_26 = arith.constant 0 : i32
    %scan3A_27 = arith.constant 9 : i32
    %scan3A_28 = arith.addi %scan3A_26, %scan3A_27 : i32
    %scan3A_29 = arith.constant 1 : i32
    scf.for %scan3A_117 = %scan3A_26 to %scan3A_28 step %scan3A_29  : i32 {
      %mul3A_118 = arith.constant 4 : i32
      %mul3A_119 = arith.muli %scan3A_117, %mul3A_118 : i32
      %add3A_120 = arith.constant 0 : i32
      %add3A_121 = arith.addi %mul3A_119, %add3A_120 : i32
      %dma_wait3A_122 = arith.constant 0 : i32
      %dma_wait3A_123 = arith.constant 0 : i32
      %dma_wait3A_124 = arith.constant 0 : i32
      %dma_wait3A_125 = tpu.memref_slice %arg6[%dma_wait3A_122, %dma_wait3A_123, %dma_wait3A_124] : memref<4x128x128xf32, #tpu.memory_space<vmem>> -> memref<1x128x128xf32, #tpu.memory_space<vmem>>
      %dma_wait3A_126 = tpu.memref_squeeze %dma_wait3A_125 : memref<1x128x128xf32, #tpu.memory_space<vmem>> -> memref<128x128xf32, #tpu.memory_space<vmem>>
      %dma_wait3A_127 = arith.constant 0 : i32
      %dma_wait3A_128 = tpu.memref_slice %arg5[%add3A_121, %dma_wait3A_127] : memref<38x128xi32, #tpu.memory_space<vmem>> -> memref<1x128xi32, #tpu.memory_space<vmem>>
      %dma_wait3A_129 = tpu.memref_squeeze %dma_wait3A_128 : memref<1x128xi32, #tpu.memory_space<vmem>> -> memref<128xi32, #tpu.memory_space<vmem>>
      %dma_wait3A_130 = arith.constant 0 : i32
      %dma_wait3A_131 = arith.constant 0 : i32
      %dma_wait3A_132 = tpu.memref_slice %arg2[%dma_wait3A_130, %dma_wait3A_131] : memref<10000x128xf32, #tpu.memory_space<hbm>> -> memref<10000x128xf32, #tpu.memory_space<hbm>>
      tpu.wait_indirect_dma semaphore(%arg7 : memref<!tpu.dma_semaphore, #tpu.memory_space<semaphore_mem>>) src(%dma_wait3A_132 : memref<10000x128xf32, #tpu.memory_space<hbm>>) dst(%dma_wait3A_126 : memref<128x128xf32, #tpu.memory_space<vmem>>)
      %add3A_133 = arith.addi %mul3A_2, %add3A_121 : i32
      %mul3A_134 = arith.constant 128 : i32
      %mul3A_135 = arith.muli %add3A_133, %mul3A_134 : i32
      %dma_start3A_136 = arith.constant 0 : i32
      %dma_start3A_137 = arith.constant 0 : i32
      %dma_start3A_138 = arith.constant 0 : i32
      %dma_start3A_139 = tpu.memref_slice %arg6[%dma_start3A_136, %dma_start3A_137, %dma_start3A_138] : memref<4x128x128xf32, #tpu.memory_space<vmem>> -> memref<1x128x128xf32, #tpu.memory_space<vmem>>
      %dma_start3A_140 = tpu.memref_squeeze %dma_start3A_139 : memref<1x128x128xf32, #tpu.memory_space<vmem>> -> memref<128x128xf32, #tpu.memory_space<vmem>>
      %dma_start3A_141 = arith.constant 0 : i32
      %dma_start3A_142 = tpu.memref_slice %arg4[%mul3A_135, %dma_start3A_141] : memref<155648x128xf32, #tpu.memory_space<hbm>> -> memref<128x128xf32, #tpu.memory_space<hbm>>
      %dma_start3A_143 = arith.constant 0 : i32
      %dma_start3A_144 = tpu.memref_slice %arg4[%mul3A_135, %dma_start3A_143] : memref<155648x128xf32, #tpu.memory_space<hbm>> -> memref<128x128xf32, #tpu.memory_space<hbm>>
      %dma_start3A_145 = arith.constant 0 : i32
      %dma_start3A_146 = arith.constant 0 : i32
      %dma_start3A_147 = tpu.memref_slice %arg6[%dma_start3A_136, %dma_start3A_145, %dma_start3A_146] : memref<4x128x128xf32, #tpu.memory_space<vmem>> -> memref<1x128x128xf32, #tpu.memory_space<vmem>>
      %dma_start3A_148 = tpu.memref_squeeze %dma_start3A_147 : memref<1x128x128xf32, #tpu.memory_space<vmem>> -> memref<128x128xf32, #tpu.memory_space<vmem>>
      tpu.enqueue_dma source(%dma_start3A_148 : memref<128x128xf32, #tpu.memory_space<vmem>>) target(%dma_start3A_144 : memref<128x128xf32, #tpu.memory_space<hbm>>) target_semaphore(%arg11 : memref<!tpu.dma_semaphore, #tpu.memory_space<semaphore_mem>>)
      %ge3A = arith.constant 2 : i32
      %ge3A_149 = arith.cmpi sge, %add3A_121, %ge3A : i32
      %convert_element_type3A = arith.extui %ge3A_149 : i1 to i32
      %cond3A = arith.constant 0 : i32
      %cond3A_150 = arith.cmpi ne, %convert_element_type3A, %cond3A : i32
      scf.if %cond3A_150 {
        %add3A_286 = arith.addi %mul3A_2, %add3A_121 : i32
        %mul3A_287 = arith.constant 128 : i32
        %mul3A_288 = arith.muli %add3A_286, %mul3A_287 : i32
        %dma_wait3A_289 = arith.constant 2 : i32
        %dma_wait3A_290 = arith.constant 0 : i32
        %dma_wait3A_291 = arith.constant 0 : i32
        %dma_wait3A_292 = tpu.memref_slice %arg6[%dma_wait3A_289, %dma_wait3A_290, %dma_wait3A_291] : memref<4x128x128xf32, #tpu.memory_space<vmem>> -> memref<1x128x128xf32, #tpu.memory_space<vmem>>
        %dma_wait3A_293 = tpu.memref_squeeze %dma_wait3A_292 : memref<1x128x128xf32, #tpu.memory_space<vmem>> -> memref<128x128xf32, #tpu.memory_space<vmem>>
        %dma_wait3A_294 = arith.constant 0 : i32
        %dma_wait3A_295 = tpu.memref_slice %arg4[%mul3A_288, %dma_wait3A_294] : memref<155648x128xf32, #tpu.memory_space<hbm>> -> memref<128x128xf32, #tpu.memory_space<hbm>>
        %dma_wait3A_296 = arith.constant 0 : i32
        %dma_wait3A_297 = tpu.memref_slice %arg4[%mul3A_288, %dma_wait3A_296] : memref<155648x128xf32, #tpu.memory_space<hbm>> -> memref<128x128xf32, #tpu.memory_space<hbm>>
        %dma_wait3A_298 = arith.constant 0 : i32
        %dma_wait3A_299 = arith.constant 0 : i32
        %dma_wait3A_300 = tpu.memref_slice %arg6[%dma_wait3A_289, %dma_wait3A_298, %dma_wait3A_299] : memref<4x128x128xf32, #tpu.memory_space<vmem>> -> memref<1x128x128xf32, #tpu.memory_space<vmem>>
        %dma_wait3A_301 = tpu.memref_squeeze %dma_wait3A_300 : memref<1x128x128xf32, #tpu.memory_space<vmem>> -> memref<128x128xf32, #tpu.memory_space<vmem>>
        tpu.wait_dma2 semaphore(%arg13 : memref<!tpu.dma_semaphore, #tpu.memory_space<semaphore_mem>>) src(%dma_wait3A_301 : memref<128x128xf32, #tpu.memory_space<vmem>>) dst(%dma_wait3A_297 : memref<128x128xf32, #tpu.memory_space<hbm>>)
      } else {
      }
      %add3A_151 = arith.constant 2 : i32
      %add3A_152 = arith.addi %add3A_121, %add3A_151 : i32
      %lt3A = arith.constant 36 : i32
      %lt3A_153 = arith.cmpi slt, %add3A_152, %lt3A : i32
      %convert_element_type3A_154 = arith.extui %lt3A_153 : i1 to i32
      %cond3A_155 = arith.constant 0 : i32
      %cond3A_156 = arith.cmpi ne, %convert_element_type3A_154, %cond3A_155 : i32
      scf.if %cond3A_156 {
        %add3A_286 = arith.constant 2 : i32
        %add3A_287 = arith.addi %add3A_121, %add3A_286 : i32
        %dma_start3A_288 = arith.constant 2 : i32
        %dma_start3A_289 = arith.constant 0 : i32
        %dma_start3A_290 = arith.constant 0 : i32
        %dma_start3A_291 = tpu.memref_slice %arg6[%dma_start3A_288, %dma_start3A_289, %dma_start3A_290] : memref<4x128x128xf32, #tpu.memory_space<vmem>> -> memref<1x128x128xf32, #tpu.memory_space<vmem>>
        %dma_start3A_292 = tpu.memref_squeeze %dma_start3A_291 : memref<1x128x128xf32, #tpu.memory_space<vmem>> -> memref<128x128xf32, #tpu.memory_space<vmem>>
        %dma_start3A_293 = arith.constant 0 : i32
        %dma_start3A_294 = tpu.memref_slice %arg5[%add3A_287, %dma_start3A_293] : memref<38x128xi32, #tpu.memory_space<vmem>> -> memref<1x128xi32, #tpu.memory_space<vmem>>
        %dma_start3A_295 = tpu.memref_squeeze %dma_start3A_294 : memref<1x128xi32, #tpu.memory_space<vmem>> -> memref<128xi32, #tpu.memory_space<vmem>>
        %dma_start3A_296 = arith.constant 0 : i32
        %dma_start3A_297 = arith.constant 0 : i32
        %dma_start3A_298 = tpu.memref_slice %arg2[%dma_start3A_296, %dma_start3A_297] : memref<10000x128xf32, #tpu.memory_space<hbm>> -> memref<10000x128xf32, #tpu.memory_space<hbm>>
        tpu.enqueue_indirect_dma source(%dma_start3A_298 : memref<10000x128xf32, #tpu.memory_space<hbm>>) target(%dma_start3A_292 : memref<128x128xf32, #tpu.memory_space<vmem>>) offsets(%dma_start3A_295 : memref<128xi32, #tpu.memory_space<vmem>>) semaphore(%arg9 : memref<!tpu.dma_semaphore, #tpu.memory_space<semaphore_mem>>)
      } else {
      }
      %mul3A_157 = arith.constant 4 : i32
      %mul3A_158 = arith.muli %scan3A_117, %mul3A_157 : i32
      %add3A_159 = arith.constant 1 : i32
      %add3A_160 = arith.addi %mul3A_158, %add3A_159 : i32
      %dma_wait3A_161 = arith.constant 1 : i32
      %dma_wait3A_162 = arith.constant 0 : i32
      %dma_wait3A_163 = arith.constant 0 : i32
      %dma_wait3A_164 = tpu.memref_slice %arg6[%dma_wait3A_161, %dma_wait3A_162, %dma_wait3A_163] : memref<4x128x128xf32, #tpu.memory_space<vmem>> -> memref<1x128x128xf32, #tpu.memory_space<vmem>>
      %dma_wait3A_165 = tpu.memref_squeeze %dma_wait3A_164 : memref<1x128x128xf32, #tpu.memory_space<vmem>> -> memref<128x128xf32, #tpu.memory_space<vmem>>
      %dma_wait3A_166 = arith.constant 0 : i32
      %dma_wait3A_167 = tpu.memref_slice %arg5[%add3A_160, %dma_wait3A_166] : memref<38x128xi32, #tpu.memory_space<vmem>> -> memref<1x128xi32, #tpu.memory_space<vmem>>
      %dma_wait3A_168 = tpu.memref_squeeze %dma_wait3A_167 : memref<1x128xi32, #tpu.memory_space<vmem>> -> memref<128xi32, #tpu.memory_space<vmem>>
      %dma_wait3A_169 = arith.constant 0 : i32
      %dma_wait3A_170 = arith.constant 0 : i32
      %dma_wait3A_171 = tpu.memref_slice %arg2[%dma_wait3A_169, %dma_wait3A_170] : memref<10000x128xf32, #tpu.memory_space<hbm>> -> memref<10000x128xf32, #tpu.memory_space<hbm>>
      tpu.wait_indirect_dma semaphore(%arg8 : memref<!tpu.dma_semaphore, #tpu.memory_space<semaphore_mem>>) src(%dma_wait3A_171 : memref<10000x128xf32, #tpu.memory_space<hbm>>) dst(%dma_wait3A_165 : memref<128x128xf32, #tpu.memory_space<vmem>>)
      %add3A_172 = arith.addi %mul3A_2, %add3A_160 : i32
      %mul3A_173 = arith.constant 128 : i32
      %mul3A_174 = arith.muli %add3A_172, %mul3A_173 : i32
      %dma_start3A_175 = arith.constant 1 : i32
      %dma_start3A_176 = arith.constant 0 : i32
      %dma_start3A_177 = arith.constant 0 : i32
      %dma_start3A_178 = tpu.memref_slice %arg6[%dma_start3A_175, %dma_start3A_176, %dma_start3A_177] : memref<4x128x128xf32, #tpu.memory_space<vmem>> -> memref<1x128x128xf32, #tpu.memory_space<vmem>>
      %dma_start3A_179 = tpu.memref_squeeze %dma_start3A_178 : memref<1x128x128xf32, #tpu.memory_space<vmem>> -> memref<128x128xf32, #tpu.memory_space<vmem>>
      %dma_start3A_180 = arith.constant 0 : i32
      %dma_start3A_181 = tpu.memref_slice %arg4[%mul3A_174, %dma_start3A_180] : memref<155648x128xf32, #tpu.memory_space<hbm>> -> memref<128x128xf32, #tpu.memory_space<hbm>>
      %dma_start3A_182 = arith.constant 0 : i32
      %dma_start3A_183 = tpu.memref_slice %arg4[%mul3A_174, %dma_start3A_182] : memref<155648x128xf32, #tpu.memory_space<hbm>> -> memref<128x128xf32, #tpu.memory_space<hbm>>
      %dma_start3A_184 = arith.constant 0 : i32
      %dma_start3A_185 = arith.constant 0 : i32
      %dma_start3A_186 = tpu.memref_slice %arg6[%dma_start3A_175, %dma_start3A_184, %dma_start3A_185] : memref<4x128x128xf32, #tpu.memory_space<vmem>> -> memref<1x128x128xf32, #tpu.memory_space<vmem>>
      %dma_start3A_187 = tpu.memref_squeeze %dma_start3A_186 : memref<1x128x128xf32, #tpu.memory_space<vmem>> -> memref<128x128xf32, #tpu.memory_space<vmem>>
      tpu.enqueue_dma source(%dma_start3A_187 : memref<128x128xf32, #tpu.memory_space<vmem>>) target(%dma_start3A_183 : memref<128x128xf32, #tpu.memory_space<hbm>>) target_semaphore(%arg12 : memref<!tpu.dma_semaphore, #tpu.memory_space<semaphore_mem>>)
      %ge3A_188 = arith.constant 2 : i32
      %ge3A_189 = arith.cmpi sge, %add3A_160, %ge3A_188 : i32
      %convert_element_type3A_190 = arith.extui %ge3A_189 : i1 to i32
      %cond3A_191 = arith.constant 0 : i32
      %cond3A_192 = arith.cmpi ne, %convert_element_type3A_190, %cond3A_191 : i32
      scf.if %cond3A_192 {
        %add3A_286 = arith.addi %mul3A_2, %add3A_160 : i32
        %mul3A_287 = arith.constant 128 : i32
        %mul3A_288 = arith.muli %add3A_286, %mul3A_287 : i32
        %dma_wait3A_289 = arith.constant 3 : i32
        %dma_wait3A_290 = arith.constant 0 : i32
        %dma_wait3A_291 = arith.constant 0 : i32
        %dma_wait3A_292 = tpu.memref_slice %arg6[%dma_wait3A_289, %dma_wait3A_290, %dma_wait3A_291] : memref<4x128x128xf32, #tpu.memory_space<vmem>> -> memref<1x128x128xf32, #tpu.memory_space<vmem>>
        %dma_wait3A_293 = tpu.memref_squeeze %dma_wait3A_292 : memref<1x128x128xf32, #tpu.memory_space<vmem>> -> memref<128x128xf32, #tpu.memory_space<vmem>>
        %dma_wait3A_294 = arith.constant 0 : i32
        %dma_wait3A_295 = tpu.memref_slice %arg4[%mul3A_288, %dma_wait3A_294] : memref<155648x128xf32, #tpu.memory_space<hbm>> -> memref<128x128xf32, #tpu.memory_space<hbm>>
        %dma_wait3A_296 = arith.constant 0 : i32
        %dma_wait3A_297 = tpu.memref_slice %arg4[%mul3A_288, %dma_wait3A_296] : memref<155648x128xf32, #tpu.memory_space<hbm>> -> memref<128x128xf32, #tpu.memory_space<hbm>>
        %dma_wait3A_298 = arith.constant 0 : i32
        %dma_wait3A_299 = arith.constant 0 : i32
        %dma_wait3A_300 = tpu.memref_slice %arg6[%dma_wait3A_289, %dma_wait3A_298, %dma_wait3A_299] : memref<4x128x128xf32, #tpu.memory_space<vmem>> -> memref<1x128x128xf32, #tpu.memory_space<vmem>>
        %dma_wait3A_301 = tpu.memref_squeeze %dma_wait3A_300 : memref<1x128x128xf32, #tpu.memory_space<vmem>> -> memref<128x128xf32, #tpu.memory_space<vmem>>
        tpu.wait_dma2 semaphore(%arg14 : memref<!tpu.dma_semaphore, #tpu.memory_space<semaphore_mem>>) src(%dma_wait3A_301 : memref<128x128xf32, #tpu.memory_space<vmem>>) dst(%dma_wait3A_297 : memref<128x128xf32, #tpu.memory_space<hbm>>)
      } else {
      }
      %add3A_193 = arith.constant 2 : i32
      %add3A_194 = arith.addi %add3A_160, %add3A_193 : i32
      %lt3A_195 = arith.constant 36 : i32
      %lt3A_196 = arith.cmpi slt, %add3A_194, %lt3A_195 : i32
      %convert_element_type3A_197 = arith.extui %lt3A_196 : i1 to i32
      %cond3A_198 = arith.constant 0 : i32
      %cond3A_199 = arith.cmpi ne, %convert_element_type3A_197, %cond3A_198 : i32
      scf.if %cond3A_199 {
        %add3A_286 = arith.constant 2 : i32
        %add3A_287 = arith.addi %add3A_160, %add3A_286 : i32
        %dma_start3A_288 = arith.constant 3 : i32
        %dma_start3A_289 = arith.constant 0 : i32
        %dma_start3A_290 = arith.constant 0 : i32
        %dma_start3A_291 = tpu.memref_slice %arg6[%dma_start3A_288, %dma_start3A_289, %dma_start3A_290] : memref<4x128x128xf32, #tpu.memory_space<vmem>> -> memref<1x128x128xf32, #tpu.memory_space<vmem>>
        %dma_start3A_292 = tpu.memref_squeeze %dma_start3A_291 : memref<1x128x128xf32, #tpu.memory_space<vmem>> -> memref<128x128xf32, #tpu.memory_space<vmem>>
        %dma_start3A_293 = arith.constant 0 : i32
        %dma_start3A_294 = tpu.memref_slice %arg5[%add3A_287, %dma_start3A_293] : memref<38x128xi32, #tpu.memory_space<vmem>> -> memref<1x128xi32, #tpu.memory_space<vmem>>
        %dma_start3A_295 = tpu.memref_squeeze %dma_start3A_294 : memref<1x128xi32, #tpu.memory_space<vmem>> -> memref<128xi32, #tpu.memory_space<vmem>>
        %dma_start3A_296 = arith.constant 0 : i32
        %dma_start3A_297 = arith.constant 0 : i32
        %dma_start3A_298 = tpu.memref_slice %arg2[%dma_start3A_296, %dma_start3A_297] : memref<10000x128xf32, #tpu.memory_space<hbm>> -> memref<10000x128xf32, #tpu.memory_space<hbm>>
        tpu.enqueue_indirect_dma source(%dma_start3A_298 : memref<10000x128xf32, #tpu.memory_space<hbm>>) target(%dma_start3A_292 : memref<128x128xf32, #tpu.memory_space<vmem>>) offsets(%dma_start3A_295 : memref<128xi32, #tpu.memory_space<vmem>>) semaphore(%arg10 : memref<!tpu.dma_semaphore, #tpu.memory_space<semaphore_mem>>)
      } else {
      }
      %mul3A_200 = arith.constant 4 : i32
      %mul3A_201 = arith.muli %scan3A_117, %mul3A_200 : i32
      %add3A_202 = arith.constant 2 : i32
      %add3A_203 = arith.addi %mul3A_201, %add3A_202 : i32
      %dma_wait3A_204 = arith.constant 2 : i32
      %dma_wait3A_205 = arith.constant 0 : i32
      %dma_wait3A_206 = arith.constant 0 : i32
      %dma_wait3A_207 = tpu.memref_slice %arg6[%dma_wait3A_204, %dma_wait3A_205, %dma_wait3A_206] : memref<4x128x128xf32, #tpu.memory_space<vmem>> -> memref<1x128x128xf32, #tpu.memory_space<vmem>>
      %dma_wait3A_208 = tpu.memref_squeeze %dma_wait3A_207 : memref<1x128x128xf32, #tpu.memory_space<vmem>> -> memref<128x128xf32, #tpu.memory_space<vmem>>
      %dma_wait3A_209 = arith.constant 0 : i32
      %dma_wait3A_210 = tpu.memref_slice %arg5[%add3A_203, %dma_wait3A_209] : memref<38x128xi32, #tpu.memory_space<vmem>> -> memref<1x128xi32, #tpu.memory_space<vmem>>
      %dma_wait3A_211 = tpu.memref_squeeze %dma_wait3A_210 : memref<1x128xi32, #tpu.memory_space<vmem>> -> memref<128xi32, #tpu.memory_space<vmem>>
      %dma_wait3A_212 = arith.constant 0 : i32
      %dma_wait3A_213 = arith.constant 0 : i32
      %dma_wait3A_214 = tpu.memref_slice %arg2[%dma_wait3A_212, %dma_wait3A_213] : memref<10000x128xf32, #tpu.memory_space<hbm>> -> memref<10000x128xf32, #tpu.memory_space<hbm>>
      tpu.wait_indirect_dma semaphore(%arg9 : memref<!tpu.dma_semaphore, #tpu.memory_space<semaphore_mem>>) src(%dma_wait3A_214 : memref<10000x128xf32, #tpu.memory_space<hbm>>) dst(%dma_wait3A_208 : memref<128x128xf32, #tpu.memory_space<vmem>>)
      %add3A_215 = arith.addi %mul3A_2, %add3A_203 : i32
      %mul3A_216 = arith.constant 128 : i32
      %mul3A_217 = arith.muli %add3A_215, %mul3A_216 : i32
      %dma_start3A_218 = arith.constant 2 : i32
      %dma_start3A_219 = arith.constant 0 : i32
      %dma_start3A_220 = arith.constant 0 : i32
      %dma_start3A_221 = tpu.memref_slice %arg6[%dma_start3A_218, %dma_start3A_219, %dma_start3A_220] : memref<4x128x128xf32, #tpu.memory_space<vmem>> -> memref<1x128x128xf32, #tpu.memory_space<vmem>>
      %dma_start3A_222 = tpu.memref_squeeze %dma_start3A_221 : memref<1x128x128xf32, #tpu.memory_space<vmem>> -> memref<128x128xf32, #tpu.memory_space<vmem>>
      %dma_start3A_223 = arith.constant 0 : i32
      %dma_start3A_224 = tpu.memref_slice %arg4[%mul3A_217, %dma_start3A_223] : memref<155648x128xf32, #tpu.memory_space<hbm>> -> memref<128x128xf32, #tpu.memory_space<hbm>>
      %dma_start3A_225 = arith.constant 0 : i32
      %dma_start3A_226 = tpu.memref_slice %arg4[%mul3A_217, %dma_start3A_225] : memref<155648x128xf32, #tpu.memory_space<hbm>> -> memref<128x128xf32, #tpu.memory_space<hbm>>
      %dma_start3A_227 = arith.constant 0 : i32
      %dma_start3A_228 = arith.constant 0 : i32
      %dma_start3A_229 = tpu.memref_slice %arg6[%dma_start3A_218, %dma_start3A_227, %dma_start3A_228] : memref<4x128x128xf32, #tpu.memory_space<vmem>> -> memref<1x128x128xf32, #tpu.memory_space<vmem>>
      %dma_start3A_230 = tpu.memref_squeeze %dma_start3A_229 : memref<1x128x128xf32, #tpu.memory_space<vmem>> -> memref<128x128xf32, #tpu.memory_space<vmem>>
      tpu.enqueue_dma source(%dma_start3A_230 : memref<128x128xf32, #tpu.memory_space<vmem>>) target(%dma_start3A_226 : memref<128x128xf32, #tpu.memory_space<hbm>>) target_semaphore(%arg13 : memref<!tpu.dma_semaphore, #tpu.memory_space<semaphore_mem>>)
      %ge3A_231 = arith.constant 2 : i32
      %ge3A_232 = arith.cmpi sge, %add3A_203, %ge3A_231 : i32
      %convert_element_type3A_233 = arith.extui %ge3A_232 : i1 to i32
      %cond3A_234 = arith.constant 0 : i32
      %cond3A_235 = arith.cmpi ne, %convert_element_type3A_233, %cond3A_234 : i32
      scf.if %cond3A_235 {
        %add3A_286 = arith.addi %mul3A_2, %add3A_203 : i32
        %mul3A_287 = arith.constant 128 : i32
        %mul3A_288 = arith.muli %add3A_286, %mul3A_287 : i32
        %dma_wait3A_289 = arith.constant 0 : i32
        %dma_wait3A_290 = arith.constant 0 : i32
        %dma_wait3A_291 = arith.constant 0 : i32
        %dma_wait3A_292 = tpu.memref_slice %arg6[%dma_wait3A_289, %dma_wait3A_290, %dma_wait3A_291] : memref<4x128x128xf32, #tpu.memory_space<vmem>> -> memref<1x128x128xf32, #tpu.memory_space<vmem>>
        %dma_wait3A_293 = tpu.memref_squeeze %dma_wait3A_292 : memref<1x128x128xf32, #tpu.memory_space<vmem>> -> memref<128x128xf32, #tpu.memory_space<vmem>>
        %dma_wait3A_294 = arith.constant 0 : i32
        %dma_wait3A_295 = tpu.memref_slice %arg4[%mul3A_288, %dma_wait3A_294] : memref<155648x128xf32, #tpu.memory_space<hbm>> -> memref<128x128xf32, #tpu.memory_space<hbm>>
        %dma_wait3A_296 = arith.constant 0 : i32
        %dma_wait3A_297 = tpu.memref_slice %arg4[%mul3A_288, %dma_wait3A_296] : memref<155648x128xf32, #tpu.memory_space<hbm>> -> memref<128x128xf32, #tpu.memory_space<hbm>>
        %dma_wait3A_298 = arith.constant 0 : i32
        %dma_wait3A_299 = arith.constant 0 : i32
        %dma_wait3A_300 = tpu.memref_slice %arg6[%dma_wait3A_289, %dma_wait3A_298, %dma_wait3A_299] : memref<4x128x128xf32, #tpu.memory_space<vmem>> -> memref<1x128x128xf32, #tpu.memory_space<vmem>>
        %dma_wait3A_301 = tpu.memref_squeeze %dma_wait3A_300 : memref<1x128x128xf32, #tpu.memory_space<vmem>> -> memref<128x128xf32, #tpu.memory_space<vmem>>
        tpu.wait_dma2 semaphore(%arg11 : memref<!tpu.dma_semaphore, #tpu.memory_space<semaphore_mem>>) src(%dma_wait3A_301 : memref<128x128xf32, #tpu.memory_space<vmem>>) dst(%dma_wait3A_297 : memref<128x128xf32, #tpu.memory_space<hbm>>)
      } else {
      }
      %add3A_236 = arith.constant 2 : i32
      %add3A_237 = arith.addi %add3A_203, %add3A_236 : i32
      %lt3A_238 = arith.constant 36 : i32
      %lt3A_239 = arith.cmpi slt, %add3A_237, %lt3A_238 : i32
      %convert_element_type3A_240 = arith.extui %lt3A_239 : i1 to i32
      %cond3A_241 = arith.constant 0 : i32
      %cond3A_242 = arith.cmpi ne, %convert_element_type3A_240, %cond3A_241 : i32
      scf.if %cond3A_242 {
        %add3A_286 = arith.constant 2 : i32
        %add3A_287 = arith.addi %add3A_203, %add3A_286 : i32
        %dma_start3A_288 = arith.constant 0 : i32
        %dma_start3A_289 = arith.constant 0 : i32
        %dma_start3A_290 = arith.constant 0 : i32
        %dma_start3A_291 = tpu.memref_slice %arg6[%dma_start3A_288, %dma_start3A_289, %dma_start3A_290] : memref<4x128x128xf32, #tpu.memory_space<vmem>> -> memref<1x128x128xf32, #tpu.memory_space<vmem>>
        %dma_start3A_292 = tpu.memref_squeeze %dma_start3A_291 : memref<1x128x128xf32, #tpu.memory_space<vmem>> -> memref<128x128xf32, #tpu.memory_space<vmem>>
        %dma_start3A_293 = arith.constant 0 : i32
        %dma_start3A_294 = tpu.memref_slice %arg5[%add3A_287, %dma_start3A_293] : memref<38x128xi32, #tpu.memory_space<vmem>> -> memref<1x128xi32, #tpu.memory_space<vmem>>
        %dma_start3A_295 = tpu.memref_squeeze %dma_start3A_294 : memref<1x128xi32, #tpu.memory_space<vmem>> -> memref<128xi32, #tpu.memory_space<vmem>>
        %dma_start3A_296 = arith.constant 0 : i32
        %dma_start3A_297 = arith.constant 0 : i32
        %dma_start3A_298 = tpu.memref_slice %arg2[%dma_start3A_296, %dma_start3A_297] : memref<10000x128xf32, #tpu.memory_space<hbm>> -> memref<10000x128xf32, #tpu.memory_space<hbm>>
        tpu.enqueue_indirect_dma source(%dma_start3A_298 : memref<10000x128xf32, #tpu.memory_space<hbm>>) target(%dma_start3A_292 : memref<128x128xf32, #tpu.memory_space<vmem>>) offsets(%dma_start3A_295 : memref<128xi32, #tpu.memory_space<vmem>>) semaphore(%arg7 : memref<!tpu.dma_semaphore, #tpu.memory_space<semaphore_mem>>)
      } else {
      }
      %mul3A_243 = arith.constant 4 : i32
      %mul3A_244 = arith.muli %scan3A_117, %mul3A_243 : i32
      %add3A_245 = arith.constant 3 : i32
      %add3A_246 = arith.addi %mul3A_244, %add3A_245 : i32
      %dma_wait3A_247 = arith.constant 3 : i32
      %dma_wait3A_248 = arith.constant 0 : i32
      %dma_wait3A_249 = arith.constant 0 : i32
      %dma_wait3A_250 = tpu.memref_slice %arg6[%dma_wait3A_247, %dma_wait3A_248, %dma_wait3A_249] : memref<4x128x128xf32, #tpu.memory_space<vmem>> -> memref<1x128x128xf32, #tpu.memory_space<vmem>>
      %dma_wait3A_251 = tpu.memref_squeeze %dma_wait3A_250 : memref<1x128x128xf32, #tpu.memory_space<vmem>> -> memref<128x128xf32, #tpu.memory_space<vmem>>
      %dma_wait3A_252 = arith.constant 0 : i32
      %dma_wait3A_253 = tpu.memref_slice %arg5[%add3A_246, %dma_wait3A_252] : memref<38x128xi32, #tpu.memory_space<vmem>> -> memref<1x128xi32, #tpu.memory_space<vmem>>
      %dma_wait3A_254 = tpu.memref_squeeze %dma_wait3A_253 : memref<1x128xi32, #tpu.memory_space<vmem>> -> memref<128xi32, #tpu.memory_space<vmem>>
      %dma_wait3A_255 = arith.constant 0 : i32
      %dma_wait3A_256 = arith.constant 0 : i32
      %dma_wait3A_257 = tpu.memref_slice %arg2[%dma_wait3A_255, %dma_wait3A_256] : memref<10000x128xf32, #tpu.memory_space<hbm>> -> memref<10000x128xf32, #tpu.memory_space<hbm>>
      tpu.wait_indirect_dma semaphore(%arg10 : memref<!tpu.dma_semaphore, #tpu.memory_space<semaphore_mem>>) src(%dma_wait3A_257 : memref<10000x128xf32, #tpu.memory_space<hbm>>) dst(%dma_wait3A_251 : memref<128x128xf32, #tpu.memory_space<vmem>>)
      %add3A_258 = arith.addi %mul3A_2, %add3A_246 : i32
      %mul3A_259 = arith.constant 128 : i32
      %mul3A_260 = arith.muli %add3A_258, %mul3A_259 : i32
      %dma_start3A_261 = arith.constant 3 : i32
      %dma_start3A_262 = arith.constant 0 : i32
      %dma_start3A_263 = arith.constant 0 : i32
      %dma_start3A_264 = tpu.memref_slice %arg6[%dma_start3A_261, %dma_start3A_262, %dma_start3A_263] : memref<4x128x128xf32, #tpu.memory_space<vmem>> -> memref<1x128x128xf32, #tpu.memory_space<vmem>>
      %dma_start3A_265 = tpu.memref_squeeze %dma_start3A_264 : memref<1x128x128xf32, #tpu.memory_space<vmem>> -> memref<128x128xf32, #tpu.memory_space<vmem>>
      %dma_start3A_266 = arith.constant 0 : i32
      %dma_start3A_267 = tpu.memref_slice %arg4[%mul3A_260, %dma_start3A_266] : memref<155648x128xf32, #tpu.memory_space<hbm>> -> memref<128x128xf32, #tpu.memory_space<hbm>>
      %dma_start3A_268 = arith.constant 0 : i32
      %dma_start3A_269 = tpu.memref_slice %arg4[%mul3A_260, %dma_start3A_268] : memref<155648x128xf32, #tpu.memory_space<hbm>> -> memref<128x128xf32, #tpu.memory_space<hbm>>
      %dma_start3A_270 = arith.constant 0 : i32
      %dma_start3A_271 = arith.constant 0 : i32
      %dma_start3A_272 = tpu.memref_slice %arg6[%dma_start3A_261, %dma_start3A_270, %dma_start3A_271] : memref<4x128x128xf32, #tpu.memory_space<vmem>> -> memref<1x128x128xf32, #tpu.memory_space<vmem>>
      %dma_start3A_273 = tpu.memref_squeeze %dma_start3A_272 : memref<1x128x128xf32, #tpu.memory_space<vmem>> -> memref<128x128xf32, #tpu.memory_space<vmem>>
      tpu.enqueue_dma source(%dma_start3A_273 : memref<128x128xf32, #tpu.memory_space<vmem>>) target(%dma_start3A_269 : memref<128x128xf32, #tpu.memory_space<hbm>>) target_semaphore(%arg14 : memref<!tpu.dma_semaphore, #tpu.memory_space<semaphore_mem>>)
      %ge3A_274 = arith.constant 2 : i32
      %ge3A_275 = arith.cmpi sge, %add3A_246, %ge3A_274 : i32
      %convert_element_type3A_276 = arith.extui %ge3A_275 : i1 to i32
      %cond3A_277 = arith.constant 0 : i32
      %cond3A_278 = arith.cmpi ne, %convert_element_type3A_276, %cond3A_277 : i32
      scf.if %cond3A_278 {
        %add3A_286 = arith.addi %mul3A_2, %add3A_246 : i32
        %mul3A_287 = arith.constant 128 : i32
        %mul3A_288 = arith.muli %add3A_286, %mul3A_287 : i32
        %dma_wait3A_289 = arith.constant 1 : i32
        %dma_wait3A_290 = arith.constant 0 : i32
        %dma_wait3A_291 = arith.constant 0 : i32
        %dma_wait3A_292 = tpu.memref_slice %arg6[%dma_wait3A_289, %dma_wait3A_290, %dma_wait3A_291] : memref<4x128x128xf32, #tpu.memory_space<vmem>> -> memref<1x128x128xf32, #tpu.memory_space<vmem>>
        %dma_wait3A_293 = tpu.memref_squeeze %dma_wait3A_292 : memref<1x128x128xf32, #tpu.memory_space<vmem>> -> memref<128x128xf32, #tpu.memory_space<vmem>>
        %dma_wait3A_294 = arith.constant 0 : i32
        %dma_wait3A_295 = tpu.memref_slice %arg4[%mul3A_288, %dma_wait3A_294] : memref<155648x128xf32, #tpu.memory_space<hbm>> -> memref<128x128xf32, #tpu.memory_space<hbm>>
        %dma_wait3A_296 = arith.constant 0 : i32
        %dma_wait3A_297 = tpu.memref_slice %arg4[%mul3A_288, %dma_wait3A_296] : memref<155648x128xf32, #tpu.memory_space<hbm>> -> memref<128x128xf32, #tpu.memory_space<hbm>>
        %dma_wait3A_298 = arith.constant 0 : i32
        %dma_wait3A_299 = arith.constant 0 : i32
        %dma_wait3A_300 = tpu.memref_slice %arg6[%dma_wait3A_289, %dma_wait3A_298, %dma_wait3A_299] : memref<4x128x128xf32, #tpu.memory_space<vmem>> -> memref<1x128x128xf32, #tpu.memory_space<vmem>>
        %dma_wait3A_301 = tpu.memref_squeeze %dma_wait3A_300 : memref<1x128x128xf32, #tpu.memory_space<vmem>> -> memref<128x128xf32, #tpu.memory_space<vmem>>
        tpu.wait_dma2 semaphore(%arg12 : memref<!tpu.dma_semaphore, #tpu.memory_space<semaphore_mem>>) src(%dma_wait3A_301 : memref<128x128xf32, #tpu.memory_space<vmem>>) dst(%dma_wait3A_297 : memref<128x128xf32, #tpu.memory_space<hbm>>)
      } else {
      }
      %add3A_279 = arith.constant 2 : i32
      %add3A_280 = arith.addi %add3A_246, %add3A_279 : i32
      %lt3A_281 = arith.constant 36 : i32
      %lt3A_282 = arith.cmpi slt, %add3A_280, %lt3A_281 : i32
      %convert_element_type3A_283 = arith.extui %lt3A_282 : i1 to i32
      %cond3A_284 = arith.constant 0 : i32
      %cond3A_285 = arith.cmpi ne, %convert_element_type3A_283, %cond3A_284 : i32
      scf.if %cond3A_285 {
        %add3A_286 = arith.constant 2 : i32
        %add3A_287 = arith.addi %add3A_246, %add3A_286 : i32
        %dma_start3A_288 = arith.constant 1 : i32
        %dma_start3A_289 = arith.constant 0 : i32
        %dma_start3A_290 = arith.constant 0 : i32
        %dma_start3A_291 = tpu.memref_slice %arg6[%dma_start3A_288, %dma_start3A_289, %dma_start3A_290] : memref<4x128x128xf32, #tpu.memory_space<vmem>> -> memref<1x128x128xf32, #tpu.memory_space<vmem>>
        %dma_start3A_292 = tpu.memref_squeeze %dma_start3A_291 : memref<1x128x128xf32, #tpu.memory_space<vmem>> -> memref<128x128xf32, #tpu.memory_space<vmem>>
        %dma_start3A_293 = arith.constant 0 : i32
        %dma_start3A_294 = tpu.memref_slice %arg5[%add3A_287, %dma_start3A_293] : memref<38x128xi32, #tpu.memory_space<vmem>> -> memref<1x128xi32, #tpu.memory_space<vmem>>
        %dma_start3A_295 = tpu.memref_squeeze %dma_start3A_294 : memref<1x128xi32, #tpu.memory_space<vmem>> -> memref<128xi32, #tpu.memory_space<vmem>>
        %dma_start3A_296 = arith.constant 0 : i32
        %dma_start3A_297 = arith.constant 0 : i32
        %dma_start3A_298 = tpu.memref_slice %arg2[%dma_start3A_296, %dma_start3A_297] : memref<10000x128xf32, #tpu.memory_space<hbm>> -> memref<10000x128xf32, #tpu.memory_space<hbm>>
        tpu.enqueue_indirect_dma source(%dma_start3A_298 : memref<10000x128xf32, #tpu.memory_space<hbm>>) target(%dma_start3A_292 : memref<128x128xf32, #tpu.memory_space<vmem>>) offsets(%dma_start3A_295 : memref<128xi32, #tpu.memory_space<vmem>>) semaphore(%arg8 : memref<!tpu.dma_semaphore, #tpu.memory_space<semaphore_mem>>)
      } else {
      }
    }
    %scan3A_30 = arith.constant 9 : i32
    %mul3A_31 = arith.constant 128 : i32
    %mul3A_32 = arith.muli %mul3A_2, %mul3A_31 : i32
    %dma_wait3A = arith.constant 2 : i32
    %dma_wait3A_33 = arith.constant 0 : i32
    %dma_wait3A_34 = arith.constant 0 : i32
    %dma_wait3A_35 = tpu.memref_slice %arg6[%dma_wait3A, %dma_wait3A_33, %dma_wait3A_34] : memref<4x128x128xf32, #tpu.memory_space<vmem>> -> memref<1x128x128xf32, #tpu.memory_space<vmem>>
    %dma_wait3A_36 = tpu.memref_squeeze %dma_wait3A_35 : memref<1x128x128xf32, #tpu.memory_space<vmem>> -> memref<128x128xf32, #tpu.memory_space<vmem>>
    %dma_wait3A_37 = arith.constant 0 : i32
    %dma_wait3A_38 = tpu.memref_slice %arg4[%mul3A_32, %dma_wait3A_37] : memref<155648x128xf32, #tpu.memory_space<hbm>> -> memref<128x128xf32, #tpu.memory_space<hbm>>
    %dma_wait3A_39 = arith.constant 0 : i32
    %dma_wait3A_40 = tpu.memref_slice %arg4[%mul3A_32, %dma_wait3A_39] : memref<155648x128xf32, #tpu.memory_space<hbm>> -> memref<128x128xf32, #tpu.memory_space<hbm>>
    %dma_wait3A_41 = arith.constant 0 : i32
    %dma_wait3A_42 = arith.constant 0 : i32
    %dma_wait3A_43 = tpu.memref_slice %arg6[%dma_wait3A, %dma_wait3A_41, %dma_wait3A_42] : memref<4x128x128xf32, #tpu.memory_space<vmem>> -> memref<1x128x128xf32, #tpu.memory_space<vmem>>
    %dma_wait3A_44 = tpu.memref_squeeze %dma_wait3A_43 : memref<1x128x128xf32, #tpu.memory_space<vmem>> -> memref<128x128xf32, #tpu.memory_space<vmem>>
    tpu.wait_dma2 semaphore(%arg13 : memref<!tpu.dma_semaphore, #tpu.memory_space<semaphore_mem>>) src(%dma_wait3A_44 : memref<128x128xf32, #tpu.memory_space<vmem>>) dst(%dma_wait3A_40 : memref<128x128xf32, #tpu.memory_space<hbm>>)
    %mul3A_45 = arith.constant 128 : i32
    %mul3A_46 = arith.muli %mul3A_2, %mul3A_45 : i32
    %dma_wait3A_47 = arith.constant 3 : i32
    %dma_wait3A_48 = arith.constant 0 : i32
    %dma_wait3A_49 = arith.constant 0 : i32
    %dma_wait3A_50 = tpu.memref_slice %arg6[%dma_wait3A_47, %dma_wait3A_48, %dma_wait3A_49] : memref<4x128x128xf32, #tpu.memory_space<vmem>> -> memref<1x128x128xf32, #tpu.memory_space<vmem>>
    %dma_wait3A_51 = tpu.memref_squeeze %dma_wait3A_50 : memref<1x128x128xf32, #tpu.memory_space<vmem>> -> memref<128x128xf32, #tpu.memory_space<vmem>>
    %dma_wait3A_52 = arith.constant 0 : i32
    %dma_wait3A_53 = tpu.memref_slice %arg4[%mul3A_46, %dma_wait3A_52] : memref<155648x128xf32, #tpu.memory_space<hbm>> -> memref<128x128xf32, #tpu.memory_space<hbm>>
    %dma_wait3A_54 = arith.constant 0 : i32
    %dma_wait3A_55 = tpu.memref_slice %arg4[%mul3A_46, %dma_wait3A_54] : memref<155648x128xf32, #tpu.memory_space<hbm>> -> memref<128x128xf32, #tpu.memory_space<hbm>>
    %dma_wait3A_56 = arith.constant 0 : i32
    %dma_wait3A_57 = arith.constant 0 : i32
    %dma_wait3A_58 = tpu.memref_slice %arg6[%dma_wait3A_47, %dma_wait3A_56, %dma_wait3A_57] : memref<4x128x128xf32, #tpu.memory_space<vmem>> -> memref<1x128x128xf32, #tpu.memory_space<vmem>>
    %dma_wait3A_59 = tpu.memref_squeeze %dma_wait3A_58 : memref<1x128x128xf32, #tpu.memory_space<vmem>> -> memref<128x128xf32, #tpu.memory_space<vmem>>
    tpu.wait_dma2 semaphore(%arg14 : memref<!tpu.dma_semaphore, #tpu.memory_space<semaphore_mem>>) src(%dma_wait3A_59 : memref<128x128xf32, #tpu.memory_space<vmem>>) dst(%dma_wait3A_55 : memref<128x128xf32, #tpu.memory_space<hbm>>)
    %dma_start3A_60 = arith.constant 36 : i32
    %dma_start3A_61 = arith.constant 0 : i32
    %dma_start3A_62 = arith.constant 0 : i32
    %dma_start3A_63 = arith.constant 0 : i32
    %dma_start3A_64 = tpu.memref_slice %arg6[%dma_start3A_61, %dma_start3A_62, %dma_start3A_63] : memref<4x128x128xf32, #tpu.memory_space<vmem>> -> memref<1x128x128xf32, #tpu.memory_space<vmem>>
    %dma_start3A_65 = tpu.memref_squeeze %dma_start3A_64 : memref<1x128x128xf32, #tpu.memory_space<vmem>> -> memref<128x128xf32, #tpu.memory_space<vmem>>
    %dma_start3A_66 = arith.constant 0 : i32
    %dma_start3A_67 = tpu.memref_slice %arg5[%dma_start3A_60, %dma_start3A_66] : memref<38x128xi32, #tpu.memory_space<vmem>> -> memref<1x128xi32, #tpu.memory_space<vmem>>
    %dma_start3A_68 = tpu.memref_squeeze %dma_start3A_67 : memref<1x128xi32, #tpu.memory_space<vmem>> -> memref<128xi32, #tpu.memory_space<vmem>>
    %dma_start3A_69 = arith.constant 0 : i32
    %dma_start3A_70 = arith.constant 0 : i32
    %dma_start3A_71 = tpu.memref_slice %arg2[%dma_start3A_69, %dma_start3A_70] : memref<10000x128xf32, #tpu.memory_space<hbm>> -> memref<10000x128xf32, #tpu.memory_space<hbm>>
    tpu.enqueue_indirect_dma source(%dma_start3A_71 : memref<10000x128xf32, #tpu.memory_space<hbm>>) target(%dma_start3A_65 : memref<128x128xf32, #tpu.memory_space<vmem>>) offsets(%dma_start3A_68 : memref<128xi32, #tpu.memory_space<vmem>>) semaphore(%arg7 : memref<!tpu.dma_semaphore, #tpu.memory_space<semaphore_mem>>)
    %dma_wait3A_72 = arith.constant 36 : i32
    %dma_wait3A_73 = arith.constant 0 : i32
    %dma_wait3A_74 = arith.constant 0 : i32
    %dma_wait3A_75 = arith.constant 0 : i32
    %dma_wait3A_76 = tpu.memref_slice %arg6[%dma_wait3A_73, %dma_wait3A_74, %dma_wait3A_75] : memref<4x128x128xf32, #tpu.memory_space<vmem>> -> memref<1x128x128xf32, #tpu.memory_space<vmem>>
    %dma_wait3A_77 = tpu.memref_squeeze %dma_wait3A_76 : memref<1x128x128xf32, #tpu.memory_space<vmem>> -> memref<128x128xf32, #tpu.memory_space<vmem>>
    %dma_wait3A_78 = arith.constant 0 : i32
    %dma_wait3A_79 = tpu.memref_slice %arg5[%dma_wait3A_72, %dma_wait3A_78] : memref<38x128xi32, #tpu.memory_space<vmem>> -> memref<1x128xi32, #tpu.memory_space<vmem>>
    %dma_wait3A_80 = tpu.memref_squeeze %dma_wait3A_79 : memref<1x128xi32, #tpu.memory_space<vmem>> -> memref<128xi32, #tpu.memory_space<vmem>>
    %dma_wait3A_81 = arith.constant 0 : i32
    %dma_wait3A_82 = arith.constant 0 : i32
    %dma_wait3A_83 = tpu.memref_slice %arg2[%dma_wait3A_81, %dma_wait3A_82] : memref<10000x128xf32, #tpu.memory_space<hbm>> -> memref<10000x128xf32, #tpu.memory_space<hbm>>
    tpu.wait_indirect_dma semaphore(%arg7 : memref<!tpu.dma_semaphore, #tpu.memory_space<semaphore_mem>>) src(%dma_wait3A_83 : memref<10000x128xf32, #tpu.memory_space<hbm>>) dst(%dma_wait3A_77 : memref<128x128xf32, #tpu.memory_space<vmem>>)
    %add3A_84 = arith.constant 36 : i32
    %add3A_85 = arith.addi %mul3A_2, %add3A_84 : i32
    %mul3A_86 = arith.constant 128 : i32
    %mul3A_87 = arith.muli %add3A_85, %mul3A_86 : i32
    %run_scoped3A = arith.constant 0 : i32
    "tpu.region"() ({
      %run_scoped3A_117 = tpu.sem_alloc : memref<!tpu.dma_semaphore, #tpu.memory_space<semaphore_mem>>
      %dma_start3A_118 = arith.constant 0 : i32
      %dma_start3A_119 = arith.constant 0 : i32
      %dma_start3A_120 = tpu.memref_slice %arg6[%run_scoped3A, %dma_start3A_118, %dma_start3A_119] : memref<4x128x128xf32, #tpu.memory_space<vmem>> -> memref<1x128x128xf32, #tpu.memory_space<vmem>>
      %dma_start3A_121 = tpu.memref_squeeze %dma_start3A_120 : memref<1x128x128xf32, #tpu.memory_space<vmem>> -> memref<128x128xf32, #tpu.memory_space<vmem>>
      %dma_start3A_122 = arith.constant 0 : i32
      %dma_start3A_123 = tpu.memref_slice %arg4[%mul3A_87, %dma_start3A_122] : memref<155648x128xf32, #tpu.memory_space<hbm>> -> memref<128x128xf32, #tpu.memory_space<hbm>>
      %dma_start3A_124 = arith.constant 0 : i32
      %dma_start3A_125 = tpu.memref_slice %arg4[%mul3A_87, %dma_start3A_124] : memref<155648x128xf32, #tpu.memory_space<hbm>> -> memref<128x128xf32, #tpu.memory_space<hbm>>
      %dma_start3A_126 = arith.constant 0 : i32
      %dma_start3A_127 = arith.constant 0 : i32
      %dma_start3A_128 = tpu.memref_slice %arg6[%run_scoped3A, %dma_start3A_126, %dma_start3A_127] : memref<4x128x128xf32, #tpu.memory_space<vmem>> -> memref<1x128x128xf32, #tpu.memory_space<vmem>>
      %dma_start3A_129 = tpu.memref_squeeze %dma_start3A_128 : memref<1x128x128xf32, #tpu.memory_space<vmem>> -> memref<128x128xf32, #tpu.memory_space<vmem>>
      tpu.enqueue_dma source(%dma_start3A_129 : memref<128x128xf32, #tpu.memory_space<vmem>>) target(%dma_start3A_125 : memref<128x128xf32, #tpu.memory_space<hbm>>) target_semaphore(%run_scoped3A_117 : memref<!tpu.dma_semaphore, #tpu.memory_space<semaphore_mem>>)
      %dma_wait3A_130 = arith.constant 0 : i32
      %dma_wait3A_131 = arith.constant 0 : i32
      %dma_wait3A_132 = tpu.memref_slice %arg6[%run_scoped3A, %dma_wait3A_130, %dma_wait3A_131] : memref<4x128x128xf32, #tpu.memory_space<vmem>> -> memref<1x128x128xf32, #tpu.memory_space<vmem>>
      %dma_wait3A_133 = tpu.memref_squeeze %dma_wait3A_132 : memref<1x128x128xf32, #tpu.memory_space<vmem>> -> memref<128x128xf32, #tpu.memory_space<vmem>>
      %dma_wait3A_134 = arith.constant 0 : i32
      %dma_wait3A_135 = tpu.memref_slice %arg4[%mul3A_87, %dma_wait3A_134] : memref<155648x128xf32, #tpu.memory_space<hbm>> -> memref<128x128xf32, #tpu.memory_space<hbm>>
      %dma_wait3A_136 = arith.constant 0 : i32
      %dma_wait3A_137 = tpu.memref_slice %arg4[%mul3A_87, %dma_wait3A_136] : memref<155648x128xf32, #tpu.memory_space<hbm>> -> memref<128x128xf32, #tpu.memory_space<hbm>>
      %dma_wait3A_138 = arith.constant 0 : i32
      %dma_wait3A_139 = arith.constant 0 : i32
      %dma_wait3A_140 = tpu.memref_slice %arg6[%run_scoped3A, %dma_wait3A_138, %dma_wait3A_139] : memref<4x128x128xf32, #tpu.memory_space<vmem>> -> memref<1x128x128xf32, #tpu.memory_space<vmem>>
      %dma_wait3A_141 = tpu.memref_squeeze %dma_wait3A_140 : memref<1x128x128xf32, #tpu.memory_space<vmem>> -> memref<128x128xf32, #tpu.memory_space<vmem>>
      tpu.wait_dma2 semaphore(%run_scoped3A_117 : memref<!tpu.dma_semaphore, #tpu.memory_space<semaphore_mem>>) src(%dma_wait3A_141 : memref<128x128xf32, #tpu.memory_space<vmem>>) dst(%dma_wait3A_137 : memref<128x128xf32, #tpu.memory_space<hbm>>)
      tpu.yield
    }) : () -> ()
    %dma_start3A_88 = arith.constant 37 : i32
    %dma_start3A_89 = arith.constant 0 : i32
    %dma_start3A_90 = arith.constant 0 : i32
    %dma_start3A_91 = arith.constant 0 : i32
    %dma_start3A_92 = tpu.memref_slice %arg6[%dma_start3A_89, %dma_start3A_90, %dma_start3A_91] : memref<4x128x128xf32, #tpu.memory_space<vmem>> -> memref<1x128x128xf32, #tpu.memory_space<vmem>>
    %dma_start3A_93 = tpu.memref_squeeze %dma_start3A_92 : memref<1x128x128xf32, #tpu.memory_space<vmem>> -> memref<128x128xf32, #tpu.memory_space<vmem>>
    %dma_start3A_94 = arith.constant 0 : i32
    %dma_start3A_95 = tpu.memref_slice %arg5[%dma_start3A_88, %dma_start3A_94] : memref<38x128xi32, #tpu.memory_space<vmem>> -> memref<1x128xi32, #tpu.memory_space<vmem>>
    %dma_start3A_96 = tpu.memref_squeeze %dma_start3A_95 : memref<1x128xi32, #tpu.memory_space<vmem>> -> memref<128xi32, #tpu.memory_space<vmem>>
    %dma_start3A_97 = arith.constant 0 : i32
    %dma_start3A_98 = arith.constant 0 : i32
    %dma_start3A_99 = tpu.memref_slice %arg2[%dma_start3A_97, %dma_start3A_98] : memref<10000x128xf32, #tpu.memory_space<hbm>> -> memref<10000x128xf32, #tpu.memory_space<hbm>>
    tpu.enqueue_indirect_dma source(%dma_start3A_99 : memref<10000x128xf32, #tpu.memory_space<hbm>>) target(%dma_start3A_93 : memref<128x128xf32, #tpu.memory_space<vmem>>) offsets(%dma_start3A_96 : memref<128xi32, #tpu.memory_space<vmem>>) semaphore(%arg7 : memref<!tpu.dma_semaphore, #tpu.memory_space<semaphore_mem>>)
    %dma_wait3A_100 = arith.constant 37 : i32
    %dma_wait3A_101 = arith.constant 0 : i32
    %dma_wait3A_102 = arith.constant 0 : i32
    %dma_wait3A_103 = arith.constant 0 : i32
    %dma_wait3A_104 = tpu.memref_slice %arg6[%dma_wait3A_101, %dma_wait3A_102, %dma_wait3A_103] : memref<4x128x128xf32, #tpu.memory_space<vmem>> -> memref<1x128x128xf32, #tpu.memory_space<vmem>>
    %dma_wait3A_105 = tpu.memref_squeeze %dma_wait3A_104 : memref<1x128x128xf32, #tpu.memory_space<vmem>> -> memref<128x128xf32, #tpu.memory_space<vmem>>
    %dma_wait3A_106 = arith.constant 0 : i32
    %dma_wait3A_107 = tpu.memref_slice %arg5[%dma_wait3A_100, %dma_wait3A_106] : memref<38x128xi32, #tpu.memory_space<vmem>> -> memref<1x128xi32, #tpu.memory_space<vmem>>
    %dma_wait3A_108 = tpu.memref_squeeze %dma_wait3A_107 : memref<1x128xi32, #tpu.memory_space<vmem>> -> memref<128xi32, #tpu.memory_space<vmem>>
    %dma_wait3A_109 = arith.constant 0 : i32
    %dma_wait3A_110 = arith.constant 0 : i32
    %dma_wait3A_111 = tpu.memref_slice %arg2[%dma_wait3A_109, %dma_wait3A_110] : memref<10000x128xf32, #tpu.memory_space<hbm>> -> memref<10000x128xf32, #tpu.memory_space<hbm>>
    tpu.wait_indirect_dma semaphore(%arg7 : memref<!tpu.dma_semaphore, #tpu.memory_space<semaphore_mem>>) src(%dma_wait3A_111 : memref<10000x128xf32, #tpu.memory_space<hbm>>) dst(%dma_wait3A_105 : memref<128x128xf32, #tpu.memory_space<vmem>>)
    %add3A_112 = arith.constant 37 : i32
    %add3A_113 = arith.addi %mul3A_2, %add3A_112 : i32
    %mul3A_114 = arith.constant 128 : i32
    %mul3A_115 = arith.muli %add3A_113, %mul3A_114 : i32
    %run_scoped3A_116 = arith.constant 0 : i32
    "tpu.region"() ({
      %run_scoped3A_117 = tpu.sem_alloc : memref<!tpu.dma_semaphore, #tpu.memory_space<semaphore_mem>>
      %dma_start3A_118 = arith.constant 0 : i32
      %dma_start3A_119 = arith.constant 0 : i32
      %dma_start3A_120 = tpu.memref_slice %arg6[%run_scoped3A_116, %dma_start3A_118, %dma_start3A_119] : memref<4x128x128xf32, #tpu.memory_space<vmem>> -> memref<1x128x128xf32, #tpu.memory_space<vmem>>
      %dma_start3A_121 = tpu.memref_squeeze %dma_start3A_120 : memref<1x128x128xf32, #tpu.memory_space<vmem>> -> memref<128x128xf32, #tpu.memory_space<vmem>>
      %dma_start3A_122 = arith.constant 0 : i32
      %dma_start3A_123 = tpu.memref_slice %arg4[%mul3A_115, %dma_start3A_122] : memref<155648x128xf32, #tpu.memory_space<hbm>> -> memref<128x128xf32, #tpu.memory_space<hbm>>
      %dma_start3A_124 = arith.constant 0 : i32
      %dma_start3A_125 = tpu.memref_slice %arg4[%mul3A_115, %dma_start3A_124] : memref<155648x128xf32, #tpu.memory_space<hbm>> -> memref<128x128xf32, #tpu.memory_space<hbm>>
      %dma_start3A_126 = arith.constant 0 : i32
      %dma_start3A_127 = arith.constant 0 : i32
      %dma_start3A_128 = tpu.memref_slice %arg6[%run_scoped3A_116, %dma_start3A_126, %dma_start3A_127] : memref<4x128x128xf32, #tpu.memory_space<vmem>> -> memref<1x128x128xf32, #tpu.memory_space<vmem>>
      %dma_start3A_129 = tpu.memref_squeeze %dma_start3A_128 : memref<1x128x128xf32, #tpu.memory_space<vmem>> -> memref<128x128xf32, #tpu.memory_space<vmem>>
      tpu.enqueue_dma source(%dma_start3A_129 : memref<128x128xf32, #tpu.memory_space<vmem>>) target(%dma_start3A_125 : memref<128x128xf32, #tpu.memory_space<hbm>>) target_semaphore(%run_scoped3A_117 : memref<!tpu.dma_semaphore, #tpu.memory_space<semaphore_mem>>)
      %dma_wait3A_130 = arith.constant 0 : i32
      %dma_wait3A_131 = arith.constant 0 : i32
      %dma_wait3A_132 = tpu.memref_slice %arg6[%run_scoped3A_116, %dma_wait3A_130, %dma_wait3A_131] : memref<4x128x128xf32, #tpu.memory_space<vmem>> -> memref<1x128x128xf32, #tpu.memory_space<vmem>>
      %dma_wait3A_133 = tpu.memref_squeeze %dma_wait3A_132 : memref<1x128x128xf32, #tpu.memory_space<vmem>> -> memref<128x128xf32, #tpu.memory_space<vmem>>
      %dma_wait3A_134 = arith.constant 0 : i32
      %dma_wait3A_135 = tpu.memref_slice %arg4[%mul3A_115, %dma_wait3A_134] : memref<155648x128xf32, #tpu.memory_space<hbm>> -> memref<128x128xf32, #tpu.memory_space<hbm>>
      %dma_wait3A_136 = arith.constant 0 : i32
      %dma_wait3A_137 = tpu.memref_slice %arg4[%mul3A_115, %dma_wait3A_136] : memref<155648x128xf32, #tpu.memory_space<hbm>> -> memref<128x128xf32, #tpu.memory_space<hbm>>
      %dma_wait3A_138 = arith.constant 0 : i32
      %dma_wait3A_139 = arith.constant 0 : i32
      %dma_wait3A_140 = tpu.memref_slice %arg6[%run_scoped3A_116, %dma_wait3A_138, %dma_wait3A_139] : memref<4x128x128xf32, #tpu.memory_space<vmem>> -> memref<1x128x128xf32, #tpu.memory_space<vmem>>
      %dma_wait3A_141 = tpu.memref_squeeze %dma_wait3A_140 : memref<1x128x128xf32, #tpu.memory_space<vmem>> -> memref<128x128xf32, #tpu.memory_space<vmem>>
      tpu.wait_dma2 semaphore(%run_scoped3A_117 : memref<!tpu.dma_semaphore, #tpu.memory_space<semaphore_mem>>) src(%dma_wait3A_141 : memref<128x128xf32, #tpu.memory_space<vmem>>) dst(%dma_wait3A_137 : memref<128x128xf32, #tpu.memory_space<hbm>>)
      tpu.yield
    }) : () -> ()
    return
  }
}

#map = affine_map<(d0, d1) -> (0, 0)>
#map1 = affine_map<(d0, d1) -> (0, 0, 0)>
module attributes {stable_mosaic.version = 14 : i64} {
  func.func @gather_k(%arg0: i32, %arg1: i32, %arg2: memref<10000x128xf32, #tpu.memory_space<hbm>>, %arg3: memref<32x38x128xi32, #tpu.memory_space<hbm>>, %arg4: memref<155648x128xf32, #tpu.memory_space<hbm>>, %arg5: memref<38x128xi32, #tpu.memory_space<vmem>>, %arg6: memref<4x128x128xf32, #tpu.memory_space<vmem>>, %arg7: memref<!tpu.dma_semaphore, #tpu.memory_space<semaphore_mem>>, %arg8: memref<!tpu.dma_semaphore, #tpu.memory_space<semaphore_mem>>, %arg9: memref<!tpu.dma_semaphore, #tpu.memory_space<semaphore_mem>>, %arg10: memref<!tpu.dma_semaphore, #tpu.memory_space<semaphore_mem>>, %arg11: memref<!tpu.dma_semaphore, #tpu.memory_space<semaphore_mem>>, %arg12: memref<!tpu.dma_semaphore, #tpu.memory_space<semaphore_mem>>, %arg13: memref<!tpu.dma_semaphore, #tpu.memory_space<semaphore_mem>>, %arg14: memref<!tpu.dma_semaphore, #tpu.memory_space<semaphore_mem>>) attributes {dimension_semantics = [#tpu.dimension_semantics<core_parallel>, #tpu.dimension_semantics<subcore_parallel>], iteration_bounds = array<i64: 2, 16>, scalar_prefetch = 0 : i64, scratch_operands = 10 : i64, tpu.core_type = #tpu.core_type<sc_vector_subcore>, window_params = [{transform_indices = #map}, {transform_indices = #map1}, {transform_indices = #map}]} {
    %mul3A = arith.constant 2 : i32
    %mul3A_0 = arith.muli %arg1, %mul3A : i32
    %add3A = arith.addi %mul3A_0, %arg0 : i32
    %mul3A_1 = arith.constant 38 : i32
    %mul3A_2 = arith.muli %add3A, %mul3A_1 : i32
    "tpu.region"() ({
      %run_scoped3A_117 = tpu.sem_alloc : memref<!tpu.dma_semaphore, #tpu.memory_space<semaphore_mem>>
      %dma_start3A_118 = arith.constant 0 : i32
      %dma_start3A_119 = arith.constant 0 : i32
      %dma_start3A_120 = tpu.memref_slice %arg3[%add3A, %dma_start3A_118, %dma_start3A_119] : memref<32x38x128xi32, #tpu.memory_space<hbm>> -> memref<1x38x128xi32, #tpu.memory_space<hbm>>
      %dma_start3A_121 = tpu.memref_squeeze %dma_start3A_120 : memref<1x38x128xi32, #tpu.memory_space<hbm>> -> memref<38x128xi32, #tpu.memory_space<hbm>>
      %dma_start3A_122 = arith.constant 0 : i32
      %dma_start3A_123 = arith.constant 0 : i32
      %dma_start3A_124 = tpu.memref_slice %arg3[%add3A, %dma_start3A_122, %dma_start3A_123] : memref<32x38x128xi32, #tpu.memory_space<hbm>> -> memref<1x38x128xi32, #tpu.memory_space<hbm>>
      %dma_start3A_125 = tpu.memref_squeeze %dma_start3A_124 : memref<1x38x128xi32, #tpu.memory_space<hbm>> -> memref<38x128xi32, #tpu.memory_space<hbm>>
      tpu.enqueue_dma source(%dma_start3A_125 : memref<38x128xi32, #tpu.memory_space<hbm>>) target(%arg5 : memref<38x128xi32, #tpu.memory_space<vmem>>) target_semaphore(%run_scoped3A_117 : memref<!tpu.dma_semaphore, #tpu.memory_space<semaphore_mem>>)
      %dma_wait3A_126 = arith.constant 0 : i32
      %dma_wait3A_127 = arith.constant 0 : i32
      %dma_wait3A_128 = tpu.memref_slice %arg3[%add3A, %dma_wait3A_126, %dma_wait3A_127] : memref<32x38x128xi32, #tpu.memory_space<hbm>> -> memref<1x38x128xi32, #tpu.memory_space<hbm>>
      %dma_wait3A_129 = tpu.memref_squeeze %dma_wait3A_128 : memref<1x38x128xi32, #tpu.memory_space<hbm>> -> memref<38x128xi32, #tpu.memory_space<hbm>>
      %dma_wait3A_130 = arith.constant 0 : i32
      %dma_wait3A_131 = arith.constant 0 : i32
      %dma_wait3A_132 = tpu.memref_slice %arg3[%add3A, %dma_wait3A_130, %dma_wait3A_131] : memref<32x38x128xi32, #tpu.memory_space<hbm>> -> memref<1x38x128xi32, #tpu.memory_space<hbm>>
      %dma_wait3A_133 = tpu.memref_squeeze %dma_wait3A_132 : memref<1x38x128xi32, #tpu.memory_space<hbm>> -> memref<38x128xi32, #tpu.memory_space<hbm>>
      tpu.wait_dma2 semaphore(%run_scoped3A_117 : memref<!tpu.dma_semaphore, #tpu.memory_space<semaphore_mem>>) src(%dma_wait3A_133 : memref<38x128xi32, #tpu.memory_space<hbm>>) dst(%arg5 : memref<38x128xi32, #tpu.memory_space<vmem>>)
      tpu.yield
    }) : () -> ()
    %dma_start3A = arith.constant 0 : i32
    %dma_start3A_3 = arith.constant 0 : i32
    %dma_start3A_4 = arith.constant 0 : i32
    %dma_start3A_5 = arith.constant 0 : i32
    %dma_start3A_6 = tpu.memref_slice %arg6[%dma_start3A_3, %dma_start3A_4, %dma_start3A_5] : memref<4x128x128xf32, #tpu.memory_space<vmem>> -> memref<1x128x128xf32, #tpu.memory_space<vmem>>
    %dma_start3A_7 = tpu.memref_squeeze %dma_start3A_6 : memref<1x128x128xf32, #tpu.memory_space<vmem>> -> memref<128x128xf32, #tpu.memory_space<vmem>>
    %dma_start3A_8 = arith.constant 0 : i32
    %dma_start3A_9 = tpu.memref_slice %arg5[%dma_start3A, %dma_start3A_8] : memref<38x128xi32, #tpu.memory_space<vmem>> -> memref<1x128xi32, #tpu.memory_space<vmem>>
    %dma_start3A_10 = tpu.memref_squeeze %dma_start3A_9 : memref<1x128xi32, #tpu.memory_space<vmem>> -> memref<128xi32, #tpu.memory_space<vmem>>
    %dma_start3A_11 = arith.constant 0 : i32
    %dma_start3A_12 = arith.constant 0 : i32
    %dma_start3A_13 = tpu.memref_slice %arg2[%dma_start3A_11, %dma_start3A_12] : memref<10000x128xf32, #tpu.memory_space<hbm>> -> memref<10000x128xf32, #tpu.memory_space<hbm>>
    tpu.enqueue_indirect_dma source(%dma_start3A_13 : memref<10000x128xf32, #tpu.memory_space<hbm>>) target(%dma_start3A_7 : memref<128x128xf32, #tpu.memory_space<vmem>>) offsets(%dma_start3A_10 : memref<128xi32, #tpu.memory_space<vmem>>) semaphore(%arg7 : memref<!tpu.dma_semaphore, #tpu.memory_space<semaphore_mem>>)
    %dma_start3A_14 = arith.constant 1 : i32
    %dma_start3A_15 = arith.constant 1 : i32
    %dma_start3A_16 = arith.constant 0 : i32
    %dma_start3A_17 = arith.constant 0 : i32
    %dma_start3A_18 = tpu.memref_slice %arg6[%dma_start3A_15, %dma_start3A_16, %dma_start3A_17] : memref<4x128x128xf32, #tpu.memory_space<vmem>> -> memref<1x128x128xf32, #tpu.memory_space<vmem>>
    %dma_start3A_19 = tpu.memref_squeeze %dma_start3A_18 : memref<1x128x128xf32, #tpu.memory_space<vmem>> -> memref<128x128xf32, #tpu.memory_space<vmem>>
    %dma_start3A_20 = arith.constant 0 : i32
    %dma_start3A_21 = tpu.memref_slice %arg5[%dma_start3A_14, %dma_start3A_20] : memref<38x128xi32, #tpu.memory_space<vmem>> -> memref<1x128xi32, #tpu.memory_space<vmem>>
    %dma_start3A_22 = tpu.memref_squeeze %dma_start3A_21 : memref<1x128xi32, #tpu.memory_space<vmem>> -> memref<128xi32, #tpu.memory_space<vmem>>
    %dma_start3A_23 = arith.constant 0 : i32
    %dma_start3A_24 = arith.constant 0 : i32
    %dma_start3A_25 = tpu.memref_slice %arg2[%dma_start3A_23, %dma_start3A_24] : memref<10000x128xf32, #tpu.memory_space<hbm>> -> memref<10000x128xf32, #tpu.memory_space<hbm>>
    tpu.enqueue_indirect_dma source(%dma_start3A_25 : memref<10000x128xf32, #tpu.memory_space<hbm>>) target(%dma_start3A_19 : memref<128x128xf32, #tpu.memory_space<vmem>>) offsets(%dma_start3A_22 : memref<128xi32, #tpu.memory_space<vmem>>) semaphore(%arg8 : memref<!tpu.dma_semaphore, #tpu.memory_space<semaphore_mem>>)
    %scan3A = arith.constant 0 : i32
    %scan3A_26 = arith.constant 0 : i32
    %scan3A_27 = arith.constant 9 : i32
    %scan3A_28 = arith.addi %scan3A_26, %scan3A_27 : i32
    %scan3A_29 = arith.constant 1 : i32
    scf.for %scan3A_117 = %scan3A_26 to %scan3A_28 step %scan3A_29  : i32 {
      %mul3A_118 = arith.constant 4 : i32
      %mul3A_119 = arith.muli %scan3A_117, %mul3A_118 : i32
      %add3A_120 = arith.constant 0 : i32
      %add3A_121 = arith.addi %mul3A_119, %add3A_120 : i32
      %dma_wait3A_122 = arith.constant 0 : i32
      %dma_wait3A_123 = arith.constant 0 : i32
      %dma_wait3A_124 = arith.constant 0 : i32
      %dma_wait3A_125 = tpu.memref_slice %arg6[%dma_wait3A_122, %dma_wait3A_123, %dma_wait3A_124] : memref<4x128x128xf32, #tpu.memory_space<vmem>> -> memref<1x128x128xf32, #tpu.memory_space<vmem>>
      %dma_wait3A_126 = tpu.memref_squeeze %dma_wait3A_125 : memref<1x128x128xf32, #tpu.memory_space<vmem>> -> memref<128x128xf32, #tpu.memory_space<vmem>>
      %dma_wait3A_127 = arith.constant 0 : i32
      %dma_wait3A_128 = tpu.memref_slice %arg5[%add3A_121, %dma_wait3A_127] : memref<38x128xi32, #tpu.memory_space<vmem>> -> memref<1x128xi32, #tpu.memory_space<vmem>>
      %dma_wait3A_129 = tpu.memref_squeeze %dma_wait3A_128 : memref<1x128xi32, #tpu.memory_space<vmem>> -> memref<128xi32, #tpu.memory_space<vmem>>
      %dma_wait3A_130 = arith.constant 0 : i32
      %dma_wait3A_131 = arith.constant 0 : i32
      %dma_wait3A_132 = tpu.memref_slice %arg2[%dma_wait3A_130, %dma_wait3A_131] : memref<10000x128xf32, #tpu.memory_space<hbm>> -> memref<10000x128xf32, #tpu.memory_space<hbm>>
      tpu.wait_indirect_dma semaphore(%arg7 : memref<!tpu.dma_semaphore, #tpu.memory_space<semaphore_mem>>) src(%dma_wait3A_132 : memref<10000x128xf32, #tpu.memory_space<hbm>>) dst(%dma_wait3A_126 : memref<128x128xf32, #tpu.memory_space<vmem>>)
      %add3A_133 = arith.addi %mul3A_2, %add3A_121 : i32
      %mul3A_134 = arith.constant 128 : i32
      %mul3A_135 = arith.muli %add3A_133, %mul3A_134 : i32
      %dma_start3A_136 = arith.constant 0 : i32
      %dma_start3A_137 = arith.constant 0 : i32
      %dma_start3A_138 = arith.constant 0 : i32
      %dma_start3A_139 = tpu.memref_slice %arg6[%dma_start3A_136, %dma_start3A_137, %dma_start3A_138] : memref<4x128x128xf32, #tpu.memory_space<vmem>> -> memref<1x128x128xf32, #tpu.memory_space<vmem>>
      %dma_start3A_140 = tpu.memref_squeeze %dma_start3A_139 : memref<1x128x128xf32, #tpu.memory_space<vmem>> -> memref<128x128xf32, #tpu.memory_space<vmem>>
      %dma_start3A_141 = arith.constant 0 : i32
      %dma_start3A_142 = tpu.memref_slice %arg4[%mul3A_135, %dma_start3A_141] : memref<155648x128xf32, #tpu.memory_space<hbm>> -> memref<128x128xf32, #tpu.memory_space<hbm>>
      %dma_start3A_143 = arith.constant 0 : i32
      %dma_start3A_144 = tpu.memref_slice %arg4[%mul3A_135, %dma_start3A_143] : memref<155648x128xf32, #tpu.memory_space<hbm>> -> memref<128x128xf32, #tpu.memory_space<hbm>>
      %dma_start3A_145 = arith.constant 0 : i32
      %dma_start3A_146 = arith.constant 0 : i32
      %dma_start3A_147 = tpu.memref_slice %arg6[%dma_start3A_136, %dma_start3A_145, %dma_start3A_146] : memref<4x128x128xf32, #tpu.memory_space<vmem>> -> memref<1x128x128xf32, #tpu.memory_space<vmem>>
      %dma_start3A_148 = tpu.memref_squeeze %dma_start3A_147 : memref<1x128x128xf32, #tpu.memory_space<vmem>> -> memref<128x128xf32, #tpu.memory_space<vmem>>
      tpu.enqueue_dma source(%dma_start3A_148 : memref<128x128xf32, #tpu.memory_space<vmem>>) target(%dma_start3A_144 : memref<128x128xf32, #tpu.memory_space<hbm>>) target_semaphore(%arg11 : memref<!tpu.dma_semaphore, #tpu.memory_space<semaphore_mem>>)
      %ge3A = arith.constant 2 : i32
      %ge3A_149 = arith.cmpi sge, %add3A_121, %ge3A : i32
      %convert_element_type3A = arith.extui %ge3A_149 : i1 to i32
      %cond3A = arith.constant 0 : i32
      %cond3A_150 = arith.cmpi ne, %convert_element_type3A, %cond3A : i32
      scf.if %cond3A_150 {
        %add3A_286 = arith.addi %mul3A_2, %add3A_121 : i32
        %mul3A_287 = arith.constant 128 : i32
        %mul3A_288 = arith.muli %add3A_286, %mul3A_287 : i32
        %dma_wait3A_289 = arith.constant 2 : i32
        %dma_wait3A_290 = arith.constant 0 : i32
        %dma_wait3A_291 = arith.constant 0 : i32
        %dma_wait3A_292 = tpu.memref_slice %arg6[%dma_wait3A_289, %dma_wait3A_290, %dma_wait3A_291] : memref<4x128x128xf32, #tpu.memory_space<vmem>> -> memref<1x128x128xf32, #tpu.memory_space<vmem>>
        %dma_wait3A_293 = tpu.memref_squeeze %dma_wait3A_292 : memref<1x128x128xf32, #tpu.memory_space<vmem>> -> memref<128x128xf32, #tpu.memory_space<vmem>>
        %dma_wait3A_294 = arith.constant 0 : i32
        %dma_wait3A_295 = tpu.memref_slice %arg4[%mul3A_288, %dma_wait3A_294] : memref<155648x128xf32, #tpu.memory_space<hbm>> -> memref<128x128xf32, #tpu.memory_space<hbm>>
        %dma_wait3A_296 = arith.constant 0 : i32
        %dma_wait3A_297 = tpu.memref_slice %arg4[%mul3A_288, %dma_wait3A_296] : memref<155648x128xf32, #tpu.memory_space<hbm>> -> memref<128x128xf32, #tpu.memory_space<hbm>>
        %dma_wait3A_298 = arith.constant 0 : i32
        %dma_wait3A_299 = arith.constant 0 : i32
        %dma_wait3A_300 = tpu.memref_slice %arg6[%dma_wait3A_289, %dma_wait3A_298, %dma_wait3A_299] : memref<4x128x128xf32, #tpu.memory_space<vmem>> -> memref<1x128x128xf32, #tpu.memory_space<vmem>>
        %dma_wait3A_301 = tpu.memref_squeeze %dma_wait3A_300 : memref<1x128x128xf32, #tpu.memory_space<vmem>> -> memref<128x128xf32, #tpu.memory_space<vmem>>
        tpu.wait_dma2 semaphore(%arg13 : memref<!tpu.dma_semaphore, #tpu.memory_space<semaphore_mem>>) src(%dma_wait3A_301 : memref<128x128xf32, #tpu.memory_space<vmem>>) dst(%dma_wait3A_297 : memref<128x128xf32, #tpu.memory_space<hbm>>)
      } else {
      }
      %add3A_151 = arith.constant 2 : i32
      %add3A_152 = arith.addi %add3A_121, %add3A_151 : i32
      %lt3A = arith.constant 36 : i32
      %lt3A_153 = arith.cmpi slt, %add3A_152, %lt3A : i32
      %convert_element_type3A_154 = arith.extui %lt3A_153 : i1 to i32
      %cond3A_155 = arith.constant 0 : i32
      %cond3A_156 = arith.cmpi ne, %convert_element_type3A_154, %cond3A_155 : i32
      scf.if %cond3A_156 {
        %add3A_286 = arith.constant 2 : i32
        %add3A_287 = arith.addi %add3A_121, %add3A_286 : i32
        %dma_start3A_288 = arith.constant 2 : i32
        %dma_start3A_289 = arith.constant 0 : i32
        %dma_start3A_290 = arith.constant 0 : i32
        %dma_start3A_291 = tpu.memref_slice %arg6[%dma_start3A_288, %dma_start3A_289, %dma_start3A_290] : memref<4x128x128xf32, #tpu.memory_space<vmem>> -> memref<1x128x128xf32, #tpu.memory_space<vmem>>
        %dma_start3A_292 = tpu.memref_squeeze %dma_start3A_291 : memref<1x128x128xf32, #tpu.memory_space<vmem>> -> memref<128x128xf32, #tpu.memory_space<vmem>>
        %dma_start3A_293 = arith.constant 0 : i32
        %dma_start3A_294 = tpu.memref_slice %arg5[%add3A_287, %dma_start3A_293] : memref<38x128xi32, #tpu.memory_space<vmem>> -> memref<1x128xi32, #tpu.memory_space<vmem>>
        %dma_start3A_295 = tpu.memref_squeeze %dma_start3A_294 : memref<1x128xi32, #tpu.memory_space<vmem>> -> memref<128xi32, #tpu.memory_space<vmem>>
        %dma_start3A_296 = arith.constant 0 : i32
        %dma_start3A_297 = arith.constant 0 : i32
        %dma_start3A_298 = tpu.memref_slice %arg2[%dma_start3A_296, %dma_start3A_297] : memref<10000x128xf32, #tpu.memory_space<hbm>> -> memref<10000x128xf32, #tpu.memory_space<hbm>>
        tpu.enqueue_indirect_dma source(%dma_start3A_298 : memref<10000x128xf32, #tpu.memory_space<hbm>>) target(%dma_start3A_292 : memref<128x128xf32, #tpu.memory_space<vmem>>) offsets(%dma_start3A_295 : memref<128xi32, #tpu.memory_space<vmem>>) semaphore(%arg9 : memref<!tpu.dma_semaphore, #tpu.memory_space<semaphore_mem>>)
      } else {
      }
      %mul3A_157 = arith.constant 4 : i32
      %mul3A_158 = arith.muli %scan3A_117, %mul3A_157 : i32
      %add3A_159 = arith.constant 1 : i32
      %add3A_160 = arith.addi %mul3A_158, %add3A_159 : i32
      %dma_wait3A_161 = arith.constant 1 : i32
      %dma_wait3A_162 = arith.constant 0 : i32
      %dma_wait3A_163 = arith.constant 0 : i32
      %dma_wait3A_164 = tpu.memref_slice %arg6[%dma_wait3A_161, %dma_wait3A_162, %dma_wait3A_163] : memref<4x128x128xf32, #tpu.memory_space<vmem>> -> memref<1x128x128xf32, #tpu.memory_space<vmem>>
      %dma_wait3A_165 = tpu.memref_squeeze %dma_wait3A_164 : memref<1x128x128xf32, #tpu.memory_space<vmem>> -> memref<128x128xf32, #tpu.memory_space<vmem>>
      %dma_wait3A_166 = arith.constant 0 : i32
      %dma_wait3A_167 = tpu.memref_slice %arg5[%add3A_160, %dma_wait3A_166] : memref<38x128xi32, #tpu.memory_space<vmem>> -> memref<1x128xi32, #tpu.memory_space<vmem>>
      %dma_wait3A_168 = tpu.memref_squeeze %dma_wait3A_167 : memref<1x128xi32, #tpu.memory_space<vmem>> -> memref<128xi32, #tpu.memory_space<vmem>>
      %dma_wait3A_169 = arith.constant 0 : i32
      %dma_wait3A_170 = arith.constant 0 : i32
      %dma_wait3A_171 = tpu.memref_slice %arg2[%dma_wait3A_169, %dma_wait3A_170] : memref<10000x128xf32, #tpu.memory_space<hbm>> -> memref<10000x128xf32, #tpu.memory_space<hbm>>
      tpu.wait_indirect_dma semaphore(%arg8 : memref<!tpu.dma_semaphore, #tpu.memory_space<semaphore_mem>>) src(%dma_wait3A_171 : memref<10000x128xf32, #tpu.memory_space<hbm>>) dst(%dma_wait3A_165 : memref<128x128xf32, #tpu.memory_space<vmem>>)
      %add3A_172 = arith.addi %mul3A_2, %add3A_160 : i32
      %mul3A_173 = arith.constant 128 : i32
      %mul3A_174 = arith.muli %add3A_172, %mul3A_173 : i32
      %dma_start3A_175 = arith.constant 1 : i32
      %dma_start3A_176 = arith.constant 0 : i32
      %dma_start3A_177 = arith.constant 0 : i32
      %dma_start3A_178 = tpu.memref_slice %arg6[%dma_start3A_175, %dma_start3A_176, %dma_start3A_177] : memref<4x128x128xf32, #tpu.memory_space<vmem>> -> memref<1x128x128xf32, #tpu.memory_space<vmem>>
      %dma_start3A_179 = tpu.memref_squeeze %dma_start3A_178 : memref<1x128x128xf32, #tpu.memory_space<vmem>> -> memref<128x128xf32, #tpu.memory_space<vmem>>
      %dma_start3A_180 = arith.constant 0 : i32
      %dma_start3A_181 = tpu.memref_slice %arg4[%mul3A_174, %dma_start3A_180] : memref<155648x128xf32, #tpu.memory_space<hbm>> -> memref<128x128xf32, #tpu.memory_space<hbm>>
      %dma_start3A_182 = arith.constant 0 : i32
      %dma_start3A_183 = tpu.memref_slice %arg4[%mul3A_174, %dma_start3A_182] : memref<155648x128xf32, #tpu.memory_space<hbm>> -> memref<128x128xf32, #tpu.memory_space<hbm>>
      %dma_start3A_184 = arith.constant 0 : i32
      %dma_start3A_185 = arith.constant 0 : i32
      %dma_start3A_186 = tpu.memref_slice %arg6[%dma_start3A_175, %dma_start3A_184, %dma_start3A_185] : memref<4x128x128xf32, #tpu.memory_space<vmem>> -> memref<1x128x128xf32, #tpu.memory_space<vmem>>
      %dma_start3A_187 = tpu.memref_squeeze %dma_start3A_186 : memref<1x128x128xf32, #tpu.memory_space<vmem>> -> memref<128x128xf32, #tpu.memory_space<vmem>>
      tpu.enqueue_dma source(%dma_start3A_187 : memref<128x128xf32, #tpu.memory_space<vmem>>) target(%dma_start3A_183 : memref<128x128xf32, #tpu.memory_space<hbm>>) target_semaphore(%arg12 : memref<!tpu.dma_semaphore, #tpu.memory_space<semaphore_mem>>)
      %ge3A_188 = arith.constant 2 : i32
      %ge3A_189 = arith.cmpi sge, %add3A_160, %ge3A_188 : i32
      %convert_element_type3A_190 = arith.extui %ge3A_189 : i1 to i32
      %cond3A_191 = arith.constant 0 : i32
      %cond3A_192 = arith.cmpi ne, %convert_element_type3A_190, %cond3A_191 : i32
      scf.if %cond3A_192 {
        %add3A_286 = arith.addi %mul3A_2, %add3A_160 : i32
        %mul3A_287 = arith.constant 128 : i32
        %mul3A_288 = arith.muli %add3A_286, %mul3A_287 : i32
        %dma_wait3A_289 = arith.constant 3 : i32
        %dma_wait3A_290 = arith.constant 0 : i32
        %dma_wait3A_291 = arith.constant 0 : i32
        %dma_wait3A_292 = tpu.memref_slice %arg6[%dma_wait3A_289, %dma_wait3A_290, %dma_wait3A_291] : memref<4x128x128xf32, #tpu.memory_space<vmem>> -> memref<1x128x128xf32, #tpu.memory_space<vmem>>
        %dma_wait3A_293 = tpu.memref_squeeze %dma_wait3A_292 : memref<1x128x128xf32, #tpu.memory_space<vmem>> -> memref<128x128xf32, #tpu.memory_space<vmem>>
        %dma_wait3A_294 = arith.constant 0 : i32
        %dma_wait3A_295 = tpu.memref_slice %arg4[%mul3A_288, %dma_wait3A_294] : memref<155648x128xf32, #tpu.memory_space<hbm>> -> memref<128x128xf32, #tpu.memory_space<hbm>>
        %dma_wait3A_296 = arith.constant 0 : i32
        %dma_wait3A_297 = tpu.memref_slice %arg4[%mul3A_288, %dma_wait3A_296] : memref<155648x128xf32, #tpu.memory_space<hbm>> -> memref<128x128xf32, #tpu.memory_space<hbm>>
        %dma_wait3A_298 = arith.constant 0 : i32
        %dma_wait3A_299 = arith.constant 0 : i32
        %dma_wait3A_300 = tpu.memref_slice %arg6[%dma_wait3A_289, %dma_wait3A_298, %dma_wait3A_299] : memref<4x128x128xf32, #tpu.memory_space<vmem>> -> memref<1x128x128xf32, #tpu.memory_space<vmem>>
        %dma_wait3A_301 = tpu.memref_squeeze %dma_wait3A_300 : memref<1x128x128xf32, #tpu.memory_space<vmem>> -> memref<128x128xf32, #tpu.memory_space<vmem>>
        tpu.wait_dma2 semaphore(%arg14 : memref<!tpu.dma_semaphore, #tpu.memory_space<semaphore_mem>>) src(%dma_wait3A_301 : memref<128x128xf32, #tpu.memory_space<vmem>>) dst(%dma_wait3A_297 : memref<128x128xf32, #tpu.memory_space<hbm>>)
      } else {
      }
      %add3A_193 = arith.constant 2 : i32
      %add3A_194 = arith.addi %add3A_160, %add3A_193 : i32
      %lt3A_195 = arith.constant 36 : i32
      %lt3A_196 = arith.cmpi slt, %add3A_194, %lt3A_195 : i32
      %convert_element_type3A_197 = arith.extui %lt3A_196 : i1 to i32
      %cond3A_198 = arith.constant 0 : i32
      %cond3A_199 = arith.cmpi ne, %convert_element_type3A_197, %cond3A_198 : i32
      scf.if %cond3A_199 {
        %add3A_286 = arith.constant 2 : i32
        %add3A_287 = arith.addi %add3A_160, %add3A_286 : i32
        %dma_start3A_288 = arith.constant 3 : i32
        %dma_start3A_289 = arith.constant 0 : i32
        %dma_start3A_290 = arith.constant 0 : i32
        %dma_start3A_291 = tpu.memref_slice %arg6[%dma_start3A_288, %dma_start3A_289, %dma_start3A_290] : memref<4x128x128xf32, #tpu.memory_space<vmem>> -> memref<1x128x128xf32, #tpu.memory_space<vmem>>
        %dma_start3A_292 = tpu.memref_squeeze %dma_start3A_291 : memref<1x128x128xf32, #tpu.memory_space<vmem>> -> memref<128x128xf32, #tpu.memory_space<vmem>>
        %dma_start3A_293 = arith.constant 0 : i32
        %dma_start3A_294 = tpu.memref_slice %arg5[%add3A_287, %dma_start3A_293] : memref<38x128xi32, #tpu.memory_space<vmem>> -> memref<1x128xi32, #tpu.memory_space<vmem>>
        %dma_start3A_295 = tpu.memref_squeeze %dma_start3A_294 : memref<1x128xi32, #tpu.memory_space<vmem>> -> memref<128xi32, #tpu.memory_space<vmem>>
        %dma_start3A_296 = arith.constant 0 : i32
        %dma_start3A_297 = arith.constant 0 : i32
        %dma_start3A_298 = tpu.memref_slice %arg2[%dma_start3A_296, %dma_start3A_297] : memref<10000x128xf32, #tpu.memory_space<hbm>> -> memref<10000x128xf32, #tpu.memory_space<hbm>>
        tpu.enqueue_indirect_dma source(%dma_start3A_298 : memref<10000x128xf32, #tpu.memory_space<hbm>>) target(%dma_start3A_292 : memref<128x128xf32, #tpu.memory_space<vmem>>) offsets(%dma_start3A_295 : memref<128xi32, #tpu.memory_space<vmem>>) semaphore(%arg10 : memref<!tpu.dma_semaphore, #tpu.memory_space<semaphore_mem>>)
      } else {
      }
      %mul3A_200 = arith.constant 4 : i32
      %mul3A_201 = arith.muli %scan3A_117, %mul3A_200 : i32
      %add3A_202 = arith.constant 2 : i32
      %add3A_203 = arith.addi %mul3A_201, %add3A_202 : i32
      %dma_wait3A_204 = arith.constant 2 : i32
      %dma_wait3A_205 = arith.constant 0 : i32
      %dma_wait3A_206 = arith.constant 0 : i32
      %dma_wait3A_207 = tpu.memref_slice %arg6[%dma_wait3A_204, %dma_wait3A_205, %dma_wait3A_206] : memref<4x128x128xf32, #tpu.memory_space<vmem>> -> memref<1x128x128xf32, #tpu.memory_space<vmem>>
      %dma_wait3A_208 = tpu.memref_squeeze %dma_wait3A_207 : memref<1x128x128xf32, #tpu.memory_space<vmem>> -> memref<128x128xf32, #tpu.memory_space<vmem>>
      %dma_wait3A_209 = arith.constant 0 : i32
      %dma_wait3A_210 = tpu.memref_slice %arg5[%add3A_203, %dma_wait3A_209] : memref<38x128xi32, #tpu.memory_space<vmem>> -> memref<1x128xi32, #tpu.memory_space<vmem>>
      %dma_wait3A_211 = tpu.memref_squeeze %dma_wait3A_210 : memref<1x128xi32, #tpu.memory_space<vmem>> -> memref<128xi32, #tpu.memory_space<vmem>>
      %dma_wait3A_212 = arith.constant 0 : i32
      %dma_wait3A_213 = arith.constant 0 : i32
      %dma_wait3A_214 = tpu.memref_slice %arg2[%dma_wait3A_212, %dma_wait3A_213] : memref<10000x128xf32, #tpu.memory_space<hbm>> -> memref<10000x128xf32, #tpu.memory_space<hbm>>
      tpu.wait_indirect_dma semaphore(%arg9 : memref<!tpu.dma_semaphore, #tpu.memory_space<semaphore_mem>>) src(%dma_wait3A_214 : memref<10000x128xf32, #tpu.memory_space<hbm>>) dst(%dma_wait3A_208 : memref<128x128xf32, #tpu.memory_space<vmem>>)
      %add3A_215 = arith.addi %mul3A_2, %add3A_203 : i32
      %mul3A_216 = arith.constant 128 : i32
      %mul3A_217 = arith.muli %add3A_215, %mul3A_216 : i32
      %dma_start3A_218 = arith.constant 2 : i32
      %dma_start3A_219 = arith.constant 0 : i32
      %dma_start3A_220 = arith.constant 0 : i32
      %dma_start3A_221 = tpu.memref_slice %arg6[%dma_start3A_218, %dma_start3A_219, %dma_start3A_220] : memref<4x128x128xf32, #tpu.memory_space<vmem>> -> memref<1x128x128xf32, #tpu.memory_space<vmem>>
      %dma_start3A_222 = tpu.memref_squeeze %dma_start3A_221 : memref<1x128x128xf32, #tpu.memory_space<vmem>> -> memref<128x128xf32, #tpu.memory_space<vmem>>
      %dma_start3A_223 = arith.constant 0 : i32
      %dma_start3A_224 = tpu.memref_slice %arg4[%mul3A_217, %dma_start3A_223] : memref<155648x128xf32, #tpu.memory_space<hbm>> -> memref<128x128xf32, #tpu.memory_space<hbm>>
      %dma_start3A_225 = arith.constant 0 : i32
      %dma_start3A_226 = tpu.memref_slice %arg4[%mul3A_217, %dma_start3A_225] : memref<155648x128xf32, #tpu.memory_space<hbm>> -> memref<128x128xf32, #tpu.memory_space<hbm>>
      %dma_start3A_227 = arith.constant 0 : i32
      %dma_start3A_228 = arith.constant 0 : i32
      %dma_start3A_229 = tpu.memref_slice %arg6[%dma_start3A_218, %dma_start3A_227, %dma_start3A_228] : memref<4x128x128xf32, #tpu.memory_space<vmem>> -> memref<1x128x128xf32, #tpu.memory_space<vmem>>
      %dma_start3A_230 = tpu.memref_squeeze %dma_start3A_229 : memref<1x128x128xf32, #tpu.memory_space<vmem>> -> memref<128x128xf32, #tpu.memory_space<vmem>>
      tpu.enqueue_dma source(%dma_start3A_230 : memref<128x128xf32, #tpu.memory_space<vmem>>) target(%dma_start3A_226 : memref<128x128xf32, #tpu.memory_space<hbm>>) target_semaphore(%arg13 : memref<!tpu.dma_semaphore, #tpu.memory_space<semaphore_mem>>)
      %ge3A_231 = arith.constant 2 : i32
      %ge3A_232 = arith.cmpi sge, %add3A_203, %ge3A_231 : i32
      %convert_element_type3A_233 = arith.extui %ge3A_232 : i1 to i32
      %cond3A_234 = arith.constant 0 : i32
      %cond3A_235 = arith.cmpi ne, %convert_element_type3A_233, %cond3A_234 : i32
      scf.if %cond3A_235 {
        %add3A_286 = arith.addi %mul3A_2, %add3A_203 : i32
        %mul3A_287 = arith.constant 128 : i32
        %mul3A_288 = arith.muli %add3A_286, %mul3A_287 : i32
        %dma_wait3A_289 = arith.constant 0 : i32
        %dma_wait3A_290 = arith.constant 0 : i32
        %dma_wait3A_291 = arith.constant 0 : i32
        %dma_wait3A_292 = tpu.memref_slice %arg6[%dma_wait3A_289, %dma_wait3A_290, %dma_wait3A_291] : memref<4x128x128xf32, #tpu.memory_space<vmem>> -> memref<1x128x128xf32, #tpu.memory_space<vmem>>
        %dma_wait3A_293 = tpu.memref_squeeze %dma_wait3A_292 : memref<1x128x128xf32, #tpu.memory_space<vmem>> -> memref<128x128xf32, #tpu.memory_space<vmem>>
        %dma_wait3A_294 = arith.constant 0 : i32
        %dma_wait3A_295 = tpu.memref_slice %arg4[%mul3A_288, %dma_wait3A_294] : memref<155648x128xf32, #tpu.memory_space<hbm>> -> memref<128x128xf32, #tpu.memory_space<hbm>>
        %dma_wait3A_296 = arith.constant 0 : i32
        %dma_wait3A_297 = tpu.memref_slice %arg4[%mul3A_288, %dma_wait3A_296] : memref<155648x128xf32, #tpu.memory_space<hbm>> -> memref<128x128xf32, #tpu.memory_space<hbm>>
        %dma_wait3A_298 = arith.constant 0 : i32
        %dma_wait3A_299 = arith.constant 0 : i32
        %dma_wait3A_300 = tpu.memref_slice %arg6[%dma_wait3A_289, %dma_wait3A_298, %dma_wait3A_299] : memref<4x128x128xf32, #tpu.memory_space<vmem>> -> memref<1x128x128xf32, #tpu.memory_space<vmem>>
        %dma_wait3A_301 = tpu.memref_squeeze %dma_wait3A_300 : memref<1x128x128xf32, #tpu.memory_space<vmem>> -> memref<128x128xf32, #tpu.memory_space<vmem>>
        tpu.wait_dma2 semaphore(%arg11 : memref<!tpu.dma_semaphore, #tpu.memory_space<semaphore_mem>>) src(%dma_wait3A_301 : memref<128x128xf32, #tpu.memory_space<vmem>>) dst(%dma_wait3A_297 : memref<128x128xf32, #tpu.memory_space<hbm>>)
      } else {
      }
      %add3A_236 = arith.constant 2 : i32
      %add3A_237 = arith.addi %add3A_203, %add3A_236 : i32
      %lt3A_238 = arith.constant 36 : i32
      %lt3A_239 = arith.cmpi slt, %add3A_237, %lt3A_238 : i32
      %convert_element_type3A_240 = arith.extui %lt3A_239 : i1 to i32
      %cond3A_241 = arith.constant 0 : i32
      %cond3A_242 = arith.cmpi ne, %convert_element_type3A_240, %cond3A_241 : i32
      scf.if %cond3A_242 {
        %add3A_286 = arith.constant 2 : i32
        %add3A_287 = arith.addi %add3A_203, %add3A_286 : i32
        %dma_start3A_288 = arith.constant 0 : i32
        %dma_start3A_289 = arith.constant 0 : i32
        %dma_start3A_290 = arith.constant 0 : i32
        %dma_start3A_291 = tpu.memref_slice %arg6[%dma_start3A_288, %dma_start3A_289, %dma_start3A_290] : memref<4x128x128xf32, #tpu.memory_space<vmem>> -> memref<1x128x128xf32, #tpu.memory_space<vmem>>
        %dma_start3A_292 = tpu.memref_squeeze %dma_start3A_291 : memref<1x128x128xf32, #tpu.memory_space<vmem>> -> memref<128x128xf32, #tpu.memory_space<vmem>>
        %dma_start3A_293 = arith.constant 0 : i32
        %dma_start3A_294 = tpu.memref_slice %arg5[%add3A_287, %dma_start3A_293] : memref<38x128xi32, #tpu.memory_space<vmem>> -> memref<1x128xi32, #tpu.memory_space<vmem>>
        %dma_start3A_295 = tpu.memref_squeeze %dma_start3A_294 : memref<1x128xi32, #tpu.memory_space<vmem>> -> memref<128xi32, #tpu.memory_space<vmem>>
        %dma_start3A_296 = arith.constant 0 : i32
        %dma_start3A_297 = arith.constant 0 : i32
        %dma_start3A_298 = tpu.memref_slice %arg2[%dma_start3A_296, %dma_start3A_297] : memref<10000x128xf32, #tpu.memory_space<hbm>> -> memref<10000x128xf32, #tpu.memory_space<hbm>>
        tpu.enqueue_indirect_dma source(%dma_start3A_298 : memref<10000x128xf32, #tpu.memory_space<hbm>>) target(%dma_start3A_292 : memref<128x128xf32, #tpu.memory_space<vmem>>) offsets(%dma_start3A_295 : memref<128xi32, #tpu.memory_space<vmem>>) semaphore(%arg7 : memref<!tpu.dma_semaphore, #tpu.memory_space<semaphore_mem>>)
      } else {
      }
      %mul3A_243 = arith.constant 4 : i32
      %mul3A_244 = arith.muli %scan3A_117, %mul3A_243 : i32
      %add3A_245 = arith.constant 3 : i32
      %add3A_246 = arith.addi %mul3A_244, %add3A_245 : i32
      %dma_wait3A_247 = arith.constant 3 : i32
      %dma_wait3A_248 = arith.constant 0 : i32
      %dma_wait3A_249 = arith.constant 0 : i32
      %dma_wait3A_250 = tpu.memref_slice %arg6[%dma_wait3A_247, %dma_wait3A_248, %dma_wait3A_249] : memref<4x128x128xf32, #tpu.memory_space<vmem>> -> memref<1x128x128xf32, #tpu.memory_space<vmem>>
      %dma_wait3A_251 = tpu.memref_squeeze %dma_wait3A_250 : memref<1x128x128xf32, #tpu.memory_space<vmem>> -> memref<128x128xf32, #tpu.memory_space<vmem>>
      %dma_wait3A_252 = arith.constant 0 : i32
      %dma_wait3A_253 = tpu.memref_slice %arg5[%add3A_246, %dma_wait3A_252] : memref<38x128xi32, #tpu.memory_space<vmem>> -> memref<1x128xi32, #tpu.memory_space<vmem>>
      %dma_wait3A_254 = tpu.memref_squeeze %dma_wait3A_253 : memref<1x128xi32, #tpu.memory_space<vmem>> -> memref<128xi32, #tpu.memory_space<vmem>>
      %dma_wait3A_255 = arith.constant 0 : i32
      %dma_wait3A_256 = arith.constant 0 : i32
      %dma_wait3A_257 = tpu.memref_slice %arg2[%dma_wait3A_255, %dma_wait3A_256] : memref<10000x128xf32, #tpu.memory_space<hbm>> -> memref<10000x128xf32, #tpu.memory_space<hbm>>
      tpu.wait_indirect_dma semaphore(%arg10 : memref<!tpu.dma_semaphore, #tpu.memory_space<semaphore_mem>>) src(%dma_wait3A_257 : memref<10000x128xf32, #tpu.memory_space<hbm>>) dst(%dma_wait3A_251 : memref<128x128xf32, #tpu.memory_space<vmem>>)
      %add3A_258 = arith.addi %mul3A_2, %add3A_246 : i32
      %mul3A_259 = arith.constant 128 : i32
      %mul3A_260 = arith.muli %add3A_258, %mul3A_259 : i32
      %dma_start3A_261 = arith.constant 3 : i32
      %dma_start3A_262 = arith.constant 0 : i32
      %dma_start3A_263 = arith.constant 0 : i32
      %dma_start3A_264 = tpu.memref_slice %arg6[%dma_start3A_261, %dma_start3A_262, %dma_start3A_263] : memref<4x128x128xf32, #tpu.memory_space<vmem>> -> memref<1x128x128xf32, #tpu.memory_space<vmem>>
      %dma_start3A_265 = tpu.memref_squeeze %dma_start3A_264 : memref<1x128x128xf32, #tpu.memory_space<vmem>> -> memref<128x128xf32, #tpu.memory_space<vmem>>
      %dma_start3A_266 = arith.constant 0 : i32
      %dma_start3A_267 = tpu.memref_slice %arg4[%mul3A_260, %dma_start3A_266] : memref<155648x128xf32, #tpu.memory_space<hbm>> -> memref<128x128xf32, #tpu.memory_space<hbm>>
      %dma_start3A_268 = arith.constant 0 : i32
      %dma_start3A_269 = tpu.memref_slice %arg4[%mul3A_260, %dma_start3A_268] : memref<155648x128xf32, #tpu.memory_space<hbm>> -> memref<128x128xf32, #tpu.memory_space<hbm>>
      %dma_start3A_270 = arith.constant 0 : i32
      %dma_start3A_271 = arith.constant 0 : i32
      %dma_start3A_272 = tpu.memref_slice %arg6[%dma_start3A_261, %dma_start3A_270, %dma_start3A_271] : memref<4x128x128xf32, #tpu.memory_space<vmem>> -> memref<1x128x128xf32, #tpu.memory_space<vmem>>
      %dma_start3A_273 = tpu.memref_squeeze %dma_start3A_272 : memref<1x128x128xf32, #tpu.memory_space<vmem>> -> memref<128x128xf32, #tpu.memory_space<vmem>>
      tpu.enqueue_dma source(%dma_start3A_273 : memref<128x128xf32, #tpu.memory_space<vmem>>) target(%dma_start3A_269 : memref<128x128xf32, #tpu.memory_space<hbm>>) target_semaphore(%arg14 : memref<!tpu.dma_semaphore, #tpu.memory_space<semaphore_mem>>)
      %ge3A_274 = arith.constant 2 : i32
      %ge3A_275 = arith.cmpi sge, %add3A_246, %ge3A_274 : i32
      %convert_element_type3A_276 = arith.extui %ge3A_275 : i1 to i32
      %cond3A_277 = arith.constant 0 : i32
      %cond3A_278 = arith.cmpi ne, %convert_element_type3A_276, %cond3A_277 : i32
      scf.if %cond3A_278 {
        %add3A_286 = arith.addi %mul3A_2, %add3A_246 : i32
        %mul3A_287 = arith.constant 128 : i32
        %mul3A_288 = arith.muli %add3A_286, %mul3A_287 : i32
        %dma_wait3A_289 = arith.constant 1 : i32
        %dma_wait3A_290 = arith.constant 0 : i32
        %dma_wait3A_291 = arith.constant 0 : i32
        %dma_wait3A_292 = tpu.memref_slice %arg6[%dma_wait3A_289, %dma_wait3A_290, %dma_wait3A_291] : memref<4x128x128xf32, #tpu.memory_space<vmem>> -> memref<1x128x128xf32, #tpu.memory_space<vmem>>
        %dma_wait3A_293 = tpu.memref_squeeze %dma_wait3A_292 : memref<1x128x128xf32, #tpu.memory_space<vmem>> -> memref<128x128xf32, #tpu.memory_space<vmem>>
        %dma_wait3A_294 = arith.constant 0 : i32
        %dma_wait3A_295 = tpu.memref_slice %arg4[%mul3A_288, %dma_wait3A_294] : memref<155648x128xf32, #tpu.memory_space<hbm>> -> memref<128x128xf32, #tpu.memory_space<hbm>>
        %dma_wait3A_296 = arith.constant 0 : i32
        %dma_wait3A_297 = tpu.memref_slice %arg4[%mul3A_288, %dma_wait3A_296] : memref<155648x128xf32, #tpu.memory_space<hbm>> -> memref<128x128xf32, #tpu.memory_space<hbm>>
        %dma_wait3A_298 = arith.constant 0 : i32
        %dma_wait3A_299 = arith.constant 0 : i32
        %dma_wait3A_300 = tpu.memref_slice %arg6[%dma_wait3A_289, %dma_wait3A_298, %dma_wait3A_299] : memref<4x128x128xf32, #tpu.memory_space<vmem>> -> memref<1x128x128xf32, #tpu.memory_space<vmem>>
        %dma_wait3A_301 = tpu.memref_squeeze %dma_wait3A_300 : memref<1x128x128xf32, #tpu.memory_space<vmem>> -> memref<128x128xf32, #tpu.memory_space<vmem>>
        tpu.wait_dma2 semaphore(%arg12 : memref<!tpu.dma_semaphore, #tpu.memory_space<semaphore_mem>>) src(%dma_wait3A_301 : memref<128x128xf32, #tpu.memory_space<vmem>>) dst(%dma_wait3A_297 : memref<128x128xf32, #tpu.memory_space<hbm>>)
      } else {
      }
      %add3A_279 = arith.constant 2 : i32
      %add3A_280 = arith.addi %add3A_246, %add3A_279 : i32
      %lt3A_281 = arith.constant 36 : i32
      %lt3A_282 = arith.cmpi slt, %add3A_280, %lt3A_281 : i32
      %convert_element_type3A_283 = arith.extui %lt3A_282 : i1 to i32
      %cond3A_284 = arith.constant 0 : i32
      %cond3A_285 = arith.cmpi ne, %convert_element_type3A_283, %cond3A_284 : i32
      scf.if %cond3A_285 {
        %add3A_286 = arith.constant 2 : i32
        %add3A_287 = arith.addi %add3A_246, %add3A_286 : i32
        %dma_start3A_288 = arith.constant 1 : i32
        %dma_start3A_289 = arith.constant 0 : i32
        %dma_start3A_290 = arith.constant 0 : i32
        %dma_start3A_291 = tpu.memref_slice %arg6[%dma_start3A_288, %dma_start3A_289, %dma_start3A_290] : memref<4x128x128xf32, #tpu.memory_space<vmem>> -> memref<1x128x128xf32, #tpu.memory_space<vmem>>
        %dma_start3A_292 = tpu.memref_squeeze %dma_start3A_291 : memref<1x128x128xf32, #tpu.memory_space<vmem>> -> memref<128x128xf32, #tpu.memory_space<vmem>>
        %dma_start3A_293 = arith.constant 0 : i32
        %dma_start3A_294 = tpu.memref_slice %arg5[%add3A_287, %dma_start3A_293] : memref<38x128xi32, #tpu.memory_space<vmem>> -> memref<1x128xi32, #tpu.memory_space<vmem>>
        %dma_start3A_295 = tpu.memref_squeeze %dma_start3A_294 : memref<1x128xi32, #tpu.memory_space<vmem>> -> memref<128xi32, #tpu.memory_space<vmem>>
        %dma_start3A_296 = arith.constant 0 : i32
        %dma_start3A_297 = arith.constant 0 : i32
        %dma_start3A_298 = tpu.memref_slice %arg2[%dma_start3A_296, %dma_start3A_297] : memref<10000x128xf32, #tpu.memory_space<hbm>> -> memref<10000x128xf32, #tpu.memory_space<hbm>>
        tpu.enqueue_indirect_dma source(%dma_start3A_298 : memref<10000x128xf32, #tpu.memory_space<hbm>>) target(%dma_start3A_292 : memref<128x128xf32, #tpu.memory_space<vmem>>) offsets(%dma_start3A_295 : memref<128xi32, #tpu.memory_space<vmem>>) semaphore(%arg8 : memref<!tpu.dma_semaphore, #tpu.memory_space<semaphore_mem>>)
      } else {
      }
    }
    %scan3A_30 = arith.constant 9 : i32
    %mul3A_31 = arith.constant 128 : i32
    %mul3A_32 = arith.muli %mul3A_2, %mul3A_31 : i32
    %dma_wait3A = arith.constant 2 : i32
    %dma_wait3A_33 = arith.constant 0 : i32
    %dma_wait3A_34 = arith.constant 0 : i32
    %dma_wait3A_35 = tpu.memref_slice %arg6[%dma_wait3A, %dma_wait3A_33, %dma_wait3A_34] : memref<4x128x128xf32, #tpu.memory_space<vmem>> -> memref<1x128x128xf32, #tpu.memory_space<vmem>>
    %dma_wait3A_36 = tpu.memref_squeeze %dma_wait3A_35 : memref<1x128x128xf32, #tpu.memory_space<vmem>> -> memref<128x128xf32, #tpu.memory_space<vmem>>
    %dma_wait3A_37 = arith.constant 0 : i32
    %dma_wait3A_38 = tpu.memref_slice %arg4[%mul3A_32, %dma_wait3A_37] : memref<155648x128xf32, #tpu.memory_space<hbm>> -> memref<128x128xf32, #tpu.memory_space<hbm>>
    %dma_wait3A_39 = arith.constant 0 : i32
    %dma_wait3A_40 = tpu.memref_slice %arg4[%mul3A_32, %dma_wait3A_39] : memref<155648x128xf32, #tpu.memory_space<hbm>> -> memref<128x128xf32, #tpu.memory_space<hbm>>
    %dma_wait3A_41 = arith.constant 0 : i32
    %dma_wait3A_42 = arith.constant 0 : i32
    %dma_wait3A_43 = tpu.memref_slice %arg6[%dma_wait3A, %dma_wait3A_41, %dma_wait3A_42] : memref<4x128x128xf32, #tpu.memory_space<vmem>> -> memref<1x128x128xf32, #tpu.memory_space<vmem>>
    %dma_wait3A_44 = tpu.memref_squeeze %dma_wait3A_43 : memref<1x128x128xf32, #tpu.memory_space<vmem>> -> memref<128x128xf32, #tpu.memory_space<vmem>>
    tpu.wait_dma2 semaphore(%arg13 : memref<!tpu.dma_semaphore, #tpu.memory_space<semaphore_mem>>) src(%dma_wait3A_44 : memref<128x128xf32, #tpu.memory_space<vmem>>) dst(%dma_wait3A_40 : memref<128x128xf32, #tpu.memory_space<hbm>>)
    %mul3A_45 = arith.constant 128 : i32
    %mul3A_46 = arith.muli %mul3A_2, %mul3A_45 : i32
    %dma_wait3A_47 = arith.constant 3 : i32
    %dma_wait3A_48 = arith.constant 0 : i32
    %dma_wait3A_49 = arith.constant 0 : i32
    %dma_wait3A_50 = tpu.memref_slice %arg6[%dma_wait3A_47, %dma_wait3A_48, %dma_wait3A_49] : memref<4x128x128xf32, #tpu.memory_space<vmem>> -> memref<1x128x128xf32, #tpu.memory_space<vmem>>
    %dma_wait3A_51 = tpu.memref_squeeze %dma_wait3A_50 : memref<1x128x128xf32, #tpu.memory_space<vmem>> -> memref<128x128xf32, #tpu.memory_space<vmem>>
    %dma_wait3A_52 = arith.constant 0 : i32
    %dma_wait3A_53 = tpu.memref_slice %arg4[%mul3A_46, %dma_wait3A_52] : memref<155648x128xf32, #tpu.memory_space<hbm>> -> memref<128x128xf32, #tpu.memory_space<hbm>>
    %dma_wait3A_54 = arith.constant 0 : i32
    %dma_wait3A_55 = tpu.memref_slice %arg4[%mul3A_46, %dma_wait3A_54] : memref<155648x128xf32, #tpu.memory_space<hbm>> -> memref<128x128xf32, #tpu.memory_space<hbm>>
    %dma_wait3A_56 = arith.constant 0 : i32
    %dma_wait3A_57 = arith.constant 0 : i32
    %dma_wait3A_58 = tpu.memref_slice %arg6[%dma_wait3A_47, %dma_wait3A_56, %dma_wait3A_57] : memref<4x128x128xf32, #tpu.memory_space<vmem>> -> memref<1x128x128xf32, #tpu.memory_space<vmem>>
    %dma_wait3A_59 = tpu.memref_squeeze %dma_wait3A_58 : memref<1x128x128xf32, #tpu.memory_space<vmem>> -> memref<128x128xf32, #tpu.memory_space<vmem>>
    tpu.wait_dma2 semaphore(%arg14 : memref<!tpu.dma_semaphore, #tpu.memory_space<semaphore_mem>>) src(%dma_wait3A_59 : memref<128x128xf32, #tpu.memory_space<vmem>>) dst(%dma_wait3A_55 : memref<128x128xf32, #tpu.memory_space<hbm>>)
    %dma_start3A_60 = arith.constant 36 : i32
    %dma_start3A_61 = arith.constant 0 : i32
    %dma_start3A_62 = arith.constant 0 : i32
    %dma_start3A_63 = arith.constant 0 : i32
    %dma_start3A_64 = tpu.memref_slice %arg6[%dma_start3A_61, %dma_start3A_62, %dma_start3A_63] : memref<4x128x128xf32, #tpu.memory_space<vmem>> -> memref<1x128x128xf32, #tpu.memory_space<vmem>>
    %dma_start3A_65 = tpu.memref_squeeze %dma_start3A_64 : memref<1x128x128xf32, #tpu.memory_space<vmem>> -> memref<128x128xf32, #tpu.memory_space<vmem>>
    %dma_start3A_66 = arith.constant 0 : i32
    %dma_start3A_67 = tpu.memref_slice %arg5[%dma_start3A_60, %dma_start3A_66] : memref<38x128xi32, #tpu.memory_space<vmem>> -> memref<1x128xi32, #tpu.memory_space<vmem>>
    %dma_start3A_68 = tpu.memref_squeeze %dma_start3A_67 : memref<1x128xi32, #tpu.memory_space<vmem>> -> memref<128xi32, #tpu.memory_space<vmem>>
    %dma_start3A_69 = arith.constant 0 : i32
    %dma_start3A_70 = arith.constant 0 : i32
    %dma_start3A_71 = tpu.memref_slice %arg2[%dma_start3A_69, %dma_start3A_70] : memref<10000x128xf32, #tpu.memory_space<hbm>> -> memref<10000x128xf32, #tpu.memory_space<hbm>>
    tpu.enqueue_indirect_dma source(%dma_start3A_71 : memref<10000x128xf32, #tpu.memory_space<hbm>>) target(%dma_start3A_65 : memref<128x128xf32, #tpu.memory_space<vmem>>) offsets(%dma_start3A_68 : memref<128xi32, #tpu.memory_space<vmem>>) semaphore(%arg7 : memref<!tpu.dma_semaphore, #tpu.memory_space<semaphore_mem>>)
    %dma_wait3A_72 = arith.constant 36 : i32
    %dma_wait3A_73 = arith.constant 0 : i32
    %dma_wait3A_74 = arith.constant 0 : i32
    %dma_wait3A_75 = arith.constant 0 : i32
    %dma_wait3A_76 = tpu.memref_slice %arg6[%dma_wait3A_73, %dma_wait3A_74, %dma_wait3A_75] : memref<4x128x128xf32, #tpu.memory_space<vmem>> -> memref<1x128x128xf32, #tpu.memory_space<vmem>>
    %dma_wait3A_77 = tpu.memref_squeeze %dma_wait3A_76 : memref<1x128x128xf32, #tpu.memory_space<vmem>> -> memref<128x128xf32, #tpu.memory_space<vmem>>
    %dma_wait3A_78 = arith.constant 0 : i32
    %dma_wait3A_79 = tpu.memref_slice %arg5[%dma_wait3A_72, %dma_wait3A_78] : memref<38x128xi32, #tpu.memory_space<vmem>> -> memref<1x128xi32, #tpu.memory_space<vmem>>
    %dma_wait3A_80 = tpu.memref_squeeze %dma_wait3A_79 : memref<1x128xi32, #tpu.memory_space<vmem>> -> memref<128xi32, #tpu.memory_space<vmem>>
    %dma_wait3A_81 = arith.constant 0 : i32
    %dma_wait3A_82 = arith.constant 0 : i32
    %dma_wait3A_83 = tpu.memref_slice %arg2[%dma_wait3A_81, %dma_wait3A_82] : memref<10000x128xf32, #tpu.memory_space<hbm>> -> memref<10000x128xf32, #tpu.memory_space<hbm>>
    tpu.wait_indirect_dma semaphore(%arg7 : memref<!tpu.dma_semaphore, #tpu.memory_space<semaphore_mem>>) src(%dma_wait3A_83 : memref<10000x128xf32, #tpu.memory_space<hbm>>) dst(%dma_wait3A_77 : memref<128x128xf32, #tpu.memory_space<vmem>>)
    %add3A_84 = arith.constant 36 : i32
    %add3A_85 = arith.addi %mul3A_2, %add3A_84 : i32
    %mul3A_86 = arith.constant 128 : i32
    %mul3A_87 = arith.muli %add3A_85, %mul3A_86 : i32
    %run_scoped3A = arith.constant 0 : i32
    "tpu.region"() ({
      %run_scoped3A_117 = tpu.sem_alloc : memref<!tpu.dma_semaphore, #tpu.memory_space<semaphore_mem>>
      %dma_start3A_118 = arith.constant 0 : i32
      %dma_start3A_119 = arith.constant 0 : i32
      %dma_start3A_120 = tpu.memref_slice %arg6[%run_scoped3A, %dma_start3A_118, %dma_start3A_119] : memref<4x128x128xf32, #tpu.memory_space<vmem>> -> memref<1x128x128xf32, #tpu.memory_space<vmem>>
      %dma_start3A_121 = tpu.memref_squeeze %dma_start3A_120 : memref<1x128x128xf32, #tpu.memory_space<vmem>> -> memref<128x128xf32, #tpu.memory_space<vmem>>
      %dma_start3A_122 = arith.constant 0 : i32
      %dma_start3A_123 = tpu.memref_slice %arg4[%mul3A_87, %dma_start3A_122] : memref<155648x128xf32, #tpu.memory_space<hbm>> -> memref<128x128xf32, #tpu.memory_space<hbm>>
      %dma_start3A_124 = arith.constant 0 : i32
      %dma_start3A_125 = tpu.memref_slice %arg4[%mul3A_87, %dma_start3A_124] : memref<155648x128xf32, #tpu.memory_space<hbm>> -> memref<128x128xf32, #tpu.memory_space<hbm>>
      %dma_start3A_126 = arith.constant 0 : i32
      %dma_start3A_127 = arith.constant 0 : i32
      %dma_start3A_128 = tpu.memref_slice %arg6[%run_scoped3A, %dma_start3A_126, %dma_start3A_127] : memref<4x128x128xf32, #tpu.memory_space<vmem>> -> memref<1x128x128xf32, #tpu.memory_space<vmem>>
      %dma_start3A_129 = tpu.memref_squeeze %dma_start3A_128 : memref<1x128x128xf32, #tpu.memory_space<vmem>> -> memref<128x128xf32, #tpu.memory_space<vmem>>
      tpu.enqueue_dma source(%dma_start3A_129 : memref<128x128xf32, #tpu.memory_space<vmem>>) target(%dma_start3A_125 : memref<128x128xf32, #tpu.memory_space<hbm>>) target_semaphore(%run_scoped3A_117 : memref<!tpu.dma_semaphore, #tpu.memory_space<semaphore_mem>>)
      %dma_wait3A_130 = arith.constant 0 : i32
      %dma_wait3A_131 = arith.constant 0 : i32
      %dma_wait3A_132 = tpu.memref_slice %arg6[%run_scoped3A, %dma_wait3A_130, %dma_wait3A_131] : memref<4x128x128xf32, #tpu.memory_space<vmem>> -> memref<1x128x128xf32, #tpu.memory_space<vmem>>
      %dma_wait3A_133 = tpu.memref_squeeze %dma_wait3A_132 : memref<1x128x128xf32, #tpu.memory_space<vmem>> -> memref<128x128xf32, #tpu.memory_space<vmem>>
      %dma_wait3A_134 = arith.constant 0 : i32
      %dma_wait3A_135 = tpu.memref_slice %arg4[%mul3A_87, %dma_wait3A_134] : memref<155648x128xf32, #tpu.memory_space<hbm>> -> memref<128x128xf32, #tpu.memory_space<hbm>>
      %dma_wait3A_136 = arith.constant 0 : i32
      %dma_wait3A_137 = tpu.memref_slice %arg4[%mul3A_87, %dma_wait3A_136] : memref<155648x128xf32, #tpu.memory_space<hbm>> -> memref<128x128xf32, #tpu.memory_space<hbm>>
      %dma_wait3A_138 = arith.constant 0 : i32
      %dma_wait3A_139 = arith.constant 0 : i32
      %dma_wait3A_140 = tpu.memref_slice %arg6[%run_scoped3A, %dma_wait3A_138, %dma_wait3A_139] : memref<4x128x128xf32, #tpu.memory_space<vmem>> -> memref<1x128x128xf32, #tpu.memory_space<vmem>>
      %dma_wait3A_141 = tpu.memref_squeeze %dma_wait3A_140 : memref<1x128x128xf32, #tpu.memory_space<vmem>> -> memref<128x128xf32, #tpu.memory_space<vmem>>
      tpu.wait_dma2 semaphore(%run_scoped3A_117 : memref<!tpu.dma_semaphore, #tpu.memory_space<semaphore_mem>>) src(%dma_wait3A_141 : memref<128x128xf32, #tpu.memory_space<vmem>>) dst(%dma_wait3A_137 : memref<128x128xf32, #tpu.memory_space<hbm>>)
      tpu.yield
    }) : () -> ()
    %dma_start3A_88 = arith.constant 37 : i32
    %dma_start3A_89 = arith.constant 0 : i32
    %dma_start3A_90 = arith.constant 0 : i32
    %dma_start3A_91 = arith.constant 0 : i32
    %dma_start3A_92 = tpu.memref_slice %arg6[%dma_start3A_89, %dma_start3A_90, %dma_start3A_91] : memref<4x128x128xf32, #tpu.memory_space<vmem>> -> memref<1x128x128xf32, #tpu.memory_space<vmem>>
    %dma_start3A_93 = tpu.memref_squeeze %dma_start3A_92 : memref<1x128x128xf32, #tpu.memory_space<vmem>> -> memref<128x128xf32, #tpu.memory_space<vmem>>
    %dma_start3A_94 = arith.constant 0 : i32
    %dma_start3A_95 = tpu.memref_slice %arg5[%dma_start3A_88, %dma_start3A_94] : memref<38x128xi32, #tpu.memory_space<vmem>> -> memref<1x128xi32, #tpu.memory_space<vmem>>
    %dma_start3A_96 = tpu.memref_squeeze %dma_start3A_95 : memref<1x128xi32, #tpu.memory_space<vmem>> -> memref<128xi32, #tpu.memory_space<vmem>>
    %dma_start3A_97 = arith.constant 0 : i32
    %dma_start3A_98 = arith.constant 0 : i32
    %dma_start3A_99 = tpu.memref_slice %arg2[%dma_start3A_97, %dma_start3A_98] : memref<10000x128xf32, #tpu.memory_space<hbm>> -> memref<10000x128xf32, #tpu.memory_space<hbm>>
    tpu.enqueue_indirect_dma source(%dma_start3A_99 : memref<10000x128xf32, #tpu.memory_space<hbm>>) target(%dma_start3A_93 : memref<128x128xf32, #tpu.memory_space<vmem>>) offsets(%dma_start3A_96 : memref<128xi32, #tpu.memory_space<vmem>>) semaphore(%arg7 : memref<!tpu.dma_semaphore, #tpu.memory_space<semaphore_mem>>)
    %dma_wait3A_100 = arith.constant 37 : i32
    %dma_wait3A_101 = arith.constant 0 : i32
    %dma_wait3A_102 = arith.constant 0 : i32
    %dma_wait3A_103 = arith.constant 0 : i32
    %dma_wait3A_104 = tpu.memref_slice %arg6[%dma_wait3A_101, %dma_wait3A_102, %dma_wait3A_103] : memref<4x128x128xf32, #tpu.memory_space<vmem>> -> memref<1x128x128xf32, #tpu.memory_space<vmem>>
    %dma_wait3A_105 = tpu.memref_squeeze %dma_wait3A_104 : memref<1x128x128xf32, #tpu.memory_space<vmem>> -> memref<128x128xf32, #tpu.memory_space<vmem>>
    %dma_wait3A_106 = arith.constant 0 : i32
    %dma_wait3A_107 = tpu.memref_slice %arg5[%dma_wait3A_100, %dma_wait3A_106] : memref<38x128xi32, #tpu.memory_space<vmem>> -> memref<1x128xi32, #tpu.memory_space<vmem>>
    %dma_wait3A_108 = tpu.memref_squeeze %dma_wait3A_107 : memref<1x128xi32, #tpu.memory_space<vmem>> -> memref<128xi32, #tpu.memory_space<vmem>>
    %dma_wait3A_109 = arith.constant 0 : i32
    %dma_wait3A_110 = arith.constant 0 : i32
    %dma_wait3A_111 = tpu.memref_slice %arg2[%dma_wait3A_109, %dma_wait3A_110] : memref<10000x128xf32, #tpu.memory_space<hbm>> -> memref<10000x128xf32, #tpu.memory_space<hbm>>
    tpu.wait_indirect_dma semaphore(%arg7 : memref<!tpu.dma_semaphore, #tpu.memory_space<semaphore_mem>>) src(%dma_wait3A_111 : memref<10000x128xf32, #tpu.memory_space<hbm>>) dst(%dma_wait3A_105 : memref<128x128xf32, #tpu.memory_space<vmem>>)
    %add3A_112 = arith.constant 37 : i32
    %add3A_113 = arith.addi %mul3A_2, %add3A_112 : i32
    %mul3A_114 = arith.constant 128 : i32
    %mul3A_115 = arith.muli %add3A_113, %mul3A_114 : i32
    %run_scoped3A_116 = arith.constant 0 : i32
    "tpu.region"() ({
      %run_scoped3A_117 = tpu.sem_alloc : memref<!tpu.dma_semaphore, #tpu.memory_space<semaphore_mem>>
      %dma_start3A_118 = arith.constant 0 : i32
      %dma_start3A_119 = arith.constant 0 : i32
      %dma_start3A_120 = tpu.memref_slice %arg6[%run_scoped3A_116, %dma_start3A_118, %dma_start3A_119] : memref<4x128x128xf32, #tpu.memory_space<vmem>> -> memref<1x128x128xf32, #tpu.memory_space<vmem>>
      %dma_start3A_121 = tpu.memref_squeeze %dma_start3A_120 : memref<1x128x128xf32, #tpu.memory_space<vmem>> -> memref<128x128xf32, #tpu.memory_space<vmem>>
      %dma_start3A_122 = arith.constant 0 : i32
      %dma_start3A_123 = tpu.memref_slice %arg4[%mul3A_115, %dma_start3A_122] : memref<155648x128xf32, #tpu.memory_space<hbm>> -> memref<128x128xf32, #tpu.memory_space<hbm>>
      %dma_start3A_124 = arith.constant 0 : i32
      %dma_start3A_125 = tpu.memref_slice %arg4[%mul3A_115, %dma_start3A_124] : memref<155648x128xf32, #tpu.memory_space<hbm>> -> memref<128x128xf32, #tpu.memory_space<hbm>>
      %dma_start3A_126 = arith.constant 0 : i32
      %dma_start3A_127 = arith.constant 0 : i32
      %dma_start3A_128 = tpu.memref_slice %arg6[%run_scoped3A_116, %dma_start3A_126, %dma_start3A_127] : memref<4x128x128xf32, #tpu.memory_space<vmem>> -> memref<1x128x128xf32, #tpu.memory_space<vmem>>
      %dma_start3A_129 = tpu.memref_squeeze %dma_start3A_128 : memref<1x128x128xf32, #tpu.memory_space<vmem>> -> memref<128x128xf32, #tpu.memory_space<vmem>>
      tpu.enqueue_dma source(%dma_start3A_129 : memref<128x128xf32, #tpu.memory_space<vmem>>) target(%dma_start3A_125 : memref<128x128xf32, #tpu.memory_space<hbm>>) target_semaphore(%run_scoped3A_117 : memref<!tpu.dma_semaphore, #tpu.memory_space<semaphore_mem>>)
      %dma_wait3A_130 = arith.constant 0 : i32
      %dma_wait3A_131 = arith.constant 0 : i32
      %dma_wait3A_132 = tpu.memref_slice %arg6[%run_scoped3A_116, %dma_wait3A_130, %dma_wait3A_131] : memref<4x128x128xf32, #tpu.memory_space<vmem>> -> memref<1x128x128xf32, #tpu.memory_space<vmem>>
      %dma_wait3A_133 = tpu.memref_squeeze %dma_wait3A_132 : memref<1x128x128xf32, #tpu.memory_space<vmem>> -> memref<128x128xf32, #tpu.memory_space<vmem>>
      %dma_wait3A_134 = arith.constant 0 : i32
      %dma_wait3A_135 = tpu.memref_slice %arg4[%mul3A_115, %dma_wait3A_134] : memref<155648x128xf32, #tpu.memory_space<hbm>> -> memref<128x128xf32, #tpu.memory_space<hbm>>
      %dma_wait3A_136 = arith.constant 0 : i32
      %dma_wait3A_137 = tpu.memref_slice %arg4[%mul3A_115, %dma_wait3A_136] : memref<155648x128xf32, #tpu.memory_space<hbm>> -> memref<128x128xf32, #tpu.memory_space<hbm>>
      %dma_wait3A_138 = arith.constant 0 : i32
      %dma_wait3A_139 = arith.constant 0 : i32
      %dma_wait3A_140 = tpu.memref_slice %arg6[%run_scoped3A_116, %dma_wait3A_138, %dma_wait3A_139] : memref<4x128x128xf32, #tpu.memory_space<vmem>> -> memref<1x128x128xf32, #tpu.memory_space<vmem>>
      %dma_wait3A_141 = tpu.memref_squeeze %dma_wait3A_140 : memref<1x128x128xf32, #tpu.memory_space<vmem>> -> memref<128x128xf32, #tpu.memory_space<vmem>>
      tpu.wait_dma2 semaphore(%run_scoped3A_117 : memref<!tpu.dma_semaphore, #tpu.memory_space<semaphore_mem>>) src(%dma_wait3A_141 : memref<128x128xf32, #tpu.memory_space<vmem>>) dst(%dma_wait3A_137 : memref<128x128xf32, #tpu.memory_space<hbm>>)
      tpu.yield
    }) : () -> ()
    return
  }
}

#map = affine_map<(d0, d1) -> (0, 0)>
#map1 = affine_map<(d0, d1) -> (0, 0, 0)>
module attributes {stable_mosaic.version = 14 : i64} {
  func.func @scatter_k(%arg0: i32, %arg1: i32, %arg2: memref<155648x128xf32, #tpu.memory_space<hbm>>, %arg3: memref<32x38x128xi32, #tpu.memory_space<hbm>>, %arg4: memref<2x10240x128xf32, #tpu.memory_space<hbm>>, %arg5: memref<38x128xi32, #tpu.memory_space<vmem>>, %arg6: memref<256x128xf32, #tpu.memory_space<vmem>>, %arg7: memref<64x128xf32, #tpu.memory_space<vmem>>, %arg8: memref<10240x128xf32, #tpu.memory_space<vmem_shared>>, %arg9: memref<!tpu.dma_semaphore, #tpu.memory_space<semaphore_mem>>) attributes {dimension_semantics = [#tpu.dimension_semantics<core_parallel>, #tpu.dimension_semantics<subcore_parallel>], iteration_bounds = array<i64: 2, 16>, scalar_prefetch = 0 : i64, scratch_operands = 5 : i64, tpu.core_type = #tpu.core_type<sc_vector_subcore>, window_params = [{transform_indices = #map}, {transform_indices = #map1}, {transform_indices = #map1}]} {
    %mul3A = arith.constant 2 : i32
    %mul3A_0 = arith.muli %arg1, %mul3A : i32
    %add3A = arith.addi %mul3A_0, %arg0 : i32
    %mul3A_1 = arith.constant 38 : i32
    %mul3A_2 = arith.muli %add3A, %mul3A_1 : i32
    %broadcast_in_dim3A = arith.constant 0.000000e+00 : f32
    %broadcast_in_dim3A_3 = vector.broadcast %broadcast_in_dim3A : f32 to vector<16xf32>
    %scan3A = arith.constant 0 : i32
    %scan3A_4 = arith.constant 0 : i32
    %scan3A_5 = arith.constant 64 : i32
    %scan3A_6 = arith.addi %scan3A_4, %scan3A_5 : i32
    %scan3A_7 = arith.constant 1 : i32
    scf.for %scan3A_26 = %scan3A_4 to %scan3A_6 step %scan3A_7  : i32 {
      %scan3A_27 = arith.constant 0 : i32
      %scan3A_28 = arith.constant 8 : i32
      %scan3A_29 = arith.addi %scan3A_27, %scan3A_28 : i32
      %scan3A_30 = arith.constant 1 : i32
      scf.for %scan3A_32 = %scan3A_27 to %scan3A_29 step %scan3A_30  : i32 {
        %mul3A_33 = arith.constant 16 : i32
        %mul3A_34 = arith.muli %scan3A_32, %mul3A_33 : i32
        %swap3A = arith.index_cast %scan3A_26 : i32 to index
        %swap3A_35 = arith.index_cast %mul3A_34 : i32 to index
        %swap3A_36 = tpu.vector_load %arg7[%swap3A, %swap3A_35] {strides = array<i32>} : memref<64x128xf32, #tpu.memory_space<vmem>>, vector<1x16xf32>,
        %swap3A_37 = vector.shape_cast %swap3A_36 : vector<1x16xf32> to vector<16xf32>
        %swap3A_38 = vector.shape_cast %broadcast_in_dim3A_3 : vector<16xf32> to vector<1x16xf32>
        tpu.vector_store %arg7[%swap3A, %swap3A_35], %swap3A_38 {strides = array<i32>} : memref<64x128xf32, #tpu.memory_space<vmem>>, vector<1x16xf32>,
      }
      %scan3A_31 = arith.constant 8 : i32
    }
    %scan3A_8 = arith.constant 64 : i32
    %scan3A_9 = arith.constant 0 : i32
    %scan3A_10 = arith.constant 0 : i32
    %scan3A_11 = arith.constant 10 : i32
    %scan3A_12 = arith.addi %scan3A_10, %scan3A_11 : i32
    %scan3A_13 = arith.constant 1 : i32
    scf.for %scan3A_26 = %scan3A_10 to %scan3A_12 step %scan3A_13  : i32 {
      %mul3A_27 = arith.constant 640 : i32
      %mul3A_28 = arith.muli %arg1, %mul3A_27 : i32
      %mul3A_29 = arith.constant 64 : i32
      %mul3A_30 = arith.muli %scan3A_26, %mul3A_29 : i32
      %add3A_31 = arith.addi %mul3A_28, %mul3A_30 : i32
      "tpu.region"() ({
        %run_scoped3A = tpu.sem_alloc : memref<!tpu.dma_semaphore, #tpu.memory_space<semaphore_mem>>
        %dma_start3A = arith.constant 0 : i32
        %dma_start3A_32 = tpu.memref_slice %arg8[%add3A_31, %dma_start3A] : memref<10240x128xf32, #tpu.memory_space<vmem_shared>> -> memref<64x128xf32, #tpu.memory_space<vmem_shared>>
        %dma_start3A_33 = arith.constant 0 : i32
        %dma_start3A_34 = tpu.memref_slice %arg8[%add3A_31, %dma_start3A_33] : memref<10240x128xf32, #tpu.memory_space<vmem_shared>> -> memref<64x128xf32, #tpu.memory_space<vmem_shared>>
        tpu.enqueue_dma source(%arg7 : memref<64x128xf32, #tpu.memory_space<vmem>>) target(%dma_start3A_34 : memref<64x128xf32, #tpu.memory_space<vmem_shared>>) target_semaphore(%run_scoped3A : memref<!tpu.dma_semaphore, #tpu.memory_space<semaphore_mem>>)
        %dma_wait3A = arith.constant 0 : i32
        %dma_wait3A_35 = tpu.memref_slice %arg8[%add3A_31, %dma_wait3A] : memref<10240x128xf32, #tpu.memory_space<vmem_shared>> -> memref<64x128xf32, #tpu.memory_space<vmem_shared>>
        %dma_wait3A_36 = arith.constant 0 : i32
        %dma_wait3A_37 = tpu.memref_slice %arg8[%add3A_31, %dma_wait3A_36] : memref<10240x128xf32, #tpu.memory_space<vmem_shared>> -> memref<64x128xf32, #tpu.memory_space<vmem_shared>>
        tpu.wait_dma2 semaphore(%run_scoped3A : memref<!tpu.dma_semaphore, #tpu.memory_space<semaphore_mem>>) src(%arg7 : memref<64x128xf32, #tpu.memory_space<vmem>>) dst(%dma_wait3A_37 : memref<64x128xf32, #tpu.memory_space<vmem_shared>>)
        tpu.yield
      }) : () -> ()
    }
    %scan3A_14 = arith.constant 10 : i32
    "tpu.region"() ({
      %run_scoped3A = tpu.sem_alloc : memref<!tpu.dma_semaphore, #tpu.memory_space<semaphore_mem>>
      %dma_start3A = arith.constant 0 : i32
      %dma_start3A_26 = arith.constant 0 : i32
      %dma_start3A_27 = tpu.memref_slice %arg3[%add3A, %dma_start3A, %dma_start3A_26] : memref<32x38x128xi32, #tpu.memory_space<hbm>> -> memref<1x38x128xi32, #tpu.memory_space<hbm>>
      %dma_start3A_28 = tpu.memref_squeeze %dma_start3A_27 : memref<1x38x128xi32, #tpu.memory_space<hbm>> -> memref<38x128xi32, #tpu.memory_space<hbm>>
      %dma_start3A_29 = arith.constant 0 : i32
      %dma_start3A_30 = arith.constant 0 : i32
      %dma_start3A_31 = tpu.memref_slice %arg3[%add3A, %dma_start3A_29, %dma_start3A_30] : memref<32x38x128xi32, #tpu.memory_space<hbm>> -> memref<1x38x128xi32, #tpu.memory_space<hbm>>
      %dma_start3A_32 = tpu.memref_squeeze %dma_start3A_31 : memref<1x38x128xi32, #tpu.memory_space<hbm>> -> memref<38x128xi32, #tpu.memory_space<hbm>>
      tpu.enqueue_dma source(%dma_start3A_32 : memref<38x128xi32, #tpu.memory_space<hbm>>) target(%arg5 : memref<38x128xi32, #tpu.memory_space<vmem>>) target_semaphore(%run_scoped3A : memref<!tpu.dma_semaphore, #tpu.memory_space<semaphore_mem>>)
      %dma_wait3A = arith.constant 0 : i32
      %dma_wait3A_33 = arith.constant 0 : i32
      %dma_wait3A_34 = tpu.memref_slice %arg3[%add3A, %dma_wait3A, %dma_wait3A_33] : memref<32x38x128xi32, #tpu.memory_space<hbm>> -> memref<1x38x128xi32, #tpu.memory_space<hbm>>
      %dma_wait3A_35 = tpu.memref_squeeze %dma_wait3A_34 : memref<1x38x128xi32, #tpu.memory_space<hbm>> -> memref<38x128xi32, #tpu.memory_space<hbm>>
      %dma_wait3A_36 = arith.constant 0 : i32
      %dma_wait3A_37 = arith.constant 0 : i32
      %dma_wait3A_38 = tpu.memref_slice %arg3[%add3A, %dma_wait3A_36, %dma_wait3A_37] : memref<32x38x128xi32, #tpu.memory_space<hbm>> -> memref<1x38x128xi32, #tpu.memory_space<hbm>>
      %dma_wait3A_39 = tpu.memref_squeeze %dma_wait3A_38 : memref<1x38x128xi32, #tpu.memory_space<hbm>> -> memref<38x128xi32, #tpu.memory_space<hbm>>
      tpu.wait_dma2 semaphore(%run_scoped3A : memref<!tpu.dma_semaphore, #tpu.memory_space<semaphore_mem>>) src(%dma_wait3A_39 : memref<38x128xi32, #tpu.memory_space<hbm>>) dst(%arg5 : memref<38x128xi32, #tpu.memory_space<vmem>>)
      tpu.yield
    }) : () -> ()
    %barrier3A = arith.constant 0 : index
    tpu.barrier barrier_id(%barrier3A)
    %scan3A_15 = arith.constant 0 : i32
    %scan3A_16 = arith.constant 0 : i32
    %scan3A_17 = arith.constant 19 : i32
    %scan3A_18 = arith.addi %scan3A_16, %scan3A_17 : i32
    %scan3A_19 = arith.constant 1 : i32
    scf.for %scan3A_26 = %scan3A_16 to %scan3A_18 step %scan3A_19  : i32 {
      %mul3A_27 = arith.constant 2 : i32
      %mul3A_28 = arith.muli %scan3A_26, %mul3A_27 : i32
      %add3A_29 = arith.addi %mul3A_2, %mul3A_28 : i32
      %mul3A_30 = arith.constant 128 : i32
      %mul3A_31 = arith.muli %add3A_29, %mul3A_30 : i32
      "tpu.region"() ({
        %run_scoped3A = tpu.sem_alloc : memref<!tpu.dma_semaphore, #tpu.memory_space<semaphore_mem>>
        %dma_start3A = arith.constant 0 : i32
        %dma_start3A_38 = tpu.memref_slice %arg2[%mul3A_31, %dma_start3A] : memref<155648x128xf32, #tpu.memory_space<hbm>> -> memref<256x128xf32, #tpu.memory_space<hbm>>
        %dma_start3A_39 = arith.constant 0 : i32
        %dma_start3A_40 = tpu.memref_slice %arg2[%mul3A_31, %dma_start3A_39] : memref<155648x128xf32, #tpu.memory_space<hbm>> -> memref<256x128xf32, #tpu.memory_space<hbm>>
        tpu.enqueue_dma source(%dma_start3A_40 : memref<256x128xf32, #tpu.memory_space<hbm>>) target(%arg6 : memref<256x128xf32, #tpu.memory_space<vmem>>) target_semaphore(%run_scoped3A : memref<!tpu.dma_semaphore, #tpu.memory_space<semaphore_mem>>)
        %dma_wait3A = arith.constant 0 : i32
        %dma_wait3A_41 = tpu.memref_slice %arg2[%mul3A_31, %dma_wait3A] : memref<155648x128xf32, #tpu.memory_space<hbm>> -> memref<256x128xf32, #tpu.memory_space<hbm>>
        %dma_wait3A_42 = arith.constant 0 : i32
        %dma_wait3A_43 = tpu.memref_slice %arg2[%mul3A_31, %dma_wait3A_42] : memref<155648x128xf32, #tpu.memory_space<hbm>> -> memref<256x128xf32, #tpu.memory_space<hbm>>
        tpu.wait_dma2 semaphore(%run_scoped3A : memref<!tpu.dma_semaphore, #tpu.memory_space<semaphore_mem>>) src(%dma_wait3A_43 : memref<256x128xf32, #tpu.memory_space<hbm>>) dst(%arg6 : memref<256x128xf32, #tpu.memory_space<vmem>>)
        tpu.yield
      }) : () -> ()
      %scan3A_32 = arith.constant 0 : i32
      %scan3A_33 = arith.constant 0 : i32
      %scan3A_34 = arith.constant 2 : i32
      %scan3A_35 = arith.addi %scan3A_33, %scan3A_34 : i32
      %scan3A_36 = arith.constant 1 : i32
      scf.for %scan3A_38 = %scan3A_33 to %scan3A_35 step %scan3A_36  : i32 {
        %mul3A_39 = arith.constant 128 : i32
        %mul3A_40 = arith.muli %scan3A_38, %mul3A_39 : i32
        %mul3A_41 = arith.constant 2 : i32
        %mul3A_42 = arith.muli %scan3A_26, %mul3A_41 : i32
        %add3A_43 = arith.addi %mul3A_42, %scan3A_38 : i32
        "tpu.region"() ({
          %run_scoped3A = tpu.sem_alloc : memref<!tpu.dma_semaphore, #tpu.memory_space<semaphore_mem>>
          %dma_start3A = arith.constant 0 : i32
          %dma_start3A_44 = tpu.memref_slice %arg6[%mul3A_40, %dma_start3A] : memref<256x128xf32, #tpu.memory_space<vmem>> -> memref<128x128xf32, #tpu.memory_space<vmem>>
          %dma_start3A_45 = arith.constant 0 : i32
          %dma_start3A_46 = tpu.memref_slice %arg5[%add3A_43, %dma_start3A_45] : memref<38x128xi32, #tpu.memory_space<vmem>> -> memref<1x128xi32, #tpu.memory_space<vmem>>
          %dma_start3A_47 = tpu.memref_squeeze %dma_start3A_46 : memref<1x128xi32, #tpu.memory_space<vmem>> -> memref<128xi32, #tpu.memory_space<vmem>>
          %dma_start3A_48 = arith.constant 0 : i32
          %dma_start3A_49 = arith.constant 0 : i32
          %dma_start3A_50 = tpu.memref_slice %arg8[%dma_start3A_48, %dma_start3A_49] : memref<10240x128xf32, #tpu.memory_space<vmem_shared>> -> memref<10240x128xf32, #tpu.memory_space<vmem_shared>>
          tpu.enqueue_indirect_dma source(%dma_start3A_44 : memref<128x128xf32, #tpu.memory_space<vmem>>) target(%dma_start3A_50 : memref<10240x128xf32, #tpu.memory_space<vmem_shared>>) offsets(%dma_start3A_47 : memref<128xi32, #tpu.memory_space<vmem>>) semaphore(%run_scoped3A : memref<!tpu.dma_semaphore, #tpu.memory_space<semaphore_mem>>) {add = true}
          %dma_wait3A = arith.constant 0 : i32
          %dma_wait3A_51 = tpu.memref_slice %arg6[%mul3A_40, %dma_wait3A] : memref<256x128xf32, #tpu.memory_space<vmem>> -> memref<128x128xf32, #tpu.memory_space<vmem>>
          %dma_wait3A_52 = arith.constant 0 : i32
          %dma_wait3A_53 = tpu.memref_slice %arg5[%add3A_43, %dma_wait3A_52] : memref<38x128xi32, #tpu.memory_space<vmem>> -> memref<1x128xi32, #tpu.memory_space<vmem>>
          %dma_wait3A_54 = tpu.memref_squeeze %dma_wait3A_53 : memref<1x128xi32, #tpu.memory_space<vmem>> -> memref<128xi32, #tpu.memory_space<vmem>>
          %dma_wait3A_55 = arith.constant 0 : i32
          %dma_wait3A_56 = arith.constant 0 : i32
          %dma_wait3A_57 = tpu.memref_slice %arg8[%dma_wait3A_55, %dma_wait3A_56] : memref<10240x128xf32, #tpu.memory_space<vmem_shared>> -> memref<10240x128xf32, #tpu.memory_space<vmem_shared>>
          tpu.wait_indirect_dma semaphore(%run_scoped3A : memref<!tpu.dma_semaphore, #tpu.memory_space<semaphore_mem>>) src(%dma_wait3A_51 : memref<128x128xf32, #tpu.memory_space<vmem>>) dst(%dma_wait3A_57 : memref<10240x128xf32, #tpu.memory_space<vmem_shared>>)
          tpu.yield
        }) : () -> ()
      }
      %scan3A_37 = arith.constant 2 : i32
    }
    %scan3A_20 = arith.constant 19 : i32
    %barrier3A_21 = arith.constant 0 : index
    tpu.barrier barrier_id(%barrier3A_21)
    %mul3A_22 = arith.constant 640 : i32
    %mul3A_23 = arith.muli %arg1, %mul3A_22 : i32
    %mul3A_24 = arith.constant 640 : i32
    %mul3A_25 = arith.muli %arg1, %mul3A_24 : i32
    "tpu.region"() ({
      %run_scoped3A = tpu.sem_alloc : memref<!tpu.dma_semaphore, #tpu.memory_space<semaphore_mem>>
      %dma_start3A = arith.constant 0 : i32
      %dma_start3A_26 = tpu.memref_slice %arg4[%arg0, %mul3A_25, %dma_start3A] : memref<2x10240x128xf32, #tpu.memory_space<hbm>> -> memref<1x640x128xf32, #tpu.memory_space<hbm>>
      %dma_start3A_27 = tpu.memref_squeeze %dma_start3A_26 : memref<1x640x128xf32, #tpu.memory_space<hbm>> -> memref<640x128xf32, #tpu.memory_space<hbm>>
      %dma_start3A_28 = arith.constant 0 : i32
      %dma_start3A_29 = tpu.memref_slice %arg8[%mul3A_23, %dma_start3A_28] : memref<10240x128xf32, #tpu.memory_space<vmem_shared>> -> memref<640x128xf32, #tpu.memory_space<vmem_shared>>
      tpu.enqueue_dma source(%dma_start3A_29 : memref<640x128xf32, #tpu.memory_space<vmem_shared>>) target(%dma_start3A_27 : memref<640x128xf32, #tpu.memory_space<hbm>>) target_semaphore(%run_scoped3A : memref<!tpu.dma_semaphore, #tpu.memory_space<semaphore_mem>>)
      %dma_wait3A = arith.constant 0 : i32
      %dma_wait3A_30 = tpu.memref_slice %arg4[%arg0, %mul3A_25, %dma_wait3A] : memref<2x10240x128xf32, #tpu.memory_space<hbm>> -> memref<1x640x128xf32, #tpu.memory_space<hbm>>
      %dma_wait3A_31 = tpu.memref_squeeze %dma_wait3A_30 : memref<1x640x128xf32, #tpu.memory_space<hbm>> -> memref<640x128xf32, #tpu.memory_space<hbm>>
      %dma_wait3A_32 = arith.constant 0 : i32
      %dma_wait3A_33 = tpu.memref_slice %arg8[%mul3A_23, %dma_wait3A_32] : memref<10240x128xf32, #tpu.memory_space<vmem_shared>> -> memref<640x128xf32, #tpu.memory_space<vmem_shared>>
      tpu.wait_dma2 semaphore(%run_scoped3A : memref<!tpu.dma_semaphore, #tpu.memory_space<semaphore_mem>>) src(%dma_wait3A_33 : memref<640x128xf32, #tpu.memory_space<vmem_shared>>) dst(%dma_wait3A_31 : memref<640x128xf32, #tpu.memory_space<hbm>>)
      tpu.yield
    }) : () -> ()
    return
  }
}

module attributes {stable_mosaic.version = 14 : i64} {
  func.func @_mm_body(%arg0: i32, %arg1: i32, %arg2: memref<2976x128xf32, #tpu.memory_space<vmem>>, %arg3: memref<1x128x128xbf16, #tpu.memory_space<vmem>>, %arg4: memref<2976x128xf32, #tpu.memory_space<vmem>>) attributes {dimension_semantics = [#tpu.dimension_semantics<arbitrary>, #tpu.dimension_semantics<arbitrary>], iteration_bounds = array<i64: 13, 4>, scalar_prefetch = 0 : i64, scratch_operands = 0 : i64, tpu.core_type = #tpu.core_type<tc>, window_params = [{transform_indices = @transform_0, window_bounds = array<i64: 2976, 128>}, {transform_indices = @transform_1, window_bounds = array<i64: 1, 128, 128>}, {transform_indices = @transform_2, window_bounds = array<i64: 2976, 128>}]} {
    %get3A = arith.constant 0 : index
    %get3A_0 = arith.constant 0 : index
    %get3A_1 = vector.load %arg2[%get3A, %get3A_0] : memref<2976x128xf32, #tpu.memory_space<vmem>>, vector<2976x128xf32>
    %convert_element_type3A = arith.truncf %get3A_1 : vector<2976x128xf32> to vector<2976x128xbf16>
    %get3A_2 = arith.constant 0 : index
    %get3A_3 = arith.constant 0 : index
    %get3A_4 = arith.constant 0 : index
    %get3A_5 = vector.load %arg3[%get3A_2, %get3A_3, %get3A_4] : memref<1x128x128xbf16, #tpu.memory_space<vmem>>, vector<1x128x128xbf16>
    %get3A_6 = vector.shape_cast %get3A_5 : vector<1x128x128xbf16> to vector<128x128xbf16>
    %dot_general3A = arith.constant dense<0.000000e+00> : vector<2976x128xf32>
    %dot_general3A_7 = tpu.matmul %convert_element_type3A, %get3A_6, %dot_general3A {dimension_numbers = #tpu.dot_dimension_numbers<[1], [0], [0], [1], [0, 0, 1, 1], [], []>, transpose_lhs_hint = false} : vector<2976x128xbf16>, vector<128x128xbf16>, vector<2976x128xf32> -> vector<2976x128xf32>
    %swap3A = arith.constant 0 : index
    %swap3A_8 = arith.constant 0 : index
    %swap3A_9 = vector.load %arg4[%swap3A, %swap3A_8] : memref<2976x128xf32, #tpu.memory_space<vmem>>, vector<2976x128xf32>
    tpu.vector_store %arg4[%swap3A, %swap3A_8], %dot_general3A_7 {strides = array<i32>} : memref<2976x128xf32, #tpu.memory_space<vmem>>, vector<2976x128xf32>,
    return
  }
  func.func @transform_0(%arg0: i32, %arg1: i32) -> (i32, i32) {
    %mul3A = arith.constant 4 : i32
    %mul3A_0 = arith.muli %arg0, %mul3A : i32
    %add3A = arith.addi %mul3A_0, %arg1 : i32
    %c0_i32 = arith.constant 0 : i32
    %c0_i32_1 = arith.constant 0 : i32
    return %add3A, %c0_i32 : i32, i32
  }
  func.func @transform_1(%arg0: i32, %arg1: i32) -> (i32, i32, i32) {
    %c0_i32 = arith.constant 0 : i32
    %c0_i32_0 = arith.constant 0 : i32
    %c0_i32_1 = arith.constant 0 : i32
    return %arg0, %c0_i32, %c0_i32_0 : i32, i32, i32
  }
  func.func @transform_2(%arg0: i32, %arg1: i32) -> (i32, i32) {
    %mul3A = arith.constant 4 : i32
    %mul3A_0 = arith.muli %arg0, %mul3A : i32
    %add3A = arith.addi %mul3A_0, %arg1 : i32
    %c0_i32 = arith.constant 0 : i32
    %c0_i32_1 = arith.constant 0 : i32
    return %add3A, %c0_i32 : i32, i32
  }
}

module attributes {stable_mosaic.version = 14 : i64} {
  func.func @_fin1_body(%arg0: i32, %arg1: memref<2x2000x128xf32, #tpu.memory_space<vmem>>, %arg2: memref<1x128xf32, #tpu.memory_space<vmem>>, %arg3: memref<2000x128xf32, #tpu.memory_space<vmem>>) attributes {dimension_semantics = [#tpu.dimension_semantics<arbitrary>], iteration_bounds = array<i64: 5>, scalar_prefetch = 0 : i64, scratch_operands = 0 : i64, tpu.core_type = #tpu.core_type<tc>, window_params = [{transform_indices = @transform_0, window_bounds = array<i64: 2, 2000, 128>}, {pipeline_mode = #tpu.pipeline_mode<synchronous>, transform_indices = @transform_1, window_bounds = array<i64: 1, 128>}, {transform_indices = @transform_2, window_bounds = array<i64: 2000, 128>}]} {
    %get3A = arith.constant 0 : index
    %get3A_0 = arith.constant 0 : index
    %get3A_1 = arith.constant 0 : index
    %get3A_2 = vector.load %arg1[%get3A, %get3A_0, %get3A_1] : memref<2x2000x128xf32, #tpu.memory_space<vmem>>, vector<1x2000x128xf32>
    %get3A_3 = vector.shape_cast %get3A_2 : vector<1x2000x128xf32> to vector<2000x128xf32>
    %get3A_4 = arith.constant 1 : index
    %get3A_5 = arith.constant 0 : index
    %get3A_6 = arith.constant 0 : index
    %get3A_7 = vector.load %arg1[%get3A_4, %get3A_5, %get3A_6] : memref<2x2000x128xf32, #tpu.memory_space<vmem>>, vector<1x2000x128xf32>
    %get3A_8 = vector.shape_cast %get3A_7 : vector<1x2000x128xf32> to vector<2000x128xf32>
    %add3A = arith.addf %get3A_3, %get3A_8 : vector<2000x128xf32>
    %get3A_9 = arith.constant 0 : index
    %get3A_10 = arith.constant 0 : index
    %get3A_11 = vector.load %arg2[%get3A_9, %get3A_10] : memref<1x128xf32, #tpu.memory_space<vmem>>, vector<1x128xf32>
    %add3A_12 = vector.broadcast %get3A_11 : vector<1x128xf32> to vector<2000x128xf32>
    %add3A_13 = arith.addf %add3A, %add3A_12 : vector<2000x128xf32>
    %swap3A = arith.constant 0 : index
    %swap3A_14 = arith.constant 0 : index
    %swap3A_15 = vector.load %arg3[%swap3A, %swap3A_14] : memref<2000x128xf32, #tpu.memory_space<vmem>>, vector<2000x128xf32>
    tpu.vector_store %arg3[%swap3A, %swap3A_14], %add3A_13 {strides = array<i32>} : memref<2000x128xf32, #tpu.memory_space<vmem>>, vector<2000x128xf32>,
    return
  }
  func.func @transform_0(%arg0: i32) -> (i32, i32, i32) {
    %c0_i32 = arith.constant 0 : i32
    %c0_i32_0 = arith.constant 0 : i32
    %c0_i32_1 = arith.constant 0 : i32
    return %c0_i32, %arg0, %c0_i32_0 : i32, i32, i32
  }
  func.func @transform_1(%arg0: i32) -> (i32, i32) {
    %c0_i32 = arith.constant 0 : i32
    %c0_i32_0 = arith.constant 0 : i32
    %c0_i32_1 = arith.constant 0 : i32
    return %c0_i32, %c0_i32_0 : i32, i32
  }
  func.func @transform_2(%arg0: i32) -> (i32, i32) {
    %c0_i32 = arith.constant 0 : i32
    %c0_i32_0 = arith.constant 0 : i32
    return %arg0, %c0_i32 : i32, i32
  }
}

module attributes {stable_mosaic.version = 14 : i64} {
  func.func @_fin2_body(%arg0: i32, %arg1: memref<2000x128xf32, #tpu.memory_space<vmem>>, %arg2: memref<2x2000x128xf32, #tpu.memory_space<vmem>>, %arg3: memref<2000x128xf32, #tpu.memory_space<vmem>>) attributes {dimension_semantics = [#tpu.dimension_semantics<arbitrary>], iteration_bounds = array<i64: 5>, scalar_prefetch = 0 : i64, scratch_operands = 0 : i64, tpu.core_type = #tpu.core_type<tc>, window_params = [{transform_indices = @transform_0, window_bounds = array<i64: 2000, 128>}, {transform_indices = @transform_1, window_bounds = array<i64: 2, 2000, 128>}, {transform_indices = @transform_2, window_bounds = array<i64: 2000, 128>}]} {
    %get3A = arith.constant 0 : index
    %get3A_0 = arith.constant 0 : index
    %get3A_1 = vector.load %arg1[%get3A, %get3A_0] : memref<2000x128xf32, #tpu.memory_space<vmem>>, vector<2000x128xf32>
    %get3A_2 = arith.constant 0 : index
    %get3A_3 = arith.constant 0 : index
    %get3A_4 = arith.constant 0 : index
    %get3A_5 = vector.load %arg2[%get3A_2, %get3A_3, %get3A_4] : memref<2x2000x128xf32, #tpu.memory_space<vmem>>, vector<1x2000x128xf32>
    %get3A_6 = vector.shape_cast %get3A_5 : vector<1x2000x128xf32> to vector<2000x128xf32>
    %add3A = arith.addf %get3A_1, %get3A_6 : vector<2000x128xf32>
    %get3A_7 = arith.constant 1 : index
    %get3A_8 = arith.constant 0 : index
    %get3A_9 = arith.constant 0 : index
    %get3A_10 = vector.load %arg2[%get3A_7, %get3A_8, %get3A_9] : memref<2x2000x128xf32, #tpu.memory_space<vmem>>, vector<1x2000x128xf32>
    %get3A_11 = vector.shape_cast %get3A_10 : vector<1x2000x128xf32> to vector<2000x128xf32>
    %add3A_12 = arith.addf %add3A, %get3A_11 : vector<2000x128xf32>
    %swap3A = arith.constant 0 : index
    %swap3A_13 = arith.constant 0 : index
    %swap3A_14 = vector.load %arg3[%swap3A, %swap3A_13] : memref<2000x128xf32, #tpu.memory_space<vmem>>, vector<2000x128xf32>
    tpu.vector_store %arg3[%swap3A, %swap3A_13], %add3A_12 {strides = array<i32>} : memref<2000x128xf32, #tpu.memory_space<vmem>>, vector<2000x128xf32>,
    return
  }
  func.func @transform_0(%arg0: i32) -> (i32, i32) {
    %c0_i32 = arith.constant 0 : i32
    %c0_i32_0 = arith.constant 0 : i32
    return %arg0, %c0_i32 : i32, i32
  }
  func.func @transform_1(%arg0: i32) -> (i32, i32, i32) {
    %c0_i32 = arith.constant 0 : i32
    %c0_i32_0 = arith.constant 0 : i32
    %c0_i32_1 = arith.constant 0 : i32
    return %c0_i32, %arg0, %c0_i32_0 : i32, i32, i32
  }
  func.func @transform_2(%arg0: i32) -> (i32, i32) {
    %c0_i32 = arith.constant 0 : i32
    %c0_i32_0 = arith.constant 0 : i32
    return %arg0, %c0_i32 : i32, i32
  }
}

</mosaic_0001>

<sc_bundles>
// kernel: kernel.10.cloned.1.call-start
scs
__scs_entry_jumppad:
0x0: {  	(pc) =	sbr.rel $0x88, $3  }
0x1: {  	(tag) =	ssettag $0x0;
	lr =	simm.s32 $0x1  }
0x2: {  	[smem:$0x3F9D] =	sst lr;
	_ =	strace $0xD0000000  }
0x3: {  	_ = 	snop  }
0x4: {  	_ = 	snop  }
0x5: {  	_ = 	snop  }
0x6: {  	_ = 	snop  }
0x7: {  	_ = 	snop  }
__scs_overlays_trampoline_lowered:
0x8: {  	[smem:$0x3FAC] =	sst s0  }
0x9: {  	[smem:$0x3FAD] =	sst s1  }
0xa: {  	[smem:$0x3FAE] =	sst s2  }
0xb: {  	[smem:$0x3FAF] =	sst s3  }
0xc: {  	[smem:$0x3FB0] =	sst s4  }
0xd: {  	[smem:$0x3FB1] =	sst s5  }
0xe: {  	[smem:$0x3FB2] =	sst s6  }
0xf: {  	[smem:$0x3FB3] =	sst s7  }
0x10: {  	[smem:$0x3FB4] =	sst s8  }
0x11: {  	[smem:$0x3FB5] =	sst s9;
	s0 =	simm.s32 @!p0 $0x0  }
0x12: {  	s1 =	sld [smem:$0x3F9B];
	s0 =	simm.s32 @p0 $0x1  }
0x13: {  	[smem:$0x3FB6] =	sst s0;
	s0 =	simm.s32 @!p1 $0x0  }
0x14: {  	s2 =	sld [smem:$0x3F9A];
	s0 =	simm.s32 @p1 $0x1  }
0x15: {  	[smem:$0x3FB7] =	sst s0;
	s0 =	simm.s32 @!p2 $0x0  }
0x16: {  	s3 =	sld [smem:$0x3FDB];
	s0 =	simm.s32 @p2 $0x1  }
0x17: {  	s4 =	simm.s32 $0x1BF5;
	[smem:$0x3FB9] =	sst s0  }
0x18: {  	s0 =	sld [smem:$0x3F9C];
	_ =	swait.ge [sflag:s4], $0x0  }
0x19: {  	s7 =	sld [smem:$0x3F9D]  }
0x1a: {  	s8 =	sadd.s32 $0xFFFFE003, lr  }
0x1b: {  	s9 =	sadd.s32 $0xFFFFFEF7, lr;
	s5 =	simm.s32 $0xFFFFFFFF;
	p2 =	slt.u32 s8, $0xFFFFF086  }
0x1c: {  	p1 =	slt.u32 s9, $0xF7A;
	s5 =	simm.s32 @!p2 $0x0  }
0x1d: {  	s5 =	simm.s32 @p1 $0x1;
	p0 =	seq.s32 s7, s2  }
0x1e: {  	s7 =	smul.u32 @!p0 $0xF7A, s2;
	p2 =	seq.s32 @!p0 s5, $0x0  }
0x1f: {  	s9 =	smul.u32 $0xF7A, s1;
	s8 =	simm.s32 @!p0 $0x1BF5;
	p2 =	por !p2, p0  }
0x20: {  	[sflag:s8] =	ssyncset.s32 @!p0 $0xFFFFF086;
	s6 =	sadd.s32 @!p0 s3, s7;
	s7 =	simm.s32 @!p0 $0x108  }
0x21: {  	s3 =	sadd.s32 s3, s9;
	s6 =	sadd.s32 @!p0 $0x88, s6;
	s7 =	simm.s32 @p2 $0x1082  }
0x22: {  	[simem:s7], [sflag:s8] =	dma.local @!p0 [hbm:s6], $0xF7A  }
0x23: {  	s9 =	sor.u32 $0xD0000000, s2;
	s6 =	simm.s32 $0x108;
	_ =	swait.ge @!p0 [sflag:s8], $0x0  }
0x24: {  	s3 =	sadd.s32 $0x88, s3;
	s6 =	simm.s32 @!p1 $0x1082;
	[sflag:s4] =	ssyncset.s32 $0xFFFFF086  }
0x25: {  	[simem:s6], [sflag:s4] =	dma.local [hbm:s3], $0xF7A  }
0x26: {  	[smem:$0x3F9D] =	sst s1;
	(tag) =	ssettag s2;
	_ =	strace s9  }
0x27: {  	s1 =	sld [smem:$0x3FAD]  }
0x28: {  	s2 =	sld [smem:$0x3FAE]  }
0x29: {  	s4 =	sld [smem:$0x3FB0]  }
0x2a: {  	p0 =	seq.s32 s5, $0x0;
	s5 =	sld [smem:$0x3FB1]  }
0x2b: {  	s6 =	sld [smem:$0x3FB2]  }
0x2c: {  	s7 =	sld [smem:$0x3FB3]  }
0x2d: {  	s3 =	simm.s32 $0x108;
	s8 =	sld [smem:$0x3FB4]  }
0x2e: {  	s3 =	simm.s32 @!p0 $0x1082;
	s9 =	sld [smem:$0x3FB5]  }
0x2f: {  	lr =	sadd.s32 s0, s3;
	s0 =	sld [smem:$0x3FAC]  }
0x30: {  	s3 =	sld [smem:$0x3FAF]  }
0x31: {  	[smem:$0x3FB8] =	sst s10  }
0x32: {  	s10 =	sld [smem:$0x3FB6];
	_ =	sdelay $0x3  }
0x33: {  	p0 =	seq.s32 s10, $0x1;
	s10 =	sld [smem:$0x3FB8];
	_ =	sdelay $0x3  }
0x34: {  	[smem:$0x3FB8] =	sst s10  }
0x35: {  	s10 =	sld [smem:$0x3FB7];
	_ =	sdelay $0x3  }
0x36: {  	p1 =	seq.s32 s10, $0x1;
	s10 =	sld [smem:$0x3FB8];
	_ =	sdelay $0x3  }
0x37: {  	[smem:$0x3FB8] =	sst s10  }
0x38: {  	s10 =	sld [smem:$0x3FB9]  }
0x39: {  	_ = 	snop;
	(pc) =	sbr.ind lr, $3  }
0x3a: {  	_ = 	snop  }
0x3b: {  	_ = 	snop  }
0x3c: {  	p2 =	seq.s32 s10, $0x1;
	s10 =	sld [smem:$0x3FB8]  }
0x3d: {  	_ =	shalt  }
0x3e: {  	_ =	shalt  }
0x3f: {  	_ =	shalt  }
0x40: {  	_ =	shalt  }
0x41: {  	_ =	shalt  }
0x42: {  	_ =	shalt  }
0x43: {  	_ =	shalt  }
0x44: {  	_ =	shalt  }
0x45: {  	_ =	shalt  }
0x46: {  	_ =	shalt  }
0x47: {  	_ =	shalt  }
0x48: {  	_ =	shalt  }
0x49: {  	_ =	shalt  }
0x4a: {  	_ =	shalt  }
0x4b: {  	_ =	shalt  }
0x4c: {  	_ =	shalt  }
0x4d: {  	_ =	shalt  }
0x4e: {  	_ =	shalt  }
0x4f: {  	_ =	shalt  }
0x50: {  	_ =	shalt  }
0x51: {  	_ =	shalt  }
0x52: {  	_ =	shalt  }
0x53: {  	_ =	shalt  }
0x54: {  	_ =	shalt  }
0x55: {  	_ =	shalt  }
0x56: {  	_ =	shalt  }
0x57: {  	_ =	shalt  }
0x58: {  	_ =	shalt  }
0x59: {  	_ =	shalt  }
0x5a: {  	_ =	shalt  }
0x5b: {  	_ =	shalt  }
0x5c: {  	_ =	shalt  }
0x5d: {  	_ =	shalt  }
0x5e: {  	_ =	shalt  }
0x5f: {  	_ =	shalt  }
0x60: {  	_ =	shalt  }
0x61: {  	_ =	shalt  }
0x62: {  	_ =	shalt  }
0x63: {  	_ =	shalt  }
0x64: {  	_ =	shalt  }
0x65: {  	_ =	shalt  }
0x66: {  	_ =	shalt  }
0x67: {  	_ =	shalt  }
0x68: {  	_ =	shalt  }
0x69: {  	_ =	shalt  }
0x6a: {  	_ =	shalt  }
0x6b: {  	_ =	shalt  }
0x6c: {  	_ =	shalt  }
0x6d: {  	_ =	shalt  }
0x6e: {  	_ =	shalt  }
0x6f: {  	_ =	shalt  }
0x70: {  	_ =	shalt  }
0x71: {  	_ =	shalt  }
0x72: {  	_ =	shalt  }
0x73: {  	_ =	shalt  }
0x74: {  	_ =	shalt  }
0x75: {  	_ =	shalt  }
0x76: {  	_ =	shalt  }
0x77: {  	_ =	shalt  }
0x78: {  	_ =	shalt  }
0x79: {  	_ =	shalt  }
0x7a: {  	_ =	shalt  }
0x7b: {  	_ =	shalt  }
0x7c: {  	_ =	shalt  }
0x7d: {  	_ =	shalt  }
0x7e: {  	_ =	shalt  }
0x7f: {  	_ =	shalt  }
0x80: {  	_ =	shalt  }
0x81: {  	_ =	shalt  }
0x82: {  	_ =	shalt  }
0x83: {  	_ =	shalt  }
0x84: {  	_ =	shalt  }
0x85: {  	_ =	shalt  }
0x86: {  	_ =	shalt  }
0x87: {  	_ =	shalt  }
.Lfunc_end0:
.L_simem_size_0:
called_computation_lowered:
.L_overlay_start_0:
0x88: {  	s2 =	sld [smem:$0x3FD9]  }
0x89: {  	s3 =	sld [smem:$0x3FFE];
	_ =	sdelay $0x1  }
0x8a: {  	s1 =	srdreg.scid  }
0x8b: {  	s0 =	sand.u32 $0x1, s1  }
0x8c: {  	s17 =	sshll.u32 s0, $0xA;
	s2 =	sadd.s32 s3, s2  }
0x8d: {  	s2 =	sadd.s32 s2, s17  }
0x8e: {  	[smem:$0x3FC4] =	sst s2  }
0x8f: {  	_ = 	snop  }
0x90: {  	s2 =	sld [smem:$0x3FC9];
	(tm) =	ssettm $0x1  }
0x91: {  	s18 =	sld [smem:$0x3FFB];
	_ =	sdelay $0x3  }
0x92: {  	_ =	strace s18  }
0x93: {  	s3 =	sld [smem:$0x3FFC];
	_ =	sdelay $0x3  }
0x94: {  	_ =	strace s3  }
0x95: {  	s3 =	sld [smem:$0x3FFD];
	_ =	sdelay $0x3  }
0x96: {  	_ =	strace s3  }
0x97: {  	_ =	strace $0x8FFFFFFF  }
0x98: {  	s19 =	sld [smem:$0x3FDB];
	_ =	sdelay $0x1  }
0x99: {  	s4 =	simm.s32 $_scs_section_size  }
0x9a: {  	s5 =	simm.s32 $_size__tile_overlayer_lowered;
	s6 =	simm.s32 $_tile_overlayer_lowered  }
0x9b: {  	s22 =	simm.s32 $0x1BFF;
	s21 =	sshll.u32 s6, $0x1;
	s3 =	sadd.s32 s4, s19  }
0x9c: {  	s7 =	simm.s32 $0x0;
	s20 =	sshll.u32 s5, $0x1;
	s5 =	sadd.s32 s21, s3  }
0x9d: {  	[timem:s7], [sflag:s22] =	dma.local [hbm:s5], s20  }
0x9e: {  	_ =	swait.ge [sflag:s22], s20  }
0x9f: {  	s4 =	ssub.s32 $0x0, s20;
	[sflag:s22] =	ssyncset.done $0x0  }
0xa0: {  	[sflag:s22] =	ssyncadd.s32 s4;
	_ =	sdelay $0x1  }
0xa1: {  	s23 =	simm.s32 $0x1B8B  }
0xa2: {  	_ =	swait.ge [sflag:s23], $0x1  }
0xa3: {  	[sflag:s23] =	ssyncset.done $0x0  }
0xa4: {  	s25 =	simm.s32 $0x1B8E;
	s24 =	sld [smem:$0x3FFE];
	[sflag:s23] =	ssyncadd.s32 $0xFFFFFFFF  }
0xa5: {  	s26 =	simm.s32 $execute0_lowered;
	[smem:$0x3FD2] =	sst s25  }
0xa6: {  	s5 =	sshll.u32 s26, $0x1;
	_ =	strace $0x80000046;
	[dreg:$0x1] =	wrdreg $0xFFFFFFFF  }
0xa7: {  	s28 =	simm.s32 $_size_execute0_lowered;
	s3 =	sadd.s32 s3, s5;
	[dreg:$0x0] =	wrdreg $0x0  }
0xa8: {  	s5 =	sshll.u32 s28, $0x1;
	[dreg:$0x2] =	wrdreg s3  }
0xa9: {  	[dreg:$0x3] =	wrdreg s5  }
0xaa: {  	[dreg:$0x4] =	wrdreg $0xC0  }
0xab: {  	_ =	task [dreg:s7], $0x5FFFF  }
0xac: {  	[dreg:$0x1] =	wrdreg $0xFFFFFFFF  }
0xad: {  	[dreg:$0x0] =	wrdreg $0x60  }
0xae: {  	[dreg:$0x2] =	wrdreg s2  }
0xaf: {  	[dreg:$0x3] =	wrdreg s24  }
0xb0: {  	[dreg:$0x4] =	wrdreg $0xA  }
0xb1: {  	_ =	task.clear_ibuf [dreg:s7], $0x5FFFF;
	_ =	strace $0x90000046  }
0xb2: {  	s29 =	simm.s32 $0xA;
	_ =	strace $0x80000048  }
0xb3: {  	_ =	swait.ge [sflag:s29], $0x1  }
0xb4: {  	[sflag:s29] =	ssyncadd.s32 $0xFFFFFFFF  }
0xb5: {  	_ =	strace $0x90000048  }
0xb6: {  	_ =	sfence  }
0xb7: {  	s30 =	sld [smem:$0x0];
	_ =	sdelay $0x2  }
0xb8: {  	s31 =	sshll.u32 s1, $0xD;
	s1 =	sshrl.u32 s1, $0x2  }
0xb9: {  	s3 =	sand.u32 $0x4000, s31;
	s1 =	sadd.s32 s1, s30  }
0xba: {  	s0 =	sor.u32 s3, s0;
	s1 =	sshll.u32 s1, $0x11  }
0xbb: {  	s0 =	sor.u32 s1, s0  }
0xbc: {  	s0 =	sadd.s32 $0x8F2B, s0  }
0xbd: {  	[sflag:s0] =	ssyncadd.remote.s32 $0x1  }
0xbe: {  	_ =	sfence.sel $0xFFFF  }
0xbf: {  	[dreg:$0x0] =	wrdreg $0xFFFFFFFF;
	(pc) =	sbr.abs _section_cstart, $3  }
0xc0: {  	[dreg:$0x1] =	wrdreg $0xFFFFFFFF  }
0xc1: {  	_ =	task.clear_ibuf [dreg:s7], $0x2FFFF;
	_ =	strace $0x9FFFFFFF  }
0xc2: {  	(tm) =	ssettm $0x7FFFFFFF  }
0xc3: {  	_ =	shalt  }
tec
execute0_lowered:
.L_overlay_start_1:
0x0: {  	(tag) =	ssettag $0x1  }
0x1: {  	s0 =	srdreg.scid  }
0x2: {  	s10 =	stileid.u32;
	s2 =	rddreg [dreg:$0x0]  }
0x3: {  	s4 =	rddreg [dreg:$0x1];
	s3 =	simm.s32 $0x0;
	s13 =	simm.s32 $0x80  }
0x4: {  	s14 =	simm.s32 $0x1400;
	s15 =	simm.s32 $0x5400;
	s16 =	simm.s32 $0x1  }
0x5: {  	s17 =	simm.s32 $0x9400;
	s18 =	simm.s32 $0x2;
	s19 =	simm.s32 $0xD400  }
0x6: {  	s20 =	simm.s32 $0x3;
	s21 =	simm.s32 $0x5;
	s22 =	simm.s32 $0x4  }
0x7: {  	s23 =	simm.s32 $0x6;
	s24 =	simm.s32 $0x7;
	s6 =	smul.u32 $0x4C, s10  }
0x8: {  	s29 =	simm.s32 $0x0;
	s1 =	sand.u32 $0x1, s0;
	s11 =	smul.u32 $0x26000, s10  }
0x9: {  	s25 =	sshll.u32 s10, $0x1;
	[smem:$0x7FF] =	sst s3;
	s8 =	smul.u32 $0x26, s1  }
0xa: {  	s9 =	sadd.s32 $0xB000, s4;
	s0 =	sor.u32 s1, s25;
	s12 =	smul.u32 $0x13000, s1  }
0xb: {  	_ =	strace $0x80000047;
	s7 =	ssub.s32 $0x2, s1;
	s5 =	smul.u32 $0x280, s0  }
0xc: {  	s25 =	simm.s32 $0x8;
	s0 =	smul.u32 $0x98000, s0;
	s26 =	sshrl.u32 s7, $0x1  }
0xd: {  	s31 =	sadd.s32 s11, s9;
	s7 =	ssub.s32 s7, s26;
	s6 =	sadd.s32 s8, s6  }
0xe: {  	s11 =	sadd.s32 s12, s31;
	s12 =	simm.s32 $0x9;
	s5 =	sadd.s32 s5, s4  }
.Ltmp0:
0xf: {  	s0 =	sshrl.u32 s0, $0x3;
	s8 =	sshll.u32 s6, $0xB;
	(pc) =	sbr.rel .LBB2_1-.Ltmp0, $4  }
0x10: {  	s7 =	smax.u32 s7, $0x1;
	s0 =	sadd.s32 s9, s0;
	s28 =	sadd.s32 $0x6000, s5  }
0x11: {  	s8 =	sadd.s32 s8, s9;
	[dreg:$0x3] =	wrdreg s28;
	s30 =	sadd.s32 $0x12000, s0  }
0x12: {  	s0 =	sadd.s32 $0x12800, s0;
	s1 =	sadd.s32 $0x1800, s8;
	[dreg:$0x4] =	wrdreg s30  }
0x13: {  	s10 =	sadd.s32 $0x1000, s8;
	[dreg:$0x5] =	wrdreg s0;
	s0 =	sadd.s32 $0x800, s8  }
.LBB2_4:
0x14: {  	_ =	swait.ge [sflag:s24], $0x4000  }
0x15: {  	[sflag:s24] =	ssyncset.done $0x0  }
0x16: {  	[sflag:s24] =	ssyncadd.s32 $0xFFFFC000  }
0x17: {  	_ =	swait.ge [sflag:s25], $0x4000  }
0x18: {  	[sflag:s25] =	ssyncset.done $0x0  }
0x19: {  	s4 =	simm.s32 $0x1200;
	[sflag:s25] =	ssyncadd.s32 $0xFFFFC000  }
0x1a: {  	[tilespmem:s14], [sflag:$0x1] =	stream.indirect.gather [hbm4b:s2+s13], $0x80, s4, s13, $0xb8;
	[tilespmem:$0x11400] =	vst v63  }
0x1b: {  	_ =	swait.ge [sflag:s16], $0x4000  }
0x1c: {  	[sflag:s16] =	ssyncset.done $0x0  }
0x1d: {  	s28 =	rddreg [dreg:$0x4];
	[sflag:s16] =	ssyncadd.s32 $0xFFFFC000  }
0x1e: {  	[hbm4b:s28+s3] =	stream.linear.scatter [tilespmem:s14], [sflag:$0x9], $0x4000, $0x38;
	[tilespmem:$0x11400] =	vst v63  }
0x1f: {  	_ =	swait.ge [sflag:s12], $0x4000  }
0x20: {  	[sflag:s12] =	ssyncset.done $0x0  }
0x21: {  	s30 =	simm.s32 $0x1280;
	[sflag:s12] =	ssyncadd.s32 $0xFFFFC000  }
0x22: {  	[tilespmem:s14], [sflag:$0x1] =	stream.indirect.gather [hbm4b:s2+s13], $0x80, s30, s13, $0xb8;
	[tilespmem:$0x11400] =	vst v63  }
0x23: {  	s29 =	sadd.s32 $0x1, s29;
	_ =	swait.ge [sflag:s16], $0x4000  }
0x24: {  	p0 =	sne.s32 s29, s7;
	[sflag:s16] =	ssyncset.done $0x0  }
.Ltmp1:
0x25: {  	s31 =	rddreg [dreg:$0x5];
	[sflag:s16] =	ssyncadd.s32 $0xFFFFC000;
	(pc) =	sbr.rel @!p0 .LBB2_5-.Ltmp1, $4  }
0x26: {  	[hbm4b:s31+s3] =	stream.linear.scatter [tilespmem:s14], [sflag:$0x9], $0x4000, $0x38;
	[tilespmem:$0x11400] =	vst v63  }
0x27: {  	_ =	swait.ge [sflag:s12], $0x4000  }
0x28: {  	[sflag:s12] =	ssyncset.done $0x0  }
0x29: {  	[sflag:s12] =	ssyncadd.s32 $0xFFFFC000  }
.LBB2_1:
0x2a: {  	s4 =	rddreg [dreg:$0x3]  }
0x2b: {  	[tilespmem:s3], [sflag:$0x9] =	stream.linear.gather [hbm4b:s4+s3], $0x1300, $0x38;
	[tilespmem:$0x11400] =	vst v63  }
0x2c: {  	_ =	swait.ge [sflag:s12], $0x1300  }
0x2d: {  	[sflag:s12] =	ssyncset.done $0x0  }
0x2e: {  	s30 =	smov.u32 s11;
	s31 =	smov.u32 s10;
	[sflag:s12] =	ssyncadd.s32 $0xFFFFED00  }
0x2f: {  	[tilespmem:s14], [sflag:$0x1] =	stream.indirect.gather [hbm4b:s2+s13], $0x80, s3, s13, $0xb8;
	[tilespmem:$0x11400] =	vst v63  }
0x30: {  	s9 =	smov.u32 s1;
	s8 =	smov.u32 s0;
	s26 =	simm.s32 $0x0  }
0x31: {  	[tilespmem:s15], [sflag:$0x2] =	stream.indirect.gather [hbm4b:s2+s13], $0x80, s13, s13, $0xb8;
	[tilespmem:$0x11400] =	vst v63  }
.LBB2_2:
0x32: {  	_ =	swait.ge [sflag:s16], $0x4000  }
0x33: {  	p0 =	seq.s32 s26, $0x0;
	[sflag:s16] =	ssyncset.done $0x0  }
0x34: {  	s4 =	simm.s32 @!p0 $0x7;
	[sflag:s16] =	ssyncadd.s32 $0xFFFFC000  }
0x35: {  	[hbm4b:s30+s3] =	stream.linear.scatter [tilespmem:s14], [sflag:$0x5], $0x4000, $0x38;
	[tilespmem:$0x11400] =	vst v63  }
0x36: {  	_ =	swait.ge @!p0 [sflag:s4], $0x4000  }
0x37: {  	s28 =	sshra.s32 s26, $0x2;
	[sflag:s4] =	ssyncset.done @!p0 $0x0  }
0x38: {  	s5 =	sadd.s32 $0x100, s28;
	[sflag:s4] =	ssyncadd.s32 @!p0 $0xFFFFC000  }
0x39: {  	[tilespmem:s17], [sflag:$0x3] =	stream.indirect.gather [hbm4b:s2+s13], $0x80, s5, s13, $0xb8;
	[tilespmem:$0x11400] =	vst v63  }
0x3a: {  	_ =	swait.ge [sflag:s18], $0x4000  }
0x3b: {  	[sflag:s18] =	ssyncset.done $0x0  }
0x3c: {  	s4 =	simm.s32 @!p0 $0x8;
	[sflag:s18] =	ssyncadd.s32 $0xFFFFC000  }
0x3d: {  	[hbm4b:s8+s3] =	stream.linear.scatter [tilespmem:s15], [sflag:$0x6], $0x4000, $0x38;
	[tilespmem:$0x11400] =	vst v63  }
0x3e: {  	_ =	swait.ge @!p0 [sflag:s4], $0x4000  }
0x3f: {  	[sflag:s4] =	ssyncset.done @!p0 $0x0  }
0x40: {  	s6 =	sadd.s32 $0x180, s28;
	[sflag:s4] =	ssyncadd.s32 @!p0 $0xFFFFC000  }
0x41: {  	[tilespmem:s19], [sflag:$0x4] =	stream.indirect.gather [hbm4b:s2+s13], $0x80, s6, s13, $0xb8;
	[tilespmem:$0x11400] =	vst v63  }
0x42: {  	_ =	swait.ge [sflag:s20], $0x4000  }
0x43: {  	[sflag:s20] =	ssyncset.done $0x0  }
0x44: {  	[sflag:s20] =	ssyncadd.s32 $0xFFFFC000  }
0x45: {  	[hbm4b:s31+s3] =	stream.linear.scatter [tilespmem:s17], [sflag:$0x7], $0x4000, $0x38;
	[tilespmem:$0x11400] =	vst v63  }
0x46: {  	p0 =	seq.s32 s26, $0x4000;
	_ =	swait.ge [sflag:s21], $0x4000  }
0x47: {  	s4 =	sshra.s32 @!p0 s26, $0x2;
	s5 =	simm.s32 @!p0 $0x80;
	[sflag:s21] =	ssyncset.done $0x0  }
0x48: {  	s6 =	simm.s32 @!p0 $0x1400;
	s4 =	sadd.s32 @!p0 $0x200, s4;
	[sflag:s21] =	ssyncadd.s32 $0xFFFFC000  }
0x49: {  	[tilespmem:s6], [sflag:$0x1] =	stream.indirect.gather @!p0 [hbm4b:s2+s5], $0x80, s4, s5, $0xb8;
	[tilespmem:$0x11400] =	vst v63  }
0x4a: {  	_ =	swait.ge [sflag:s22], $0x4000  }
0x4b: {  	[sflag:s22] =	ssyncset.done $0x0  }
.Ltmp2:
0x4c: {  	[sflag:s22] =	ssyncadd.s32 $0xFFFFC000;
	(pc) =	sbr.rel @p0 .LBB2_4-.Ltmp2, $4  }
0x4d: {  	[hbm4b:s9+s3] =	stream.linear.scatter [tilespmem:s19], [sflag:$0x8], $0x4000, $0x38;
	[tilespmem:$0x11400] =	vst v63  }
0x4e: {  	_ =	swait.ge [sflag:s23], $0x4000  }
0x4f: {  	[sflag:s23] =	ssyncset.done $0x0  }
0x50: {  	[sflag:s23] =	ssyncadd.s32 $0xFFFFC000  }
.Ltmp3:
0x51: {  	(pc) =	sbr.rel .LBB2_2-.Ltmp3, $4  }
0x52: {  	_ = 	snop  }
0x53: {  	s4 =	sadd.s32 $0x280, s28;
	s26 =	sadd.s32 $0x800, s26;
	s8 =	sadd.s32 $0x2000, s8  }
0x54: {  	s9 =	sadd.s32 $0x2000, s9;
	s31 =	sadd.s32 $0x2000, s31;
	s30 =	sadd.s32 $0x2000, s30  }
0x55: {  	[tilespmem:s15], [sflag:$0x2] =	stream.indirect.gather [hbm4b:s2+s13], $0x80, s4, s13, $0xb8;
	[tilespmem:$0x11400] =	vst v63  }
.LBB2_5:
0x56: {  	_ =	sfence.sel $0x180000  }
0x57: {  	[bflag:$0x0] =	sbarrier.arrive $0xFFFF  }
0x58: {  	_ =	strace $0x90000047  }
0x59: {  	s0 =	stileid.u32;
	[bflag:$0x2] =	sbarrier.arrive $0xFFFF  }
0x5a: {  	p0 =	sne.s32 s0, $0x0;
	s0 =	rddreg [dreg:$0x2]  }
0x5b: {  	s0 =	sadd.s32 @!p0 $0x100000, s0  }
0x5c: {  	[sflag:s0] =	ssyncadd.tile.s32 @!p0 $0x1;
	_ =	shalt  }
.Lfunc_end2:
_tile_overlayer_lowered:
.L_overlay_start_2:
0x5d: {  	(tag) =	ssettag $0x2  }
0x5e: {  	s0 =	rddreg [dreg:$0x0];
	s2 =	stileid.u32  }
0x5f: {  	s1 =	rddreg [dreg:$0x1];
	p0 =	sne.s32 s2, $0x0  }
0x60: {  	s3 =	rddreg [dreg:$0x2];
	[bflag:$0x3] =	sbarrier.arrive $0xFFFF;
	s2 =	simm.s32 @!p0 $0x1C09  }
0x61: {  	[timem:s3], [sflag:s2] =	dma.local @!p0 [hbm:s0], s1  }
0x62: {  	s0 =	simm.s32 @!p0 $0x9  }
0x63: {  	_ =	swait.ge @!p0 [sflag:s0], s1  }
0x64: {  	s1 =	ssub.s32 @!p0 $0x0, s1;
	[sflag:s0] =	ssyncset.done @!p0 $0x0  }
0x65: {  	[sflag:s0] =	ssyncadd.s32 @!p0 s1  }
0x66: {  	[bflag:$0x3] =	sbarrier.arrive $0xFFFF  }
0x67: {  	_ =	shalt  }

// kernel: kernel.13.cloned.1.call-start
scs
__scs_entry_jumppad:
0x0: {  	(pc) =	sbr.rel $0x88, $3  }
0x1: {  	(tag) =	ssettag $0x0;
	lr =	simm.s32 $0x1  }
0x2: {  	[smem:$0x3F9D] =	sst lr;
	_ =	strace $0xD0000000  }
0x3: {  	_ = 	snop  }
0x4: {  	_ = 	snop  }
0x5: {  	_ = 	snop  }
0x6: {  	_ = 	snop  }
0x7: {  	_ = 	snop  }
__scs_overlays_trampoline_lowered:
0x8: {  	[smem:$0x3FAC] =	sst s0  }
0x9: {  	[smem:$0x3FAD] =	sst s1  }
0xa: {  	[smem:$0x3FAE] =	sst s2  }
0xb: {  	[smem:$0x3FAF] =	sst s3  }
0xc: {  	[smem:$0x3FB0] =	sst s4  }
0xd: {  	[smem:$0x3FB1] =	sst s5  }
0xe: {  	[smem:$0x3FB2] =	sst s6  }
0xf: {  	[smem:$0x3FB3] =	sst s7  }
0x10: {  	[smem:$0x3FB4] =	sst s8  }
0x11: {  	[smem:$0x3FB5] =	sst s9;
	s0 =	simm.s32 @!p0 $0x0  }
0x12: {  	s1 =	sld [smem:$0x3F9B];
	s0 =	simm.s32 @p0 $0x1  }
0x13: {  	[smem:$0x3FB6] =	sst s0;
	s0 =	simm.s32 @!p1 $0x0  }
0x14: {  	s2 =	sld [smem:$0x3F9A];
	s0 =	simm.s32 @p1 $0x1  }
0x15: {  	[smem:$0x3FB7] =	sst s0;
	s0 =	simm.s32 @!p2 $0x0  }
0x16: {  	s3 =	sld [smem:$0x3FDB];
	s0 =	simm.s32 @p2 $0x1  }
0x17: {  	s4 =	simm.s32 $0x1BF5;
	[smem:$0x3FB9] =	sst s0  }
0x18: {  	s0 =	sld [smem:$0x3F9C];
	_ =	swait.ge [sflag:s4], $0x0  }
0x19: {  	s7 =	sld [smem:$0x3F9D]  }
0x1a: {  	s8 =	sadd.s32 $0xFFFFE003, lr  }
0x1b: {  	s9 =	sadd.s32 $0xFFFFFEF7, lr;
	s5 =	simm.s32 $0xFFFFFFFF;
	p2 =	slt.u32 s8, $0xFFFFF086  }
0x1c: {  	p1 =	slt.u32 s9, $0xF7A;
	s5 =	simm.s32 @!p2 $0x0  }
0x1d: {  	s5 =	simm.s32 @p1 $0x1;
	p0 =	seq.s32 s7, s2  }
0x1e: {  	s7 =	smul.u32 @!p0 $0xF7A, s2;
	p2 =	seq.s32 @!p0 s5, $0x0  }
0x1f: {  	s9 =	smul.u32 $0xF7A, s1;
	s8 =	simm.s32 @!p0 $0x1BF5;
	p2 =	por !p2, p0  }
0x20: {  	[sflag:s8] =	ssyncset.s32 @!p0 $0xFFFFF086;
	s6 =	sadd.s32 @!p0 s3, s7;
	s7 =	simm.s32 @!p0 $0x108  }
0x21: {  	s3 =	sadd.s32 s3, s9;
	s6 =	sadd.s32 @!p0 $0x88, s6;
	s7 =	simm.s32 @p2 $0x1082  }
0x22: {  	[simem:s7], [sflag:s8] =	dma.local @!p0 [hbm:s6], $0xF7A  }
0x23: {  	s9 =	sor.u32 $0xD0000000, s2;
	s6 =	simm.s32 $0x108;
	_ =	swait.ge @!p0 [sflag:s8], $0x0  }
0x24: {  	s3 =	sadd.s32 $0x88, s3;
	s6 =	simm.s32 @!p1 $0x1082;
	[sflag:s4] =	ssyncset.s32 $0xFFFFF086  }
0x25: {  	[simem:s6], [sflag:s4] =	dma.local [hbm:s3], $0xF7A  }
0x26: {  	[smem:$0x3F9D] =	sst s1;
	(tag) =	ssettag s2;
	_ =	strace s9  }
0x27: {  	s1 =	sld [smem:$0x3FAD]  }
0x28: {  	s2 =	sld [smem:$0x3FAE]  }
0x29: {  	s4 =	sld [smem:$0x3FB0]  }
0x2a: {  	p0 =	seq.s32 s5, $0x0;
	s5 =	sld [smem:$0x3FB1]  }
0x2b: {  	s6 =	sld [smem:$0x3FB2]  }
0x2c: {  	s7 =	sld [smem:$0x3FB3]  }
0x2d: {  	s3 =	simm.s32 $0x108;
	s8 =	sld [smem:$0x3FB4]  }
0x2e: {  	s3 =	simm.s32 @!p0 $0x1082;
	s9 =	sld [smem:$0x3FB5]  }
0x2f: {  	lr =	sadd.s32 s0, s3;
	s0 =	sld [smem:$0x3FAC]  }
0x30: {  	s3 =	sld [smem:$0x3FAF]  }
0x31: {  	[smem:$0x3FB8] =	sst s10  }
0x32: {  	s10 =	sld [smem:$0x3FB6];
	_ =	sdelay $0x3  }
0x33: {  	p0 =	seq.s32 s10, $0x1;
	s10 =	sld [smem:$0x3FB8];
	_ =	sdelay $0x3  }
0x34: {  	[smem:$0x3FB8] =	sst s10  }
0x35: {  	s10 =	sld [smem:$0x3FB7];
	_ =	sdelay $0x3  }
0x36: {  	p1 =	seq.s32 s10, $0x1;
	s10 =	sld [smem:$0x3FB8];
	_ =	sdelay $0x3  }
0x37: {  	[smem:$0x3FB8] =	sst s10  }
0x38: {  	s10 =	sld [smem:$0x3FB9]  }
0x39: {  	_ = 	snop;
	(pc) =	sbr.ind lr, $3  }
0x3a: {  	_ = 	snop  }
0x3b: {  	_ = 	snop  }
0x3c: {  	p2 =	seq.s32 s10, $0x1;
	s10 =	sld [smem:$0x3FB8]  }
0x3d: {  	_ =	shalt  }
0x3e: {  	_ =	shalt  }
0x3f: {  	_ =	shalt  }
0x40: {  	_ =	shalt  }
0x41: {  	_ =	shalt  }
0x42: {  	_ =	shalt  }
0x43: {  	_ =	shalt  }
0x44: {  	_ =	shalt  }
0x45: {  	_ =	shalt  }
0x46: {  	_ =	shalt  }
0x47: {  	_ =	shalt  }
0x48: {  	_ =	shalt  }
0x49: {  	_ =	shalt  }
0x4a: {  	_ =	shalt  }
0x4b: {  	_ =	shalt  }
0x4c: {  	_ =	shalt  }
0x4d: {  	_ =	shalt  }
0x4e: {  	_ =	shalt  }
0x4f: {  	_ =	shalt  }
0x50: {  	_ =	shalt  }
0x51: {  	_ =	shalt  }
0x52: {  	_ =	shalt  }
0x53: {  	_ =	shalt  }
0x54: {  	_ =	shalt  }
0x55: {  	_ =	shalt  }
0x56: {  	_ =	shalt  }
0x57: {  	_ =	shalt  }
0x58: {  	_ =	shalt  }
0x59: {  	_ =	shalt  }
0x5a: {  	_ =	shalt  }
0x5b: {  	_ =	shalt  }
0x5c: {  	_ =	shalt  }
0x5d: {  	_ =	shalt  }
0x5e: {  	_ =	shalt  }
0x5f: {  	_ =	shalt  }
0x60: {  	_ =	shalt  }
0x61: {  	_ =	shalt  }
0x62: {  	_ =	shalt  }
0x63: {  	_ =	shalt  }
0x64: {  	_ =	shalt  }
0x65: {  	_ =	shalt  }
0x66: {  	_ =	shalt  }
0x67: {  	_ =	shalt  }
0x68: {  	_ =	shalt  }
0x69: {  	_ =	shalt  }
0x6a: {  	_ =	shalt  }
0x6b: {  	_ =	shalt  }
0x6c: {  	_ =	shalt  }
0x6d: {  	_ =	shalt  }
0x6e: {  	_ =	shalt  }
0x6f: {  	_ =	shalt  }
0x70: {  	_ =	shalt  }
0x71: {  	_ =	shalt  }
0x72: {  	_ =	shalt  }
0x73: {  	_ =	shalt  }
0x74: {  	_ =	shalt  }
0x75: {  	_ =	shalt  }
0x76: {  	_ =	shalt  }
0x77: {  	_ =	shalt  }
0x78: {  	_ =	shalt  }
0x79: {  	_ =	shalt  }
0x7a: {  	_ =	shalt  }
0x7b: {  	_ =	shalt  }
0x7c: {  	_ =	shalt  }
0x7d: {  	_ =	shalt  }
0x7e: {  	_ =	shalt  }
0x7f: {  	_ =	shalt  }
0x80: {  	_ =	shalt  }
0x81: {  	_ =	shalt  }
0x82: {  	_ =	shalt  }
0x83: {  	_ =	shalt  }
0x84: {  	_ =	shalt  }
0x85: {  	_ =	shalt  }
0x86: {  	_ =	shalt  }
0x87: {  	_ =	shalt  }
.Lfunc_end0:
.L_simem_size_0:
called_computation.1_lowered:
.L_overlay_start_0:
0x88: {  	s2 =	sld [smem:$0x3FD9]  }
0x89: {  	s3 =	sld [smem:$0x3FFE];
	_ =	sdelay $0x1  }
0x8a: {  	s1 =	srdreg.scid  }
0x8b: {  	s0 =	sand.u32 $0x1, s1  }
0x8c: {  	s17 =	sshll.u32 s0, $0xA;
	s2 =	sadd.s32 s3, s2  }
0x8d: {  	s2 =	sadd.s32 s2, s17  }
0x8e: {  	[smem:$0x3FC4] =	sst s2  }
0x8f: {  	_ = 	snop  }
0x90: {  	s18 =	sld [smem:$0x3FC9];
	(tm) =	ssettm $0x1  }
0x91: {  	s19 =	sld [smem:$0x3FFB];
	_ =	sdelay $0x3  }
0x92: {  	_ =	strace s19  }
0x93: {  	s2 =	sld [smem:$0x3FFC];
	_ =	sdelay $0x3  }
0x94: {  	_ =	strace s2  }
0x95: {  	s2 =	sld [smem:$0x3FFD];
	_ =	sdelay $0x3  }
0x96: {  	_ =	strace s2  }
0x97: {  	_ =	strace $0x8FFFFFFF  }
0x98: {  	s20 =	sld [smem:$0x3FDB];
	_ =	sdelay $0x1  }
0x99: {  	s4 =	simm.s32 $_scs_section_size  }
0x9a: {  	s5 =	simm.s32 $_size__tile_overlayer_lowered;
	s6 =	simm.s32 $_tile_overlayer_lowered  }
0x9b: {  	s7 =	simm.s32 $0x1BFF;
	s21 =	sshll.u32 s6, $0x1;
	s4 =	sadd.s32 s4, s20  }
0x9c: {  	s22 =	simm.s32 $0x0;
	s5 =	sshll.u32 s5, $0x1;
	s6 =	sadd.s32 s21, s4  }
0x9d: {  	[timem:s22], [sflag:s7] =	dma.local [hbm:s6], s5  }
0x9e: {  	_ =	swait.ge [sflag:s7], s5  }
0x9f: {  	s5 =	ssub.s32 $0x0, s5;
	[sflag:s7] =	ssyncset.done $0x0  }
0xa0: {  	[sflag:s7] =	ssyncadd.s32 s5;
	_ =	sdelay $0x1  }
0xa1: {  	s23 =	simm.s32 $0x1B8B  }
0xa2: {  	_ =	swait.ge [sflag:s23], $0x1  }
0xa3: {  	[sflag:s23] =	ssyncset.done $0x0  }
0xa4: {  	[sflag:s23] =	ssyncadd.s32 $0xFFFFFFFF  }
0xa5: {  	s5 =	sld [smem:$0x0]  }
0xa6: {  	s6 =	sand.u32 $0xFFFFFFFE, s1  }
0xa7: {  	p0 =	sne.s32 s1, s6  }
0xa8: {  	s6 =	sshll.u32 @p0 s6, $0xE  }
0xa9: {  	s6 =	sadd.s32 @p0 $0x11B8D, s6;
	s7 =	sshll.u32 @p0 s5, $0x11  }
0xaa: {  	s6 =	sor.u32 @p0 s7, s6  }
0xab: {  	[sflag:s6] =	ssyncadd.remote.s32 @p0 $0x1;
	_ =	sdelay $0x1  }
0xac: {  	s6 =	simm.s32 @p0 $0x1B8D  }
0xad: {  	_ =	swait.eq @p0 [sflag:s6], $0x1  }
0xae: {  	[sflag:s6] =	ssyncadd.s32 @p0 $0xFFFFFFFF  }
0xaf: {  	s7 =	sshll.u32 @!p0 s1, $0xE  }
0xb0: {  	s7 =	sor.u32 @!p0 $0x4000, s7;
	s6 =	simm.s32 @!p0 $0x1B8D  }
0xb1: {  	s5 =	sshll.u32 @!p0 s5, $0x11;
	s7 =	sadd.s32 @!p0 $0x11B8D, s7;
	_ =	swait.eq @!p0 [sflag:s6], $0x1  }
0xb2: {  	s5 =	sor.u32 @!p0 s5, s7;
	[sflag:s6] =	ssyncadd.s32 @!p0 $0xFFFFFFFF  }
0xb3: {  	s25 =	simm.s32 $0x1B8E;
	s24 =	sld [smem:$0x3FFE];
	[sflag:s5] =	ssyncadd.remote.s32 @!p0 $0x1  }
0xb4: {  	s26 =	simm.s32 $execute0_lowered;
	[smem:$0x3FD2] =	sst s25  }
0xb5: {  	s6 =	sshll.u32 s26, $0x1;
	_ =	strace $0x80000049;
	[dreg:$0x1] =	wrdreg $0xFFFFFFFF  }
0xb6: {  	s28 =	simm.s32 $_size_execute0_lowered;
	s4 =	sadd.s32 s4, s6;
	[dreg:$0x0] =	wrdreg $0x0  }
0xb7: {  	s6 =	sshll.u32 s28, $0x1;
	[dreg:$0x2] =	wrdreg s4  }
0xb8: {  	[dreg:$0x3] =	wrdreg s6  }
0xb9: {  	[dreg:$0x4] =	wrdreg $0xC0  }
0xba: {  	_ =	task [dreg:s22], $0x5FFFF  }
0xbb: {  	[dreg:$0x1] =	wrdreg $0xFFFFFFFF  }
0xbc: {  	[dreg:$0x0] =	wrdreg $0x60  }
0xbd: {  	[dreg:$0x2] =	wrdreg s18  }
0xbe: {  	[dreg:$0x3] =	wrdreg s24  }
0xbf: {  	[dreg:$0x4] =	wrdreg $0x9  }
0xc0: {  	_ =	task.clear_ibuf [dreg:s22], $0x5FFFF;
	_ =	strace $0x90000049  }
0xc1: {  	s29 =	simm.s32 $0x9;
	_ =	strace $0x8000004B  }
0xc2: {  	_ =	swait.ge [sflag:s29], $0x1  }
0xc3: {  	[sflag:s29] =	ssyncadd.s32 $0xFFFFFFFF  }
0xc4: {  	_ =	strace $0x9000004B  }
0xc5: {  	_ =	sfence  }
0xc6: {  	s30 =	sld [smem:$0x0];
	_ =	sdelay $0x2  }
0xc7: {  	s31 =	sshll.u32 s1, $0xD;
	s1 =	sshrl.u32 s1, $0x2  }
0xc8: {  	s4 =	sand.u32 $0x4000, s31;
	s1 =	sadd.s32 s1, s30  }
0xc9: {  	s0 =	sor.u32 s4, s0;
	s1 =	sshll.u32 s1, $0x11  }
0xca: {  	s0 =	sor.u32 s1, s0  }
0xcb: {  	s0 =	sadd.s32 $0x8F2B, s0  }
0xcc: {  	[sflag:s0] =	ssyncadd.remote.s32 $0x1  }
0xcd: {  	_ =	sfence.sel $0xFFFF  }
0xce: {  	[dreg:$0x0] =	wrdreg $0xFFFFFFFF;
	(pc) =	sbr.abs _section_cstart, $3  }
0xcf: {  	[dreg:$0x1] =	wrdreg $0xFFFFFFFF  }
0xd0: {  	_ =	task.clear_ibuf [dreg:s22], $0x2FFFF;
	_ =	strace $0x9FFFFFFF  }
0xd1: {  	(tm) =	ssettm $0x7FFFFFFF  }
tec
execute0_lowered:
.L_overlay_start_1:
0x0: {  	(tag) =	ssettag $0x1  }
0x1: {  	s0 =	srdreg.scid  }
0x2: {  	s10 =	stileid.u32;
	s2 =	rddreg [dreg:$0x0]  }
0x3: {  	s4 =	rddreg [dreg:$0x1];
	s3 =	simm.s32 $0x0;
	s13 =	simm.s32 $0x80  }
0x4: {  	s14 =	simm.s32 $0x1400;
	s15 =	simm.s32 $0x5400;
	s16 =	simm.s32 $0x1  }
0x5: {  	s17 =	simm.s32 $0x9400;
	s18 =	simm.s32 $0x2;
	s19 =	simm.s32 $0xD400  }
0x6: {  	s20 =	simm.s32 $0x3;
	s21 =	simm.s32 $0x5;
	s22 =	simm.s32 $0x4  }
0x7: {  	s23 =	simm.s32 $0x6;
	s24 =	simm.s32 $0x7;
	s6 =	smul.u32 $0x4C, s10  }
0x8: {  	s29 =	simm.s32 $0x0;
	s1 =	sand.u32 $0x1, s0;
	s11 =	smul.u32 $0x26000, s10  }
0x9: {  	s25 =	sshll.u32 s10, $0x1;
	[smem:$0x7FF] =	sst s3;
	s8 =	smul.u32 $0x26, s1  }
0xa: {  	s9 =	sadd.s32 $0x270000, s4;
	s0 =	sor.u32 s1, s25;
	s12 =	smul.u32 $0x13000, s1  }
0xb: {  	_ =	strace $0x8000004A;
	s7 =	ssub.s32 $0x2, s1;
	s5 =	smul.u32 $0x280, s0  }
0xc: {  	s25 =	simm.s32 $0x8;
	s0 =	smul.u32 $0x98000, s0;
	s26 =	sshrl.u32 s7, $0x1  }
0xd: {  	s31 =	sadd.s32 s11, s9;
	s7 =	ssub.s32 s7, s26;
	s6 =	sadd.s32 s8, s6  }
0xe: {  	s11 =	sadd.s32 s12, s31;
	s12 =	simm.s32 $0x9;
	s5 =	sadd.s32 s5, s4  }
.Ltmp0:
0xf: {  	s0 =	sshrl.u32 s0, $0x3;
	s8 =	sshll.u32 s6, $0xB;
	(pc) =	sbr.rel .LBB2_1-.Ltmp0, $4  }
0x10: {  	s7 =	smax.u32 s7, $0x1;
	s0 =	sadd.s32 s9, s0;
	s28 =	sadd.s32 $0x26B000, s5  }
0x11: {  	s8 =	sadd.s32 s8, s9;
	[dreg:$0x3] =	wrdreg s28;
	s30 =	sadd.s32 $0x12000, s0  }
0x12: {  	s0 =	sadd.s32 $0x12800, s0;
	s1 =	sadd.s32 $0x1800, s8;
	[dreg:$0x4] =	wrdreg s30  }
0x13: {  	s10 =	sadd.s32 $0x1000, s8;
	[dreg:$0x5] =	wrdreg s0;
	s0 =	sadd.s32 $0x800, s8  }
.LBB2_4:
0x14: {  	_ =	swait.ge [sflag:s24], $0x4000  }
0x15: {  	[sflag:s24] =	ssyncset.done $0x0  }
0x16: {  	[sflag:s24] =	ssyncadd.s32 $0xFFFFC000  }
0x17: {  	_ =	swait.ge [sflag:s25], $0x4000  }
0x18: {  	[sflag:s25] =	ssyncset.done $0x0  }
0x19: {  	s4 =	simm.s32 $0x1200;
	[sflag:s25] =	ssyncadd.s32 $0xFFFFC000  }
0x1a: {  	[tilespmem:s14], [sflag:$0x1] =	stream.indirect.gather [hbm4b:s2+s13], $0x80, s4, s13, $0xb8;
	[tilespmem:$0x11400] =	vst v63  }
0x1b: {  	_ =	swait.ge [sflag:s16], $0x4000  }
0x1c: {  	[sflag:s16] =	ssyncset.done $0x0  }
0x1d: {  	s28 =	rddreg [dreg:$0x4];
	[sflag:s16] =	ssyncadd.s32 $0xFFFFC000  }
0x1e: {  	[hbm4b:s28+s3] =	stream.linear.scatter [tilespmem:s14], [sflag:$0x9], $0x4000, $0x38;
	[tilespmem:$0x11400] =	vst v63  }
0x1f: {  	_ =	swait.ge [sflag:s12], $0x4000  }
0x20: {  	[sflag:s12] =	ssyncset.done $0x0  }
0x21: {  	s30 =	simm.s32 $0x1280;
	[sflag:s12] =	ssyncadd.s32 $0xFFFFC000  }
0x22: {  	[tilespmem:s14], [sflag:$0x1] =	stream.indirect.gather [hbm4b:s2+s13], $0x80, s30, s13, $0xb8;
	[tilespmem:$0x11400] =	vst v63  }
0x23: {  	s29 =	sadd.s32 $0x1, s29;
	_ =	swait.ge [sflag:s16], $0x4000  }
0x24: {  	p0 =	sne.s32 s29, s7;
	[sflag:s16] =	ssyncset.done $0x0  }
.Ltmp1:
0x25: {  	s31 =	rddreg [dreg:$0x5];
	[sflag:s16] =	ssyncadd.s32 $0xFFFFC000;
	(pc) =	sbr.rel @!p0 .LBB2_5-.Ltmp1, $4  }
0x26: {  	[hbm4b:s31+s3] =	stream.linear.scatter [tilespmem:s14], [sflag:$0x9], $0x4000, $0x38;
	[tilespmem:$0x11400] =	vst v63  }
0x27: {  	_ =	swait.ge [sflag:s12], $0x4000  }
0x28: {  	[sflag:s12] =	ssyncset.done $0x0  }
0x29: {  	[sflag:s12] =	ssyncadd.s32 $0xFFFFC000  }
.LBB2_1:
0x2a: {  	s4 =	rddreg [dreg:$0x3]  }
0x2b: {  	[tilespmem:s3], [sflag:$0x9] =	stream.linear.gather [hbm4b:s4+s3], $0x1300, $0x38;
	[tilespmem:$0x11400] =	vst v63  }
0x2c: {  	_ =	swait.ge [sflag:s12], $0x1300  }
0x2d: {  	[sflag:s12] =	ssyncset.done $0x0  }
0x2e: {  	s30 =	smov.u32 s11;
	s31 =	smov.u32 s10;
	[sflag:s12] =	ssyncadd.s32 $0xFFFFED00  }
0x2f: {  	[tilespmem:s14], [sflag:$0x1] =	stream.indirect.gather [hbm4b:s2+s13], $0x80, s3, s13, $0xb8;
	[tilespmem:$0x11400] =	vst v63  }
0x30: {  	s9 =	smov.u32 s1;
	s8 =	smov.u32 s0;
	s26 =	simm.s32 $0x0  }
0x31: {  	[tilespmem:s15], [sflag:$0x2] =	stream.indirect.gather [hbm4b:s2+s13], $0x80, s13, s13, $0xb8;
	[tilespmem:$0x11400] =	vst v63  }
.LBB2_2:
0x32: {  	_ =	swait.ge [sflag:s16], $0x4000  }
0x33: {  	p0 =	seq.s32 s26, $0x0;
	[sflag:s16] =	ssyncset.done $0x0  }
0x34: {  	s4 =	simm.s32 @!p0 $0x7;
	[sflag:s16] =	ssyncadd.s32 $0xFFFFC000  }
0x35: {  	[hbm4b:s30+s3] =	stream.linear.scatter [tilespmem:s14], [sflag:$0x5], $0x4000, $0x38;
	[tilespmem:$0x11400] =	vst v63  }
0x36: {  	_ =	swait.ge @!p0 [sflag:s4], $0x4000  }
0x37: {  	s28 =	sshra.s32 s26, $0x2;
	[sflag:s4] =	ssyncset.done @!p0 $0x0  }
0x38: {  	s5 =	sadd.s32 $0x100, s28;
	[sflag:s4] =	ssyncadd.s32 @!p0 $0xFFFFC000  }
0x39: {  	[tilespmem:s17], [sflag:$0x3] =	stream.indirect.gather [hbm4b:s2+s13], $0x80, s5, s13, $0xb8;
	[tilespmem:$0x11400] =	vst v63  }
0x3a: {  	_ =	swait.ge [sflag:s18], $0x4000  }
0x3b: {  	[sflag:s18] =	ssyncset.done $0x0  }
0x3c: {  	s4 =	simm.s32 @!p0 $0x8;
	[sflag:s18] =	ssyncadd.s32 $0xFFFFC000  }
0x3d: {  	[hbm4b:s8+s3] =	stream.linear.scatter [tilespmem:s15], [sflag:$0x6], $0x4000, $0x38;
	[tilespmem:$0x11400] =	vst v63  }
0x3e: {  	_ =	swait.ge @!p0 [sflag:s4], $0x4000  }
0x3f: {  	[sflag:s4] =	ssyncset.done @!p0 $0x0  }
0x40: {  	s6 =	sadd.s32 $0x180, s28;
	[sflag:s4] =	ssyncadd.s32 @!p0 $0xFFFFC000  }
0x41: {  	[tilespmem:s19], [sflag:$0x4] =	stream.indirect.gather [hbm4b:s2+s13], $0x80, s6, s13, $0xb8;
	[tilespmem:$0x11400] =	vst v63  }
0x42: {  	_ =	swait.ge [sflag:s20], $0x4000  }
0x43: {  	[sflag:s20] =	ssyncset.done $0x0  }
0x44: {  	[sflag:s20] =	ssyncadd.s32 $0xFFFFC000  }
0x45: {  	[hbm4b:s31+s3] =	stream.linear.scatter [tilespmem:s17], [sflag:$0x7], $0x4000, $0x38;
	[tilespmem:$0x11400] =	vst v63  }
0x46: {  	p0 =	seq.s32 s26, $0x4000;
	_ =	swait.ge [sflag:s21], $0x4000  }
0x47: {  	s4 =	sshra.s32 @!p0 s26, $0x2;
	s5 =	simm.s32 @!p0 $0x80;
	[sflag:s21] =	ssyncset.done $0x0  }
0x48: {  	s6 =	simm.s32 @!p0 $0x1400;
	s4 =	sadd.s32 @!p0 $0x200, s4;
	[sflag:s21] =	ssyncadd.s32 $0xFFFFC000  }
0x49: {  	[tilespmem:s6], [sflag:$0x1] =	stream.indirect.gather @!p0 [hbm4b:s2+s5], $0x80, s4, s5, $0xb8;
	[tilespmem:$0x11400] =	vst v63  }
0x4a: {  	_ =	swait.ge [sflag:s22], $0x4000  }
0x4b: {  	[sflag:s22] =	ssyncset.done $0x0  }
.Ltmp2:
0x4c: {  	[sflag:s22] =	ssyncadd.s32 $0xFFFFC000;
	(pc) =	sbr.rel @p0 .LBB2_4-.Ltmp2, $4  }
0x4d: {  	[hbm4b:s9+s3] =	stream.linear.scatter [tilespmem:s19], [sflag:$0x8], $0x4000, $0x38;
	[tilespmem:$0x11400] =	vst v63  }
0x4e: {  	_ =	swait.ge [sflag:s23], $0x4000  }
0x4f: {  	[sflag:s23] =	ssyncset.done $0x0  }
0x50: {  	[sflag:s23] =	ssyncadd.s32 $0xFFFFC000  }
.Ltmp3:
0x51: {  	(pc) =	sbr.rel .LBB2_2-.Ltmp3, $4  }
0x52: {  	_ = 	snop  }
0x53: {  	s4 =	sadd.s32 $0x280, s28;
	s26 =	sadd.s32 $0x800, s26;
	s8 =	sadd.s32 $0x2000, s8  }
0x54: {  	s9 =	sadd.s32 $0x2000, s9;
	s31 =	sadd.s32 $0x2000, s31;
	s30 =	sadd.s32 $0x2000, s30  }
0x55: {  	[tilespmem:s15], [sflag:$0x2] =	stream.indirect.gather [hbm4b:s2+s13], $0x80, s4, s13, $0xb8;
	[tilespmem:$0x11400] =	vst v63  }
.LBB2_5:
0x56: {  	_ =	sfence.sel $0x180000  }
0x57: {  	[bflag:$0x0] =	sbarrier.arrive $0xFFFF  }
0x58: {  	_ =	strace $0x9000004A  }
0x59: {  	s0 =	stileid.u32;
	[bflag:$0x2] =	sbarrier.arrive $0xFFFF  }
0x5a: {  	p0 =	sne.s32 s0, $0x0;
	s0 =	rddreg [dreg:$0x2]  }
0x5b: {  	s0 =	sadd.s32 @!p0 $0x100000, s0  }
0x5c: {  	[sflag:s0] =	ssyncadd.tile.s32 @!p0 $0x1;
	_ =	shalt  }
.Lfunc_end2:
_tile_overlayer_lowered:
.L_overlay_start_2:
0x5d: {  	(tag) =	ssettag $0x2  }
0x5e: {  	s0 =	rddreg [dreg:$0x0];
	s2 =	stileid.u32  }
0x5f: {  	s1 =	rddreg [dreg:$0x1];
	p0 =	sne.s32 s2, $0x0  }
0x60: {  	s3 =	rddreg [dreg:$0x2];
	[bflag:$0x3] =	sbarrier.arrive $0xFFFF;
	s2 =	simm.s32 @!p0 $0x1C09  }
0x61: {  	[timem:s3], [sflag:s2] =	dma.local @!p0 [hbm:s0], s1  }
0x62: {  	s0 =	simm.s32 @!p0 $0x9  }
0x63: {  	_ =	swait.ge @!p0 [sflag:s0], s1  }
0x64: {  	s1 =	ssub.s32 @!p0 $0x0, s1;
	[sflag:s0] =	ssyncset.done @!p0 $0x0  }
0x65: {  	[sflag:s0] =	ssyncadd.s32 @!p0 s1  }
0x66: {  	[bflag:$0x3] =	sbarrier.arrive $0xFFFF  }
0x67: {  	_ =	shalt  }

// kernel: kernel.16.cloned.1.call-start
scs
__scs_entry_jumppad:
0x0: {  	(pc) =	sbr.rel $0x88, $3  }
0x1: {  	(tag) =	ssettag $0x0;
	lr =	simm.s32 $0x1  }
0x2: {  	[smem:$0x3F9D] =	sst lr;
	_ =	strace $0xD0000000  }
0x3: {  	_ = 	snop  }
0x4: {  	_ = 	snop  }
0x5: {  	_ = 	snop  }
0x6: {  	_ = 	snop  }
0x7: {  	_ = 	snop  }
__scs_overlays_trampoline_lowered:
0x8: {  	[smem:$0x3FAC] =	sst s0  }
0x9: {  	[smem:$0x3FAD] =	sst s1  }
0xa: {  	[smem:$0x3FAE] =	sst s2  }
0xb: {  	[smem:$0x3FAF] =	sst s3  }
0xc: {  	[smem:$0x3FB0] =	sst s4  }
0xd: {  	[smem:$0x3FB1] =	sst s5  }
0xe: {  	[smem:$0x3FB2] =	sst s6  }
0xf: {  	[smem:$0x3FB3] =	sst s7  }
0x10: {  	[smem:$0x3FB4] =	sst s8  }
0x11: {  	[smem:$0x3FB5] =	sst s9;
	s0 =	simm.s32 @!p0 $0x0  }
0x12: {  	s1 =	sld [smem:$0x3F9B];
	s0 =	simm.s32 @p0 $0x1  }
0x13: {  	[smem:$0x3FB6] =	sst s0;
	s0 =	simm.s32 @!p1 $0x0  }
0x14: {  	s2 =	sld [smem:$0x3F9A];
	s0 =	simm.s32 @p1 $0x1  }
0x15: {  	[smem:$0x3FB7] =	sst s0;
	s0 =	simm.s32 @!p2 $0x0  }
0x16: {  	s3 =	sld [smem:$0x3FDB];
	s0 =	simm.s32 @p2 $0x1  }
0x17: {  	s4 =	simm.s32 $0x1BF5;
	[smem:$0x3FB9] =	sst s0  }
0x18: {  	s0 =	sld [smem:$0x3F9C];
	_ =	swait.ge [sflag:s4], $0x0  }
0x19: {  	s7 =	sld [smem:$0x3F9D]  }
0x1a: {  	s8 =	sadd.s32 $0xFFFFE003, lr  }
0x1b: {  	s9 =	sadd.s32 $0xFFFFFEF7, lr;
	s5 =	simm.s32 $0xFFFFFFFF;
	p2 =	slt.u32 s8, $0xFFFFF086  }
0x1c: {  	p1 =	slt.u32 s9, $0xF7A;
	s5 =	simm.s32 @!p2 $0x0  }
0x1d: {  	s5 =	simm.s32 @p1 $0x1;
	p0 =	seq.s32 s7, s2  }
0x1e: {  	s7 =	smul.u32 @!p0 $0xF7A, s2;
	p2 =	seq.s32 @!p0 s5, $0x0  }
0x1f: {  	s9 =	smul.u32 $0xF7A, s1;
	s8 =	simm.s32 @!p0 $0x1BF5;
	p2 =	por !p2, p0  }
0x20: {  	[sflag:s8] =	ssyncset.s32 @!p0 $0xFFFFF086;
	s6 =	sadd.s32 @!p0 s3, s7;
	s7 =	simm.s32 @!p0 $0x108  }
0x21: {  	s3 =	sadd.s32 s3, s9;
	s6 =	sadd.s32 @!p0 $0x88, s6;
	s7 =	simm.s32 @p2 $0x1082  }
0x22: {  	[simem:s7], [sflag:s8] =	dma.local @!p0 [hbm:s6], $0xF7A  }
0x23: {  	s9 =	sor.u32 $0xD0000000, s2;
	s6 =	simm.s32 $0x108;
	_ =	swait.ge @!p0 [sflag:s8], $0x0  }
0x24: {  	s3 =	sadd.s32 $0x88, s3;
	s6 =	simm.s32 @!p1 $0x1082;
	[sflag:s4] =	ssyncset.s32 $0xFFFFF086  }
0x25: {  	[simem:s6], [sflag:s4] =	dma.local [hbm:s3], $0xF7A  }
0x26: {  	[smem:$0x3F9D] =	sst s1;
	(tag) =	ssettag s2;
	_ =	strace s9  }
0x27: {  	s1 =	sld [smem:$0x3FAD]  }
0x28: {  	s2 =	sld [smem:$0x3FAE]  }
0x29: {  	s4 =	sld [smem:$0x3FB0]  }
0x2a: {  	p0 =	seq.s32 s5, $0x0;
	s5 =	sld [smem:$0x3FB1]  }
0x2b: {  	s6 =	sld [smem:$0x3FB2]  }
0x2c: {  	s7 =	sld [smem:$0x3FB3]  }
0x2d: {  	s3 =	simm.s32 $0x108;
	s8 =	sld [smem:$0x3FB4]  }
0x2e: {  	s3 =	simm.s32 @!p0 $0x1082;
	s9 =	sld [smem:$0x3FB5]  }
0x2f: {  	lr =	sadd.s32 s0, s3;
	s0 =	sld [smem:$0x3FAC]  }
0x30: {  	s3 =	sld [smem:$0x3FAF]  }
0x31: {  	[smem:$0x3FB8] =	sst s10  }
0x32: {  	s10 =	sld [smem:$0x3FB6];
	_ =	sdelay $0x3  }
0x33: {  	p0 =	seq.s32 s10, $0x1;
	s10 =	sld [smem:$0x3FB8];
	_ =	sdelay $0x3  }
0x34: {  	[smem:$0x3FB8] =	sst s10  }
0x35: {  	s10 =	sld [smem:$0x3FB7];
	_ =	sdelay $0x3  }
0x36: {  	p1 =	seq.s32 s10, $0x1;
	s10 =	sld [smem:$0x3FB8];
	_ =	sdelay $0x3  }
0x37: {  	[smem:$0x3FB8] =	sst s10  }
0x38: {  	s10 =	sld [smem:$0x3FB9]  }
0x39: {  	_ = 	snop;
	(pc) =	sbr.ind lr, $3  }
0x3a: {  	_ = 	snop  }
0x3b: {  	_ = 	snop  }
0x3c: {  	p2 =	seq.s32 s10, $0x1;
	s10 =	sld [smem:$0x3FB8]  }
0x3d: {  	_ =	shalt  }
0x3e: {  	_ =	shalt  }
0x3f: {  	_ =	shalt  }
0x40: {  	_ =	shalt  }
0x41: {  	_ =	shalt  }
0x42: {  	_ =	shalt  }
0x43: {  	_ =	shalt  }
0x44: {  	_ =	shalt  }
0x45: {  	_ =	shalt  }
0x46: {  	_ =	shalt  }
0x47: {  	_ =	shalt  }
0x48: {  	_ =	shalt  }
0x49: {  	_ =	shalt  }
0x4a: {  	_ =	shalt  }
0x4b: {  	_ =	shalt  }
0x4c: {  	_ =	shalt  }
0x4d: {  	_ =	shalt  }
0x4e: {  	_ =	shalt  }
0x4f: {  	_ =	shalt  }
0x50: {  	_ =	shalt  }
0x51: {  	_ =	shalt  }
0x52: {  	_ =	shalt  }
0x53: {  	_ =	shalt  }
0x54: {  	_ =	shalt  }
0x55: {  	_ =	shalt  }
0x56: {  	_ =	shalt  }
0x57: {  	_ =	shalt  }
0x58: {  	_ =	shalt  }
0x59: {  	_ =	shalt  }
0x5a: {  	_ =	shalt  }
0x5b: {  	_ =	shalt  }
0x5c: {  	_ =	shalt  }
0x5d: {  	_ =	shalt  }
0x5e: {  	_ =	shalt  }
0x5f: {  	_ =	shalt  }
0x60: {  	_ =	shalt  }
0x61: {  	_ =	shalt  }
0x62: {  	_ =	shalt  }
0x63: {  	_ =	shalt  }
0x64: {  	_ =	shalt  }
0x65: {  	_ =	shalt  }
0x66: {  	_ =	shalt  }
0x67: {  	_ =	shalt  }
0x68: {  	_ =	shalt  }
0x69: {  	_ =	shalt  }
0x6a: {  	_ =	shalt  }
0x6b: {  	_ =	shalt  }
0x6c: {  	_ =	shalt  }
0x6d: {  	_ =	shalt  }
0x6e: {  	_ =	shalt  }
0x6f: {  	_ =	shalt  }
0x70: {  	_ =	shalt  }
0x71: {  	_ =	shalt  }
0x72: {  	_ =	shalt  }
0x73: {  	_ =	shalt  }
0x74: {  	_ =	shalt  }
0x75: {  	_ =	shalt  }
0x76: {  	_ =	shalt  }
0x77: {  	_ =	shalt  }
0x78: {  	_ =	shalt  }
0x79: {  	_ =	shalt  }
0x7a: {  	_ =	shalt  }
0x7b: {  	_ =	shalt  }
0x7c: {  	_ =	shalt  }
0x7d: {  	_ =	shalt  }
0x7e: {  	_ =	shalt  }
0x7f: {  	_ =	shalt  }
0x80: {  	_ =	shalt  }
0x81: {  	_ =	shalt  }
0x82: {  	_ =	shalt  }
0x83: {  	_ =	shalt  }
0x84: {  	_ =	shalt  }
0x85: {  	_ =	shalt  }
0x86: {  	_ =	shalt  }
0x87: {  	_ =	shalt  }
.Lfunc_end0:
.L_simem_size_0:
called_computation.2_lowered:
.L_overlay_start_0:
0x88: {  	s2 =	sld [smem:$0x3FD9]  }
0x89: {  	s3 =	sld [smem:$0x3FFE];
	_ =	sdelay $0x1  }
0x8a: {  	s1 =	srdreg.scid  }
0x8b: {  	s0 =	sand.u32 $0x1, s1  }
0x8c: {  	s17 =	sshll.u32 s0, $0xA;
	s2 =	sadd.s32 s3, s2  }
0x8d: {  	s2 =	sadd.s32 s2, s17  }
0x8e: {  	[smem:$0x3FC4] =	sst s2  }
0x8f: {  	_ = 	snop  }
0x90: {  	s18 =	sld [smem:$0x3FD0];
	(tm) =	ssettm $0x1  }
0x91: {  	s19 =	sld [smem:$0x3FFB];
	_ =	sdelay $0x3  }
0x92: {  	_ =	strace s19  }
0x93: {  	s2 =	sld [smem:$0x3FFC];
	_ =	sdelay $0x3  }
0x94: {  	_ =	strace s2  }
0x95: {  	s2 =	sld [smem:$0x3FFD];
	_ =	sdelay $0x3  }
0x96: {  	_ =	strace s2  }
0x97: {  	_ =	strace $0x8FFFFFFF  }
0x98: {  	s20 =	sld [smem:$0x3FDB];
	_ =	sdelay $0x1  }
0x99: {  	s4 =	simm.s32 $_scs_section_size  }
0x9a: {  	s5 =	simm.s32 $_size__tile_overlayer_lowered;
	s6 =	simm.s32 $_tile_overlayer_lowered  }
0x9b: {  	s7 =	simm.s32 $0x1BFF;
	s21 =	sshll.u32 s6, $0x1;
	s4 =	sadd.s32 s4, s20  }
0x9c: {  	s22 =	simm.s32 $0x0;
	s5 =	sshll.u32 s5, $0x1;
	s6 =	sadd.s32 s21, s4  }
0x9d: {  	[timem:s22], [sflag:s7] =	dma.local [hbm:s6], s5  }
0x9e: {  	_ =	swait.ge [sflag:s7], s5  }
0x9f: {  	s5 =	ssub.s32 $0x0, s5;
	[sflag:s7] =	ssyncset.done $0x0  }
0xa0: {  	[sflag:s7] =	ssyncadd.s32 s5;
	_ =	sdelay $0x1  }
0xa1: {  	s23 =	simm.s32 $0x1B8B  }
0xa2: {  	_ =	swait.ge [sflag:s23], $0x1  }
0xa3: {  	[sflag:s23] =	ssyncset.done $0x0  }
0xa4: {  	[sflag:s23] =	ssyncadd.s32 $0xFFFFFFFF  }
0xa5: {  	s5 =	sld [smem:$0x0]  }
0xa6: {  	s6 =	sand.u32 $0xFFFFFFFE, s1  }
0xa7: {  	p0 =	sne.s32 s1, s6  }
0xa8: {  	s6 =	sshll.u32 @p0 s6, $0xE  }
0xa9: {  	s6 =	sadd.s32 @p0 $0x11B8D, s6;
	s7 =	sshll.u32 @p0 s5, $0x11  }
0xaa: {  	s6 =	sor.u32 @p0 s7, s6  }
0xab: {  	[sflag:s6] =	ssyncadd.remote.s32 @p0 $0x1;
	_ =	sdelay $0x1  }
0xac: {  	s6 =	simm.s32 @p0 $0x1B8D  }
0xad: {  	_ =	swait.eq @p0 [sflag:s6], $0x1  }
0xae: {  	[sflag:s6] =	ssyncadd.s32 @p0 $0xFFFFFFFF  }
0xaf: {  	s7 =	sshll.u32 @!p0 s1, $0xE  }
0xb0: {  	s7 =	sor.u32 @!p0 $0x4000, s7;
	s6 =	simm.s32 @!p0 $0x1B8D  }
0xb1: {  	s5 =	sshll.u32 @!p0 s5, $0x11;
	s7 =	sadd.s32 @!p0 $0x11B8D, s7;
	_ =	swait.eq @!p0 [sflag:s6], $0x1  }
0xb2: {  	s5 =	sor.u32 @!p0 s5, s7;
	[sflag:s6] =	ssyncadd.s32 @!p0 $0xFFFFFFFF  }
0xb3: {  	s25 =	simm.s32 $0x1B8E;
	s24 =	sld [smem:$0x3FFE];
	[sflag:s5] =	ssyncadd.remote.s32 @!p0 $0x1  }
0xb4: {  	s26 =	simm.s32 $execute0_lowered;
	[smem:$0x3FD2] =	sst s25  }
0xb5: {  	s6 =	sshll.u32 s26, $0x1;
	_ =	strace $0x8000004C;
	[dreg:$0x1] =	wrdreg $0xFFFFFFFF  }
0xb6: {  	s28 =	simm.s32 $_size_execute0_lowered;
	s4 =	sadd.s32 s4, s6;
	[dreg:$0x0] =	wrdreg $0x0  }
0xb7: {  	s6 =	sshll.u32 s28, $0x1;
	[dreg:$0x2] =	wrdreg s4  }
0xb8: {  	[dreg:$0x3] =	wrdreg s6  }
0xb9: {  	[dreg:$0x4] =	wrdreg $0xC0  }
0xba: {  	_ =	task [dreg:s22], $0x5FFFF  }
0xbb: {  	[dreg:$0x1] =	wrdreg $0xFFFFFFFF  }
0xbc: {  	[dreg:$0x0] =	wrdreg $0x60  }
0xbd: {  	[dreg:$0x2] =	wrdreg s24  }
0xbe: {  	[dreg:$0x3] =	wrdreg s18  }
0xbf: {  	[dreg:$0x4] =	wrdreg $0xB4000  }
0xc0: {  	[dreg:$0x5] =	wrdreg $0xA  }
0xc1: {  	_ =	task.clear_ibuf [dreg:s22], $0x6FFFF;
	_ =	strace $0x9000004C  }
0xc2: {  	s29 =	simm.s32 $0xA;
	_ =	strace $0x8000004E  }
0xc3: {  	_ =	swait.ge [sflag:s29], $0x1  }
0xc4: {  	[sflag:s29] =	ssyncadd.s32 $0xFFFFFFFF  }
0xc5: {  	_ =	strace $0x9000004E  }
0xc6: {  	_ =	sfence  }
0xc7: {  	s30 =	sld [smem:$0x0];
	_ =	sdelay $0x2  }
0xc8: {  	s31 =	sshll.u32 s1, $0xD;
	s1 =	sshrl.u32 s1, $0x2  }
0xc9: {  	s4 =	sand.u32 $0x4000, s31;
	s1 =	sadd.s32 s1, s30  }
0xca: {  	s0 =	sor.u32 s4, s0;
	s1 =	sshll.u32 s1, $0x11  }
0xcb: {  	s0 =	sor.u32 s1, s0  }
0xcc: {  	s0 =	sadd.s32 $0x8F2B, s0  }
0xcd: {  	[sflag:s0] =	ssyncadd.remote.s32 $0x1  }
0xce: {  	_ =	sfence.sel $0xFFFF  }
0xcf: {  	[dreg:$0x0] =	wrdreg $0xFFFFFFFF;
	(pc) =	sbr.abs _section_cstart, $3  }
0xd0: {  	[dreg:$0x1] =	wrdreg $0xFFFFFFFF  }
0xd1: {  	_ =	task.clear_ibuf [dreg:s22], $0x2FFFF;
	_ =	strace $0x9FFFFFFF  }
0xd2: {  	(tm) =	ssettm $0x7FFFFFFF  }
0xd3: {  	_ =	shalt  }
tec
execute0_lowered:
.L_overlay_start_1:
0x0: {  	(tag) =	ssettag $0x1  }
0x1: {  	s4 =	rddreg [dreg:$0x0]  }
0x2: {  	s5 =	rddreg [dreg:$0x1];
	s0 =	stileid.u32  }
0x3: {  	s1 =	srdreg.scid;
	s2 =	rddreg [dreg:$0x2]  }
0x4: {  	s3 =	simm.s32 $0x0;
	s18 =	simm.s32 $0x9400;
	s19 =	simm.s32 $0x1  }
0x5: {  	s20 =	simm.s32 $0x1400;
	s21 =	simm.s32 $0x80;
	s6 =	smul.u32 $0x26000, s0  }
0x6: {  	s22 =	simm.s32 $0x5400;
	s23 =	simm.s32 $0x0;
	s8 =	smul.u32 $0x14000, s0  }
0x7: {  	s10 =	sand.u32 $0x1, s1;
	s1 =	rddreg [dreg:$0x3];
	s31 =	smul.u32 $0x50000, s0  }
0x8: {  	[smem:$0x7FF] =	sst s3;
	s30 =	sshll.u32 s0, $0x1;
	s7 =	smul.u32 $0x140000, s10  }
0x9: {  	_ =	strace $0x8000004D;
	s9 =	ssub.s32 $0x2, s10;
	s16 =	smul.u32 $0x13000, s10  }
0xa: {  	s15 =	sadd.s32 s6, s4;
	s11 =	sshrl.u32 s9, $0x1;
	s29 =	sadd.s32 s8, s7  }
0xb: {  	s7 =	sor.u32 s10, s30;
	s8 =	sshrl.u32 s31, $0x2;
	s9 =	ssub.s32 s9, s11  }
0xc: {  	s17 =	sadd.s32 s16, s15;
	s6 =	sshrl.u32 s29, $0x3;
	s7 =	smul.u32 $0x280, s7  }
0xd: {  	s17 =	sadd.s32 $0x4D0000, s17;
	s6 =	sadd.s32 s6, s4;
	s4 =	sadd.s32 s8, s2  }
0xe: {  	s5 =	sadd.s32 s5, s7;
	s6 =	sadd.s32 $0x1400, s6;
	s7 =	smax.u32 s9, $0x1  }
0xf: {  	s8 =	sadd.s32 $0x2000, s4;
	s9 =	sadd.s32 $0x4000, s4;
	s10 =	sadd.s32 $0x6000, s4  }
0x10: {  	s11 =	sadd.s32 $0x8000, s4;
	s12 =	sadd.s32 $0xA000, s4;
	s13 =	sadd.s32 $0xC000, s4  }
0x11: {  	v0 =	vimm.f32 $0.0e+00;
	s14 =	sadd.s32 $0xE000, s4;
	s15 =	sadd.s32 $0x10000, s4;
	s16 =	sadd.s32 $0x12000, s4  }
.LBB2_1:
0x12: {  	s24 =	simm.s32 $0x0;
	s25 =	simm.s32 $0x200  }
.LBB2_2:
0x13: {  	p0 =	sne.s32 s25, $0x7E00;
	[tilespmem:s24+$0x9470] =	vst v0  }
0x14: {  	[tilespmem:s24+$0x9400] =	vst v0  }
0x15: {  	[tilespmem:s24+$0x9410] =	vst v0  }
.Ltmp0:
0x16: {  	[tilespmem:s24+$0x9420] =	vst v0;
	(pc) =	sbr.rel @p0 .LBB2_2-.Ltmp0, $4  }
0x17: {  	[tilespmem:s24+$0x9430] =	vst v0  }
0x18: {  	[tilespmem:s24+$0x9440] =	vst v0  }
0x19: {  	[tilespmem:s24+$0x9450] =	vst v0  }
0x1a: {  	[tilespmem:s24+$0x9460] =	vst v0;
	s24 =	sshra.s32 s25, $0x2;
	s25 =	sadd.s32 $0x200, s25  }
0x1b: {  	[tilespmem:s24+$0x9470] =	vst v0  }
0x1c: {  	[tilespmem:s24+$0x9400] =	vst v0  }
0x1d: {  	[tilespmem:s24+$0x9410] =	vst v0  }
0x1e: {  	[tilespmem:s24+$0x9420] =	vst v0  }
0x1f: {  	[tilespmem:s24+$0x9430] =	vst v0  }
0x20: {  	[tilespmem:s24+$0x9440] =	vst v0  }
0x21: {  	[tilespmem:s24+$0x9450] =	vst v0  }
0x22: {  	[tilespmem:s24+$0x9460] =	vst v0  }
0x23: {  	[spmem:s4] =	stream.linear.scatter [tilespmem:s18], [sflag:$0x1], $0x2000, $0x38;
	[tilespmem:$0x1F400] =	vst v63  }
0x24: {  	_ =	swait.ge [sflag:s19], $0x2000  }
0x25: {  	[sflag:s19] =	ssyncset.done $0x0  }
0x26: {  	[sflag:s19] =	ssyncadd.s32 $0xFFFFE000  }
0x27: {  	[spmem:s8] =	stream.linear.scatter [tilespmem:s18], [sflag:$0x1], $0x2000, $0x38;
	[tilespmem:$0x1F400] =	vst v63  }
0x28: {  	_ =	swait.ge [sflag:s19], $0x2000  }
0x29: {  	[sflag:s19] =	ssyncset.done $0x0  }
0x2a: {  	[sflag:s19] =	ssyncadd.s32 $0xFFFFE000  }
0x2b: {  	[spmem:s9] =	stream.linear.scatter [tilespmem:s18], [sflag:$0x1], $0x2000, $0x38;
	[tilespmem:$0x1F400] =	vst v63  }
0x2c: {  	_ =	swait.ge [sflag:s19], $0x2000  }
0x2d: {  	[sflag:s19] =	ssyncset.done $0x0  }
0x2e: {  	[sflag:s19] =	ssyncadd.s32 $0xFFFFE000  }
0x2f: {  	[spmem:s10] =	stream.linear.scatter [tilespmem:s18], [sflag:$0x1], $0x2000, $0x38;
	[tilespmem:$0x1F400] =	vst v63  }
0x30: {  	_ =	swait.ge [sflag:s19], $0x2000  }
0x31: {  	[sflag:s19] =	ssyncset.done $0x0  }
0x32: {  	[sflag:s19] =	ssyncadd.s32 $0xFFFFE000  }
0x33: {  	[spmem:s11] =	stream.linear.scatter [tilespmem:s18], [sflag:$0x1], $0x2000, $0x38;
	[tilespmem:$0x1F400] =	vst v63  }
0x34: {  	_ =	swait.ge [sflag:s19], $0x2000  }
0x35: {  	[sflag:s19] =	ssyncset.done $0x0  }
0x36: {  	[sflag:s19] =	ssyncadd.s32 $0xFFFFE000  }
0x37: {  	[spmem:s12] =	stream.linear.scatter [tilespmem:s18], [sflag:$0x1], $0x2000, $0x38;
	[tilespmem:$0x1F400] =	vst v63  }
0x38: {  	_ =	swait.ge [sflag:s19], $0x2000  }
0x39: {  	[sflag:s19] =	ssyncset.done $0x0  }
0x3a: {  	[sflag:s19] =	ssyncadd.s32 $0xFFFFE000  }
0x3b: {  	[spmem:s13] =	stream.linear.scatter [tilespmem:s18], [sflag:$0x1], $0x2000, $0x38;
	[tilespmem:$0x1F400] =	vst v63  }
0x3c: {  	_ =	swait.ge [sflag:s19], $0x2000  }
0x3d: {  	[sflag:s19] =	ssyncset.done $0x0  }
0x3e: {  	[sflag:s19] =	ssyncadd.s32 $0xFFFFE000  }
0x3f: {  	[spmem:s14] =	stream.linear.scatter [tilespmem:s18], [sflag:$0x1], $0x2000, $0x38;
	[tilespmem:$0x1F400] =	vst v63  }
0x40: {  	_ =	swait.ge [sflag:s19], $0x2000  }
0x41: {  	[sflag:s19] =	ssyncset.done $0x0  }
0x42: {  	[sflag:s19] =	ssyncadd.s32 $0xFFFFE000  }
0x43: {  	[spmem:s15] =	stream.linear.scatter [tilespmem:s18], [sflag:$0x1], $0x2000, $0x38;
	[tilespmem:$0x1F400] =	vst v63  }
0x44: {  	_ =	swait.ge [sflag:s19], $0x2000  }
0x45: {  	[sflag:s19] =	ssyncset.done $0x0  }
0x46: {  	[sflag:s19] =	ssyncadd.s32 $0xFFFFE000  }
0x47: {  	[spmem:s16] =	stream.linear.scatter [tilespmem:s18], [sflag:$0x1], $0x2000, $0x38;
	[tilespmem:$0x1F400] =	vst v63  }
0x48: {  	_ =	swait.ge [sflag:s19], $0x2000  }
0x49: {  	[sflag:s19] =	ssyncset.done $0x0  }
0x4a: {  	s28 =	simm.s32 $0x0;
	[sflag:s19] =	ssyncadd.s32 $0xFFFFE000  }
0x4b: {  	[tilespmem:s28], [sflag:$0x1] =	stream.linear.gather [hbm4b:s5+s28], $0x1300, $0x38;
	[tilespmem:$0x1F400] =	vst v63  }
0x4c: {  	_ =	swait.ge [sflag:s19], $0x1300  }
0x4d: {  	[sflag:s19] =	ssyncset.done $0x0  }
0x4e: {  	[sflag:s19] =	ssyncadd.s32 $0xFFFFED00  }
0x4f: {  	s29 =	sadd.s32 $0x0, s17;
	[bflag:$0x0] =	sbarrier.arrive $0xFFFF  }
0x50: {  	[tilespmem:s20], [sflag:$0x1] =	stream.linear.gather [hbm4b:s29+s3], $0x8000, $0x38;
	[tilespmem:$0x1F400] =	vst v63  }
0x51: {  	_ =	swait.ge [sflag:s19], $0x8000  }
0x52: {  	[sflag:s19] =	ssyncset.done $0x0  }
0x53: {  	s30 =	simm.s32 $0x0;
	[sflag:s19] =	ssyncadd.s32 $0xFFFF8000  }
0x54: {  	[spmem:s2] =	stream.indirect.scatter.add.f32 [tilespmem:s20], [sflag:$0x1], $0x80, s30, s21, $0xb8;
	[tilespmem:$0x1F400] =	vst v63  }
0x55: {  	_ =	swait.ge [sflag:s19], $0x4000  }
0x56: {  	[sflag:s19] =	ssyncset.done $0x0  }
0x57: {  	s31 =	simm.s32 $0x80;
	[sflag:s19] =	ssyncadd.s32 $0xFFFFC000  }
0x58: {  	[spmem:s2] =	stream.indirect.scatter.add.f32 [tilespmem:s22], [sflag:$0x1], $0x80, s31, s21, $0xb8;
	[tilespmem:$0x1F400] =	vst v63  }
0x59: {  	s25 =	simm.s32 $0x1000;
	_ =	swait.ge [sflag:s19], $0x4000  }
0x5a: {  	s26 =	simm.s32 $0x2000;
	s24 =	simm.s32 $0x180;
	[sflag:s19] =	ssyncset.done $0x0  }
.LBB2_4:
0x5b: {  	s28 =	sadd.s32 s25, s17  }
0x5c: {  	[sflag:s19] =	ssyncadd.s32 $0xFFFFC000;
	s25 =	smov.u32 s26;
	s29 =	sadd.s32 $0x1000, s26  }
0x5d: {  	[tilespmem:s20], [sflag:$0x1] =	stream.linear.gather [hbm4b:s28+s3], $0x8000, $0x38;
	[tilespmem:$0x1F400] =	vst v63  }
0x5e: {  	p0 =	sne.s32 s26, $0x12000;
	_ =	swait.ge [sflag:s19], $0x8000  }
0x5f: {  	[sflag:s19] =	ssyncset.done $0x0  }
0x60: {  	s26 =	sadd.s32 $0xFFFFFF80, s24;
	[sflag:s19] =	ssyncadd.s32 $0xFFFF8000  }
0x61: {  	[spmem:s2] =	stream.indirect.scatter.add.f32 [tilespmem:s20], [sflag:$0x1], $0x80, s26, s21, $0xb8;
	[tilespmem:$0x1F400] =	vst v63  }
0x62: {  	_ =	swait.ge [sflag:s19], $0x4000  }
.Ltmp1:
0x63: {  	[sflag:s19] =	ssyncset.done $0x0;
	(pc) =	sbr.rel @p0 .LBB2_4-.Ltmp1, $4  }
0x64: {  	[sflag:s19] =	ssyncadd.s32 $0xFFFFC000  }
0x65: {  	[spmem:s2] =	stream.indirect.scatter.add.f32 [tilespmem:s22], [sflag:$0x1], $0x80, s24, s21, $0xb8;
	[tilespmem:$0x1F400] =	vst v63  }
0x66: {  	_ =	swait.ge [sflag:s19], $0x4000  }
0x67: {  	s26 =	smov.u32 s29;
	s24 =	sadd.s32 $0x100, s24;
	[sflag:s19] =	ssyncset.done $0x0  }
0x68: {  	s25 =	sadd.s32 s25, s17;
	[sflag:s19] =	ssyncadd.s32 $0xFFFFC000  }
0x69: {  	[tilespmem:s20], [sflag:$0x1] =	stream.linear.gather [hbm4b:s25+s3], $0x8000, $0x38;
	[tilespmem:$0x1F400] =	vst v63  }
0x6a: {  	_ =	swait.ge [sflag:s19], $0x8000  }
0x6b: {  	[sflag:s19] =	ssyncset.done $0x0  }
0x6c: {  	s29 =	sadd.s32 $0xFFFFFF80, s24;
	[sflag:s19] =	ssyncadd.s32 $0xFFFF8000  }
0x6d: {  	[spmem:s2] =	stream.indirect.scatter.add.f32 [tilespmem:s20], [sflag:$0x1], $0x80, s29, s21, $0xb8;
	[tilespmem:$0x1F400] =	vst v63  }
0x6e: {  	_ =	swait.ge [sflag:s19], $0x4000  }
0x6f: {  	[sflag:s19] =	ssyncset.done $0x0  }
0x70: {  	[sflag:s19] =	ssyncadd.s32 $0xFFFFC000  }
0x71: {  	[spmem:s2] =	stream.indirect.scatter.add.f32 [tilespmem:s22], [sflag:$0x1], $0x80, s24, s21, $0xb8;
	[tilespmem:$0x1F400] =	vst v63  }
0x72: {  	_ =	swait.ge [sflag:s19], $0x4000  }
0x73: {  	s30 =	sshll.u32 s0, $0x6;
	s23 =	sadd.s32 $0x1, s23;
	[sflag:s19] =	ssyncset.done $0x0  }
0x74: {  	s31 =	sshrl.u32 s4, $0x3;
	p0 =	sne.s32 s23, s7;
	[sflag:s19] =	ssyncadd.s32 $0xFFFFC000  }
.Ltmp2:
0x75: {  	s24 =	sor.u32 $0x1C01, s30;
	[bflag:$0x0] =	sbarrier.arrive $0xFFFF;
	(pc) =	sbr.rel @p0 .LBB2_1-.Ltmp2, $4  }
0x76: {  	[hbm:s6], [sflag:s24] =	dma.local [spmem:s31], $0x2800  }
0x77: {  	_ =	swait.ge [sflag:s19], $0x2800  }
0x78: {  	[sflag:s19] =	ssyncset.done $0x0  }
0x79: {  	[sflag:s19] =	ssyncadd.s32 $0xFFFFD800  }
0x7a: {  	_ =	sfence.sel $0x180000  }
0x7b: {  	[bflag:$0x0] =	sbarrier.arrive $0xFFFF  }
0x7c: {  	p0 =	sne.s32 s0, $0x0;
	_ =	strace $0x9000004D  }
0x7d: {  	s0 =	sadd.s32 @!p0 $0x100000, s1;
	[bflag:$0x2] =	sbarrier.arrive $0xFFFF  }
0x7e: {  	[sflag:s0] =	ssyncadd.tile.s32 @!p0 $0x1;
	_ =	shalt  }
.Lfunc_end2:
_tile_overlayer_lowered:
.L_overlay_start_2:
0x7f: {  	(tag) =	ssettag $0x2  }
0x80: {  	s0 =	rddreg [dreg:$0x0];
	s2 =	stileid.u32  }
0x81: {  	s1 =	rddreg [dreg:$0x1];
	p0 =	sne.s32 s2, $0x0  }
0x82: {  	s3 =	rddreg [dreg:$0x2];
	[bflag:$0x3] =	sbarrier.arrive $0xFFFF;
	s2 =	simm.s32 @!p0 $0x1C01  }
0x83: {  	[timem:s3], [sflag:s2] =	dma.local @!p0 [hbm:s0], s1  }
0x84: {  	s0 =	simm.s32 @!p0 $0x1  }
0x85: {  	_ =	swait.ge @!p0 [sflag:s0], s1  }
0x86: {  	s1 =	ssub.s32 @!p0 $0x0, s1;
	[sflag:s0] =	ssyncset.done @!p0 $0x0  }
0x87: {  	[sflag:s0] =	ssyncadd.s32 @!p0 s1  }
0x88: {  	[bflag:$0x3] =	sbarrier.arrive $0xFFFF  }
0x89: {  	_ =	shalt  }

// kernel: kernel.19.cloned.1.call-start
scs
__scs_entry_jumppad:
0x0: {  	(pc) =	sbr.rel $0x88, $3  }
0x1: {  	(tag) =	ssettag $0x0;
	lr =	simm.s32 $0x1  }
0x2: {  	[smem:$0x3F9D] =	sst lr;
	_ =	strace $0xD0000000  }
0x3: {  	_ = 	snop  }
0x4: {  	_ = 	snop  }
0x5: {  	_ = 	snop  }
0x6: {  	_ = 	snop  }
0x7: {  	_ = 	snop  }
__scs_overlays_trampoline_lowered:
0x8: {  	[smem:$0x3FAC] =	sst s0  }
0x9: {  	[smem:$0x3FAD] =	sst s1  }
0xa: {  	[smem:$0x3FAE] =	sst s2  }
0xb: {  	[smem:$0x3FAF] =	sst s3  }
0xc: {  	[smem:$0x3FB0] =	sst s4  }
0xd: {  	[smem:$0x3FB1] =	sst s5  }
0xe: {  	[smem:$0x3FB2] =	sst s6  }
0xf: {  	[smem:$0x3FB3] =	sst s7  }
0x10: {  	[smem:$0x3FB4] =	sst s8  }
0x11: {  	[smem:$0x3FB5] =	sst s9;
	s0 =	simm.s32 @!p0 $0x0  }
0x12: {  	s1 =	sld [smem:$0x3F9B];
	s0 =	simm.s32 @p0 $0x1  }
0x13: {  	[smem:$0x3FB6] =	sst s0;
	s0 =	simm.s32 @!p1 $0x0  }
0x14: {  	s2 =	sld [smem:$0x3F9A];
	s0 =	simm.s32 @p1 $0x1  }
0x15: {  	[smem:$0x3FB7] =	sst s0;
	s0 =	simm.s32 @!p2 $0x0  }
0x16: {  	s3 =	sld [smem:$0x3FDB];
	s0 =	simm.s32 @p2 $0x1  }
0x17: {  	s4 =	simm.s32 $0x1BF5;
	[smem:$0x3FB9] =	sst s0  }
0x18: {  	s0 =	sld [smem:$0x3F9C];
	_ =	swait.ge [sflag:s4], $0x0  }
0x19: {  	s7 =	sld [smem:$0x3F9D]  }
0x1a: {  	s8 =	sadd.s32 $0xFFFFE003, lr  }
0x1b: {  	s9 =	sadd.s32 $0xFFFFFEF7, lr;
	s5 =	simm.s32 $0xFFFFFFFF;
	p2 =	slt.u32 s8, $0xFFFFF086  }
0x1c: {  	p1 =	slt.u32 s9, $0xF7A;
	s5 =	simm.s32 @!p2 $0x0  }
0x1d: {  	s5 =	simm.s32 @p1 $0x1;
	p0 =	seq.s32 s7, s2  }
0x1e: {  	s7 =	smul.u32 @!p0 $0xF7A, s2;
	p2 =	seq.s32 @!p0 s5, $0x0  }
0x1f: {  	s9 =	smul.u32 $0xF7A, s1;
	s8 =	simm.s32 @!p0 $0x1BF5;
	p2 =	por !p2, p0  }
0x20: {  	[sflag:s8] =	ssyncset.s32 @!p0 $0xFFFFF086;
	s6 =	sadd.s32 @!p0 s3, s7;
	s7 =	simm.s32 @!p0 $0x108  }
0x21: {  	s3 =	sadd.s32 s3, s9;
	s6 =	sadd.s32 @!p0 $0x88, s6;
	s7 =	simm.s32 @p2 $0x1082  }
0x22: {  	[simem:s7], [sflag:s8] =	dma.local @!p0 [hbm:s6], $0xF7A  }
0x23: {  	s9 =	sor.u32 $0xD0000000, s2;
	s6 =	simm.s32 $0x108;
	_ =	swait.ge @!p0 [sflag:s8], $0x0  }
0x24: {  	s3 =	sadd.s32 $0x88, s3;
	s6 =	simm.s32 @!p1 $0x1082;
	[sflag:s4] =	ssyncset.s32 $0xFFFFF086  }
0x25: {  	[simem:s6], [sflag:s4] =	dma.local [hbm:s3], $0xF7A  }
0x26: {  	[smem:$0x3F9D] =	sst s1;
	(tag) =	ssettag s2;
	_ =	strace s9  }
0x27: {  	s1 =	sld [smem:$0x3FAD]  }
0x28: {  	s2 =	sld [smem:$0x3FAE]  }
0x29: {  	s4 =	sld [smem:$0x3FB0]  }
0x2a: {  	p0 =	seq.s32 s5, $0x0;
	s5 =	sld [smem:$0x3FB1]  }
0x2b: {  	s6 =	sld [smem:$0x3FB2]  }
0x2c: {  	s7 =	sld [smem:$0x3FB3]  }
0x2d: {  	s3 =	simm.s32 $0x108;
	s8 =	sld [smem:$0x3FB4]  }
0x2e: {  	s3 =	simm.s32 @!p0 $0x1082;
	s9 =	sld [smem:$0x3FB5]  }
0x2f: {  	lr =	sadd.s32 s0, s3;
	s0 =	sld [smem:$0x3FAC]  }
0x30: {  	s3 =	sld [smem:$0x3FAF]  }
0x31: {  	[smem:$0x3FB8] =	sst s10  }
0x32: {  	s10 =	sld [smem:$0x3FB6];
	_ =	sdelay $0x3  }
0x33: {  	p0 =	seq.s32 s10, $0x1;
	s10 =	sld [smem:$0x3FB8];
	_ =	sdelay $0x3  }
0x34: {  	[smem:$0x3FB8] =	sst s10  }
0x35: {  	s10 =	sld [smem:$0x3FB7];
	_ =	sdelay $0x3  }
0x36: {  	p1 =	seq.s32 s10, $0x1;
	s10 =	sld [smem:$0x3FB8];
	_ =	sdelay $0x3  }
0x37: {  	[smem:$0x3FB8] =	sst s10  }
0x38: {  	s10 =	sld [smem:$0x3FB9]  }
0x39: {  	_ = 	snop;
	(pc) =	sbr.ind lr, $3  }
0x3a: {  	_ = 	snop  }
0x3b: {  	_ = 	snop  }
0x3c: {  	p2 =	seq.s32 s10, $0x1;
	s10 =	sld [smem:$0x3FB8]  }
0x3d: {  	_ =	shalt  }
0x3e: {  	_ =	shalt  }
0x3f: {  	_ =	shalt  }
0x40: {  	_ =	shalt  }
0x41: {  	_ =	shalt  }
0x42: {  	_ =	shalt  }
0x43: {  	_ =	shalt  }
0x44: {  	_ =	shalt  }
0x45: {  	_ =	shalt  }
0x46: {  	_ =	shalt  }
0x47: {  	_ =	shalt  }
0x48: {  	_ =	shalt  }
0x49: {  	_ =	shalt  }
0x4a: {  	_ =	shalt  }
0x4b: {  	_ =	shalt  }
0x4c: {  	_ =	shalt  }
0x4d: {  	_ =	shalt  }
0x4e: {  	_ =	shalt  }
0x4f: {  	_ =	shalt  }
0x50: {  	_ =	shalt  }
0x51: {  	_ =	shalt  }
0x52: {  	_ =	shalt  }
0x53: {  	_ =	shalt  }
0x54: {  	_ =	shalt  }
0x55: {  	_ =	shalt  }
0x56: {  	_ =	shalt  }
0x57: {  	_ =	shalt  }
0x58: {  	_ =	shalt  }
0x59: {  	_ =	shalt  }
0x5a: {  	_ =	shalt  }
0x5b: {  	_ =	shalt  }
0x5c: {  	_ =	shalt  }
0x5d: {  	_ =	shalt  }
0x5e: {  	_ =	shalt  }
0x5f: {  	_ =	shalt  }
0x60: {  	_ =	shalt  }
0x61: {  	_ =	shalt  }
0x62: {  	_ =	shalt  }
0x63: {  	_ =	shalt  }
0x64: {  	_ =	shalt  }
0x65: {  	_ =	shalt  }
0x66: {  	_ =	shalt  }
0x67: {  	_ =	shalt  }
0x68: {  	_ =	shalt  }
0x69: {  	_ =	shalt  }
0x6a: {  	_ =	shalt  }
0x6b: {  	_ =	shalt  }
0x6c: {  	_ =	shalt  }
0x6d: {  	_ =	shalt  }
0x6e: {  	_ =	shalt  }
0x6f: {  	_ =	shalt  }
0x70: {  	_ =	shalt  }
0x71: {  	_ =	shalt  }
0x72: {  	_ =	shalt  }
0x73: {  	_ =	shalt  }
0x74: {  	_ =	shalt  }
0x75: {  	_ =	shalt  }
0x76: {  	_ =	shalt  }
0x77: {  	_ =	shalt  }
0x78: {  	_ =	shalt  }
0x79: {  	_ =	shalt  }
0x7a: {  	_ =	shalt  }
0x7b: {  	_ =	shalt  }
0x7c: {  	_ =	shalt  }
0x7d: {  	_ =	shalt  }
0x7e: {  	_ =	shalt  }
0x7f: {  	_ =	shalt  }
0x80: {  	_ =	shalt  }
0x81: {  	_ =	shalt  }
0x82: {  	_ =	shalt  }
0x83: {  	_ =	shalt  }
0x84: {  	_ =	shalt  }
0x85: {  	_ =	shalt  }
0x86: {  	_ =	shalt  }
0x87: {  	_ =	shalt  }
.Lfunc_end0:
.L_simem_size_0:
called_computation.3_lowered:
.L_overlay_start_0:
0x88: {  	s2 =	sld [smem:$0x3FD9]  }
0x89: {  	s3 =	sld [smem:$0x3FFE];
	_ =	sdelay $0x1  }
0x8a: {  	s1 =	srdreg.scid  }
0x8b: {  	s0 =	sand.u32 $0x1, s1  }
0x8c: {  	s17 =	sshll.u32 s0, $0xA;
	s2 =	sadd.s32 s3, s2  }
0x8d: {  	s2 =	sadd.s32 s2, s17  }
0x8e: {  	[smem:$0x3FC4] =	sst s2  }
0x8f: {  	_ = 	snop  }
0x90: {  	(tm) =	ssettm $0x1  }
0x91: {  	s18 =	sld [smem:$0x3FFB];
	_ =	sdelay $0x3  }
0x92: {  	_ =	strace s18  }
0x93: {  	s2 =	sld [smem:$0x3FFC];
	_ =	sdelay $0x3  }
0x94: {  	_ =	strace s2  }
0x95: {  	s2 =	sld [smem:$0x3FFD];
	_ =	sdelay $0x3  }
0x96: {  	_ =	strace s2  }
0x97: {  	_ =	strace $0x8FFFFFFF  }
0x98: {  	s19 =	sld [smem:$0x3FDB];
	_ =	sdelay $0x1  }
0x99: {  	s20 =	simm.s32 $_scs_section_size  }
0x9a: {  	s4 =	simm.s32 $_size__tile_overlayer_lowered;
	s5 =	simm.s32 $_tile_overlayer_lowered  }
0x9b: {  	s6 =	simm.s32 $0x1BFF;
	s21 =	sshll.u32 s5, $0x1;
	s3 =	sadd.s32 s20, s19  }
0x9c: {  	s22 =	simm.s32 $0x0;
	s4 =	sshll.u32 s4, $0x1;
	s5 =	sadd.s32 s21, s3  }
0x9d: {  	[timem:s22], [sflag:s6] =	dma.local [hbm:s5], s4  }
0x9e: {  	_ =	swait.ge [sflag:s6], s4  }
0x9f: {  	s4 =	ssub.s32 $0x0, s4;
	[sflag:s6] =	ssyncset.done $0x0  }
0xa0: {  	[sflag:s6] =	ssyncadd.s32 s4;
	_ =	sdelay $0x1  }
0xa1: {  	s23 =	simm.s32 $0x1B8B  }
0xa2: {  	_ =	swait.ge [sflag:s23], $0x1  }
0xa3: {  	[sflag:s23] =	ssyncset.done $0x0  }
0xa4: {  	[sflag:s23] =	ssyncadd.s32 $0xFFFFFFFF  }
0xa5: {  	s4 =	sld [smem:$0x0]  }
0xa6: {  	s5 =	sand.u32 $0xFFFFFFFE, s1  }
0xa7: {  	p0 =	sne.s32 s1, s5  }
0xa8: {  	s5 =	sshll.u32 @p0 s5, $0xE  }
0xa9: {  	s5 =	sadd.s32 @p0 $0x11B8D, s5;
	s6 =	sshll.u32 @p0 s4, $0x11  }
0xaa: {  	s5 =	sor.u32 @p0 s6, s5  }
0xab: {  	[sflag:s5] =	ssyncadd.remote.s32 @p0 $0x1;
	_ =	sdelay $0x1  }
0xac: {  	s5 =	simm.s32 @p0 $0x1B8D  }
0xad: {  	_ =	swait.eq @p0 [sflag:s5], $0x1  }
0xae: {  	[sflag:s5] =	ssyncadd.s32 @p0 $0xFFFFFFFF  }
0xaf: {  	s6 =	sshll.u32 @!p0 s1, $0xE  }
0xb0: {  	s6 =	sor.u32 @!p0 $0x4000, s6;
	s5 =	simm.s32 @!p0 $0x1B8D  }
0xb1: {  	s4 =	sshll.u32 @!p0 s4, $0x11;
	s6 =	sadd.s32 @!p0 $0x11B8D, s6;
	_ =	swait.eq @!p0 [sflag:s5], $0x1  }
0xb2: {  	s4 =	sor.u32 @!p0 s4, s6;
	[sflag:s5] =	ssyncadd.s32 @!p0 $0xFFFFFFFF  }
0xb3: {  	s25 =	simm.s32 $0x1B8E;
	s24 =	sld [smem:$0x3FFE];
	[sflag:s4] =	ssyncadd.remote.s32 @!p0 $0x1  }
0xb4: {  	s26 =	simm.s32 $execute0_lowered;
	[smem:$0x3FD2] =	sst s25  }
0xb5: {  	s5 =	sshll.u32 s26, $0x1;
	_ =	strace $0x8000004F;
	[dreg:$0x1] =	wrdreg $0xFFFFFFFF  }
0xb6: {  	s28 =	simm.s32 $_size_execute0_lowered;
	s3 =	sadd.s32 s3, s5;
	[dreg:$0x0] =	wrdreg $0x0  }
0xb7: {  	s5 =	sshll.u32 s28, $0x1;
	[dreg:$0x2] =	wrdreg s3  }
0xb8: {  	[dreg:$0x3] =	wrdreg s5  }
0xb9: {  	[dreg:$0x4] =	wrdreg $0xC0  }
0xba: {  	_ =	task [dreg:s22], $0x5FFFF  }
0xbb: {  	[dreg:$0x1] =	wrdreg $0xFFFFFFFF  }
0xbc: {  	[dreg:$0x0] =	wrdreg $0x60  }
0xbd: {  	[dreg:$0x2] =	wrdreg s24  }
0xbe: {  	[dreg:$0x3] =	wrdreg $0xB4000  }
0xbf: {  	[dreg:$0x4] =	wrdreg $0x9  }
0xc0: {  	_ =	task.clear_ibuf [dreg:s22], $0x5FFFF;
	_ =	strace $0x9000004F  }
0xc1: {  	s29 =	simm.s32 $0x9;
	_ =	strace $0x80000051  }
0xc2: {  	_ =	swait.ge [sflag:s29], $0x1  }
0xc3: {  	[sflag:s29] =	ssyncadd.s32 $0xFFFFFFFF  }
0xc4: {  	_ =	strace $0x90000051  }
0xc5: {  	_ =	sfence  }
0xc6: {  	s30 =	sld [smem:$0x0];
	_ =	sdelay $0x2  }
0xc7: {  	s31 =	sshll.u32 s1, $0xD;
	s1 =	sshrl.u32 s1, $0x2  }
0xc8: {  	s4 =	sand.u32 $0x4000, s31;
	s1 =	sadd.s32 s1, s30  }
0xc9: {  	s0 =	sor.u32 s4, s0;
	s1 =	sshll.u32 s1, $0x11  }
0xca: {  	s0 =	sor.u32 s1, s0  }
0xcb: {  	s0 =	sadd.s32 $0x8F2B, s0  }
0xcc: {  	[sflag:s0] =	ssyncadd.remote.s32 $0x1  }
0xcd: {  	_ =	sfence.sel $0xFFFF  }
0xce: {  	[dreg:$0x0] =	wrdreg $0xFFFFFFFF;
	(pc) =	sbr.abs _section_cstart, $3  }
0xcf: {  	[dreg:$0x1] =	wrdreg $0xFFFFFFFF  }
0xd0: {  	_ =	task.clear_ibuf [dreg:s22], $0x2FFFF;
	_ =	strace $0x9FFFFFFF  }
0xd1: {  	(tm) =	ssettm $0x7FFFFFFF  }
tec
execute0_lowered:
.L_overlay_start_1:
0x0: {  	(tag) =	ssettag $0x1  }
0x1: {  	s0 =	stileid.u32;
	s4 =	rddreg [dreg:$0x0]  }
0x2: {  	s1 =	srdreg.scid;
	s2 =	rddreg [dreg:$0x1];
	s3 =	simm.s32 $0x0  }
0x3: {  	s18 =	simm.s32 $0x9400;
	s19 =	simm.s32 $0x1;
	s5 =	smul.u32 $0x26000, s0  }
0x4: {  	s20 =	simm.s32 $0x1400;
	s21 =	simm.s32 $0x80;
	s8 =	smul.u32 $0x14000, s0  }
0x5: {  	s22 =	simm.s32 $0x5400;
	s10 =	sand.u32 $0x1, s1;
	s30 =	smul.u32 $0x50000, s0  }
0x6: {  	s23 =	simm.s32 $0x0;
	s29 =	sshll.u32 s0, $0x1;
	s7 =	smul.u32 $0x140000, s10  }
0x7: {  	[smem:$0x7FF] =	sst s3;
	s1 =	sor.u32 s10, s29;
	s16 =	smul.u32 $0x13000, s10  }
0x8: {  	s31 =	ssub.s32 $0x2, s10;
	s6 =	smul.u32 $0x280, s1;
	s1 =	rddreg [dreg:$0x2]  }
0x9: {  	_ =	strace $0x80000050;
	s15 =	sadd.s32 s5, s4;
	s9 =	sshrl.u32 s31, $0x1  }
0xa: {  	s5 =	sshrl.u32 s30, $0x2;
	s7 =	sadd.s32 s8, s7;
	s8 =	ssub.s32 s31, s9  }
0xb: {  	s17 =	sadd.s32 s16, s15;
	s6 =	sadd.s32 s6, s4;
	s7 =	sshrl.u32 s7, $0x3  }
0xc: {  	s17 =	sadd.s32 $0x730000, s17;
	s7 =	sadd.s32 s7, s4;
	s4 =	sadd.s32 s5, s2  }
0xd: {  	s5 =	sadd.s32 $0x51400, s6;
	s6 =	sadd.s32 $0x56400, s7;
	s7 =	smax.u32 s8, $0x1  }
0xe: {  	s8 =	sadd.s32 $0x2000, s4;
	s9 =	sadd.s32 $0x4000, s4;
	s10 =	sadd.s32 $0x6000, s4  }
0xf: {  	s11 =	sadd.s32 $0x8000, s4;
	s12 =	sadd.s32 $0xA000, s4;
	s13 =	sadd.s32 $0xC000, s4  }
0x10: {  	v0 =	vimm.f32 $0.0e+00;
	s14 =	sadd.s32 $0xE000, s4;
	s15 =	sadd.s32 $0x10000, s4;
	s16 =	sadd.s32 $0x12000, s4  }
.LBB2_1:
0x11: {  	s24 =	simm.s32 $0x0;
	s25 =	simm.s32 $0x200  }
.LBB2_2:
0x12: {  	p0 =	sne.s32 s25, $0x7E00;
	[tilespmem:s24+$0x9470] =	vst v0  }
0x13: {  	[tilespmem:s24+$0x9400] =	vst v0  }
0x14: {  	[tilespmem:s24+$0x9410] =	vst v0  }
.Ltmp0:
0x15: {  	[tilespmem:s24+$0x9420] =	vst v0;
	(pc) =	sbr.rel @p0 .LBB2_2-.Ltmp0, $4  }
0x16: {  	[tilespmem:s24+$0x9430] =	vst v0  }
0x17: {  	[tilespmem:s24+$0x9440] =	vst v0  }
0x18: {  	[tilespmem:s24+$0x9450] =	vst v0  }
0x19: {  	[tilespmem:s24+$0x9460] =	vst v0;
	s24 =	sshra.s32 s25, $0x2;
	s25 =	sadd.s32 $0x200, s25  }
0x1a: {  	[tilespmem:s24+$0x9470] =	vst v0  }
0x1b: {  	[tilespmem:s24+$0x9400] =	vst v0  }
0x1c: {  	[tilespmem:s24+$0x9410] =	vst v0  }
0x1d: {  	[tilespmem:s24+$0x9420] =	vst v0  }
0x1e: {  	[tilespmem:s24+$0x9430] =	vst v0  }
0x1f: {  	[tilespmem:s24+$0x9440] =	vst v0  }
0x20: {  	[tilespmem:s24+$0x9450] =	vst v0  }
0x21: {  	[tilespmem:s24+$0x9460] =	vst v0  }
0x22: {  	[spmem:s4] =	stream.linear.scatter [tilespmem:s18], [sflag:$0x1], $0x2000, $0x38;
	[tilespmem:$0x1F400] =	vst v63  }
0x23: {  	_ =	swait.ge [sflag:s19], $0x2000  }
0x24: {  	[sflag:s19] =	ssyncset.done $0x0  }
0x25: {  	[sflag:s19] =	ssyncadd.s32 $0xFFFFE000  }
0x26: {  	[spmem:s8] =	stream.linear.scatter [tilespmem:s18], [sflag:$0x1], $0x2000, $0x38;
	[tilespmem:$0x1F400] =	vst v63  }
0x27: {  	_ =	swait.ge [sflag:s19], $0x2000  }
0x28: {  	[sflag:s19] =	ssyncset.done $0x0  }
0x29: {  	[sflag:s19] =	ssyncadd.s32 $0xFFFFE000  }
0x2a: {  	[spmem:s9] =	stream.linear.scatter [tilespmem:s18], [sflag:$0x1], $0x2000, $0x38;
	[tilespmem:$0x1F400] =	vst v63  }
0x2b: {  	_ =	swait.ge [sflag:s19], $0x2000  }
0x2c: {  	[sflag:s19] =	ssyncset.done $0x0  }
0x2d: {  	[sflag:s19] =	ssyncadd.s32 $0xFFFFE000  }
0x2e: {  	[spmem:s10] =	stream.linear.scatter [tilespmem:s18], [sflag:$0x1], $0x2000, $0x38;
	[tilespmem:$0x1F400] =	vst v63  }
0x2f: {  	_ =	swait.ge [sflag:s19], $0x2000  }
0x30: {  	[sflag:s19] =	ssyncset.done $0x0  }
0x31: {  	[sflag:s19] =	ssyncadd.s32 $0xFFFFE000  }
0x32: {  	[spmem:s11] =	stream.linear.scatter [tilespmem:s18], [sflag:$0x1], $0x2000, $0x38;
	[tilespmem:$0x1F400] =	vst v63  }
0x33: {  	_ =	swait.ge [sflag:s19], $0x2000  }
0x34: {  	[sflag:s19] =	ssyncset.done $0x0  }
0x35: {  	[sflag:s19] =	ssyncadd.s32 $0xFFFFE000  }
0x36: {  	[spmem:s12] =	stream.linear.scatter [tilespmem:s18], [sflag:$0x1], $0x2000, $0x38;
	[tilespmem:$0x1F400] =	vst v63  }
0x37: {  	_ =	swait.ge [sflag:s19], $0x2000  }
0x38: {  	[sflag:s19] =	ssyncset.done $0x0  }
0x39: {  	[sflag:s19] =	ssyncadd.s32 $0xFFFFE000  }
0x3a: {  	[spmem:s13] =	stream.linear.scatter [tilespmem:s18], [sflag:$0x1], $0x2000, $0x38;
	[tilespmem:$0x1F400] =	vst v63  }
0x3b: {  	_ =	swait.ge [sflag:s19], $0x2000  }
0x3c: {  	[sflag:s19] =	ssyncset.done $0x0  }
0x3d: {  	[sflag:s19] =	ssyncadd.s32 $0xFFFFE000  }
0x3e: {  	[spmem:s14] =	stream.linear.scatter [tilespmem:s18], [sflag:$0x1], $0x2000, $0x38;
	[tilespmem:$0x1F400] =	vst v63  }
0x3f: {  	_ =	swait.ge [sflag:s19], $0x2000  }
0x40: {  	[sflag:s19] =	ssyncset.done $0x0  }
0x41: {  	[sflag:s19] =	ssyncadd.s32 $0xFFFFE000  }
0x42: {  	[spmem:s15] =	stream.linear.scatter [tilespmem:s18], [sflag:$0x1], $0x2000, $0x38;
	[tilespmem:$0x1F400] =	vst v63  }
0x43: {  	_ =	swait.ge [sflag:s19], $0x2000  }
0x44: {  	[sflag:s19] =	ssyncset.done $0x0  }
0x45: {  	[sflag:s19] =	ssyncadd.s32 $0xFFFFE000  }
0x46: {  	[spmem:s16] =	stream.linear.scatter [tilespmem:s18], [sflag:$0x1], $0x2000, $0x38;
	[tilespmem:$0x1F400] =	vst v63  }
0x47: {  	_ =	swait.ge [sflag:s19], $0x2000  }
0x48: {  	[sflag:s19] =	ssyncset.done $0x0  }
0x49: {  	s28 =	simm.s32 $0x0;
	[sflag:s19] =	ssyncadd.s32 $0xFFFFE000  }
0x4a: {  	[tilespmem:s28], [sflag:$0x1] =	stream.linear.gather [hbm4b:s5+s28], $0x1300, $0x38;
	[tilespmem:$0x1F400] =	vst v63  }
0x4b: {  	_ =	swait.ge [sflag:s19], $0x1300  }
0x4c: {  	[sflag:s19] =	ssyncset.done $0x0  }
0x4d: {  	[sflag:s19] =	ssyncadd.s32 $0xFFFFED00  }
0x4e: {  	s29 =	sadd.s32 $0x0, s17;
	[bflag:$0x0] =	sbarrier.arrive $0xFFFF  }
0x4f: {  	[tilespmem:s20], [sflag:$0x1] =	stream.linear.gather [hbm4b:s29+s3], $0x8000, $0x38;
	[tilespmem:$0x1F400] =	vst v63  }
0x50: {  	_ =	swait.ge [sflag:s19], $0x8000  }
0x51: {  	[sflag:s19] =	ssyncset.done $0x0  }
0x52: {  	s30 =	simm.s32 $0x0;
	[sflag:s19] =	ssyncadd.s32 $0xFFFF8000  }
0x53: {  	[spmem:s2] =	stream.indirect.scatter.add.f32 [tilespmem:s20], [sflag:$0x1], $0x80, s30, s21, $0xb8;
	[tilespmem:$0x1F400] =	vst v63  }
0x54: {  	_ =	swait.ge [sflag:s19], $0x4000  }
0x55: {  	[sflag:s19] =	ssyncset.done $0x0  }
0x56: {  	s31 =	simm.s32 $0x80;
	[sflag:s19] =	ssyncadd.s32 $0xFFFFC000  }
0x57: {  	[spmem:s2] =	stream.indirect.scatter.add.f32 [tilespmem:s22], [sflag:$0x1], $0x80, s31, s21, $0xb8;
	[tilespmem:$0x1F400] =	vst v63  }
0x58: {  	s25 =	simm.s32 $0x1000;
	_ =	swait.ge [sflag:s19], $0x4000  }
0x59: {  	s26 =	simm.s32 $0x2000;
	s24 =	simm.s32 $0x180;
	[sflag:s19] =	ssyncset.done $0x0  }
.LBB2_4:
0x5a: {  	s28 =	sadd.s32 s25, s17  }
0x5b: {  	[sflag:s19] =	ssyncadd.s32 $0xFFFFC000;
	s25 =	smov.u32 s26;
	s29 =	sadd.s32 $0x1000, s26  }
0x5c: {  	[tilespmem:s20], [sflag:$0x1] =	stream.linear.gather [hbm4b:s28+s3], $0x8000, $0x38;
	[tilespmem:$0x1F400] =	vst v63  }
0x5d: {  	p0 =	sne.s32 s26, $0x12000;
	_ =	swait.ge [sflag:s19], $0x8000  }
0x5e: {  	[sflag:s19] =	ssyncset.done $0x0  }
0x5f: {  	s26 =	sadd.s32 $0xFFFFFF80, s24;
	[sflag:s19] =	ssyncadd.s32 $0xFFFF8000  }
0x60: {  	[spmem:s2] =	stream.indirect.scatter.add.f32 [tilespmem:s20], [sflag:$0x1], $0x80, s26, s21, $0xb8;
	[tilespmem:$0x1F400] =	vst v63  }
0x61: {  	_ =	swait.ge [sflag:s19], $0x4000  }
.Ltmp1:
0x62: {  	[sflag:s19] =	ssyncset.done $0x0;
	(pc) =	sbr.rel @p0 .LBB2_4-.Ltmp1, $4  }
0x63: {  	[sflag:s19] =	ssyncadd.s32 $0xFFFFC000  }
0x64: {  	[spmem:s2] =	stream.indirect.scatter.add.f32 [tilespmem:s22], [sflag:$0x1], $0x80, s24, s21, $0xb8;
	[tilespmem:$0x1F400] =	vst v63  }
0x65: {  	_ =	swait.ge [sflag:s19], $0x4000  }
0x66: {  	s26 =	smov.u32 s29;
	s24 =	sadd.s32 $0x100, s24;
	[sflag:s19] =	ssyncset.done $0x0  }
0x67: {  	s25 =	sadd.s32 s25, s17;
	[sflag:s19] =	ssyncadd.s32 $0xFFFFC000  }
0x68: {  	[tilespmem:s20], [sflag:$0x1] =	stream.linear.gather [hbm4b:s25+s3], $0x8000, $0x38;
	[tilespmem:$0x1F400] =	vst v63  }
0x69: {  	_ =	swait.ge [sflag:s19], $0x8000  }
0x6a: {  	[sflag:s19] =	ssyncset.done $0x0  }
0x6b: {  	s29 =	sadd.s32 $0xFFFFFF80, s24;
	[sflag:s19] =	ssyncadd.s32 $0xFFFF8000  }
0x6c: {  	[spmem:s2] =	stream.indirect.scatter.add.f32 [tilespmem:s20], [sflag:$0x1], $0x80, s29, s21, $0xb8;
	[tilespmem:$0x1F400] =	vst v63  }
0x6d: {  	_ =	swait.ge [sflag:s19], $0x4000  }
0x6e: {  	[sflag:s19] =	ssyncset.done $0x0  }
0x6f: {  	[sflag:s19] =	ssyncadd.s32 $0xFFFFC000  }
0x70: {  	[spmem:s2] =	stream.indirect.scatter.add.f32 [tilespmem:s22], [sflag:$0x1], $0x80, s24, s21, $0xb8;
	[tilespmem:$0x1F400] =	vst v63  }
0x71: {  	_ =	swait.ge [sflag:s19], $0x4000  }
0x72: {  	s30 =	sshll.u32 s0, $0x6;
	s23 =	sadd.s32 $0x1, s23;
	[sflag:s19] =	ssyncset.done $0x0  }
0x73: {  	s31 =	sshrl.u32 s4, $0x3;
	p0 =	sne.s32 s23, s7;
	[sflag:s19] =	ssyncadd.s32 $0xFFFFC000  }
.Ltmp2:
0x74: {  	s24 =	sor.u32 $0x1C01, s30;
	[bflag:$0x0] =	sbarrier.arrive $0xFFFF;
	(pc) =	sbr.rel @p0 .LBB2_1-.Ltmp2, $4  }
0x75: {  	[hbm:s6], [sflag:s24] =	dma.local [spmem:s31], $0x2800  }
0x76: {  	_ =	swait.ge [sflag:s19], $0x2800  }
0x77: {  	[sflag:s19] =	ssyncset.done $0x0  }
0x78: {  	[sflag:s19] =	ssyncadd.s32 $0xFFFFD800  }
0x79: {  	_ =	sfence.sel $0x180000  }
0x7a: {  	[bflag:$0x0] =	sbarrier.arrive $0xFFFF  }
0x7b: {  	p0 =	sne.s32 s0, $0x0;
	_ =	strace $0x90000050  }
0x7c: {  	s0 =	sadd.s32 @!p0 $0x100000, s1;
	[bflag:$0x2] =	sbarrier.arrive $0xFFFF  }
0x7d: {  	[sflag:s0] =	ssyncadd.tile.s32 @!p0 $0x1;
	_ =	shalt  }
.Lfunc_end2:
_tile_overlayer_lowered:
.L_overlay_start_2:
0x7e: {  	(tag) =	ssettag $0x2  }
0x7f: {  	s0 =	rddreg [dreg:$0x0];
	s2 =	stileid.u32  }
0x80: {  	s1 =	rddreg [dreg:$0x1];
	p0 =	sne.s32 s2, $0x0  }
0x81: {  	s3 =	rddreg [dreg:$0x2];
	[bflag:$0x3] =	sbarrier.arrive $0xFFFF;
	s2 =	simm.s32 @!p0 $0x1C01  }
0x82: {  	[timem:s3], [sflag:s2] =	dma.local @!p0 [hbm:s0], s1  }
0x83: {  	s0 =	simm.s32 @!p0 $0x1  }
0x84: {  	_ =	swait.ge @!p0 [sflag:s0], s1  }
0x85: {  	s1 =	ssub.s32 @!p0 $0x0, s1;
	[sflag:s0] =	ssyncset.done @!p0 $0x0  }
0x86: {  	[sflag:s0] =	ssyncadd.s32 @!p0 s1  }
0x87: {  	[bflag:$0x3] =	sbarrier.arrive $0xFFFF  }
0x88: {  	_ =	shalt  }

</sc_bundles>
